<compile_context>
chip_gen: v7x
topology: tpu7x:2x2x1
jax: 0.10.2.dev20260603
libtpu: 0.0.44.dev20260713+nightly
codegen_flags: <defaults>
</compile_context>

<pallas_src>
import functools

import jax
import jax.numpy as jnp
from jax import lax
from jax.experimental import pallas as pl
from jax.experimental.pallas import tpu as pltpu
from jax.experimental.pallas import tpu_sc as plsc

N = 50000
IN_DIM = 1024
D = 512
H = 8
HD = D // H
NT = 6
KK = N // 10
TILE = 2000
NTILES = N // TILE
CHUNK = 1024
NPAD = 5120
NCHUNK = NPAD // CHUNK
NWORK = 32
GROWS = NT * NPAD // NWORK
GCH = 120
NREG = N // 16
_SC_MESH = lambda: plsc.VectorSubcoreMesh(core_axis_name="c",
                                          subcore_axis_name="s")


def _blockdiag(dtype=jnp.float32):
    r = jax.lax.broadcasted_iota(jnp.int32, (H, D), 0)
    c = jax.lax.broadcasted_iota(jnp.int32, (H, D), 1)
    return (c // HD == r).astype(dtype)


def _ln_rows(o, g, b):
    mu = jnp.mean(o, axis=1, keepdims=True)
    va = jnp.mean((o - mu) ** 2, axis=1, keepdims=True)
    return (o - mu) / jnp.sqrt(va + 1e-6) * g + b


def _prep_body(protos_ref, Wp_ref, bp_ref, Wq_ref, bq_ref, pp_ref, qsel_ref):
    pp = protos_ref[0] @ Wp_ref[...] + bp_ref[...]
    qsel = pp @ Wq_ref[...] + bq_ref[...]
    pp_ref[...] = pp
    qsel_ref[...] = qsel


def _prep(protos, Wp, bp, Wq, bq):
    return pl.pallas_call(
        _prep_body,
        out_shape=[jax.ShapeDtypeStruct((NT, D), jnp.float32)] * 2,
    )(protos, Wp, bp, Wq, bq)


def _feat_body(x_ref, Wfe_ref, bfe_ref, g_ref, b_ref, Wk_ref, bk_ref,
               qsel_ref, feat_ref, sc_ref, fs_ref):
    i = pl.program_id(0)
    h = jnp.maximum(x_ref[...] @ Wfe_ref[...] + bfe_ref[...], 0.0)
    f = _ln_rows(h, g_ref[...], b_ref[...])
    feat_ref[...] = f
    kp = f @ Wk_ref[...] + bk_ref[...]
    sc_ref[0] = jax.lax.dot_general(
        qsel_ref[...], kp, (((1,), (1,)), ((), ()))) * (1.0 / 64.0)

    @pl.when(i == 0)
    def _():
        fs_ref[...] = jnp.zeros_like(fs_ref)

    fs_ref[...] += jnp.sum(f, axis=0, keepdims=True)


def _feat(x, Wfe, bfe, g, b, Wk, bk, qsel):
    return pl.pallas_call(
        _feat_body,
        grid=(NTILES,),
        in_specs=[
            pl.BlockSpec((TILE, IN_DIM), lambda i: (i, 0)),
            pl.BlockSpec((IN_DIM, D), lambda i: (0, 0)),
            pl.BlockSpec((1, D), lambda i: (0, 0)),
            pl.BlockSpec((1, D), lambda i: (0, 0)),
            pl.BlockSpec((1, D), lambda i: (0, 0)),
            pl.BlockSpec((D, D), lambda i: (0, 0)),
            pl.BlockSpec((1, D), lambda i: (0, 0)),
            pl.BlockSpec((NT, D), lambda i: (0, 0)),
        ],
        out_specs=[
            pl.BlockSpec((TILE, D), lambda i: (i, 0)),
            pl.BlockSpec((1, NT, TILE), lambda i: (i, 0, 0)),
            pl.BlockSpec((1, D), lambda i: (0, 0)),
        ],
        out_shape=[
            jax.ShapeDtypeStruct((N, D), jnp.float32),
            jax.ShapeDtypeStruct((NTILES, NT, TILE), jnp.float32),
            jax.ShapeDtypeStruct((1, D), jnp.float32),
        ],
    )(x, Wfe, bfe, g, b, Wk, bk, qsel)


def _thr_body(sc_ref, thr_ref, need_ref):
    s = sc_ref[...]
    u = jax.lax.bitcast_convert_type(s, jnp.int32)
    v = u ^ ((u >> 31) & jnp.int32(0x7FFFFFFF))
    cnt0 = jnp.sum((v >= 0).astype(jnp.int32), axis=(0, 2), keepdims=True)
    t = jnp.where(cnt0 >= KK, jnp.int32(0), jnp.int32(-2147483648))
    t = jnp.broadcast_to(t, (1, NT, 1))
    for b in range(30, -1, -1):
        cand = t | jnp.int32(1 << b)
        cnt = jnp.sum((v >= cand).astype(jnp.int32), axis=(0, 2),
                      keepdims=True)
        t = jnp.where(cnt >= KK, cand, t)
    cgt = jnp.sum((v > t).astype(jnp.int32), axis=(0, 2), keepdims=True)
    thr_ref[...] = jnp.broadcast_to(t.reshape(NT, 1), (NT, 16))
    need_ref[...] = jnp.broadcast_to((KK - cgt).reshape(NT, 1), (NT, 16))


def _thr(scores):
    return pl.pallas_call(
        _thr_body,
        out_shape=[
            jax.ShapeDtypeStruct((NT, 16), jnp.int32),
            jax.ShapeDtypeStruct((NT, 16), jnp.int32),
        ],
    )(scores)



def _compact_body(sc_hbm, thr_hbm, need_hbm, idx_hbm,
                  buf, obuf, thr_v, need_v):
    wid = lax.axis_index("s") * 2 + lax.axis_index("c")

    @pl.when(wid < NT)
    def _():
        t = wid
        pltpu.sync_copy(thr_hbm.at[pl.ds(t * 16, 16)], thr_v)
        pltpu.sync_copy(need_hbm.at[pl.ds(t * 16, 16)], need_v)
        pltpu.sync_copy(sc_hbm.at[pl.ds(t * N, N)], buf)

        def zero_body(j, carry):
            obuf[pl.ds(j * 16, 16)] = jnp.zeros((16,), jnp.int32)
            return carry

        lax.fori_loop(0, NPAD // 16, zero_body, 0)
        tvec = thr_v[...]
        nvec = need_v[...]

        @plsc.parallel_loop(0, NREG, unroll=8,
                            carry=(jnp.int32(0), jnp.int32(0)))
        def body(i, carry):
            off, eq_off = carry
            u = buf[pl.ds(i * 16, 16)]
            v = u ^ ((u >> 31) & jnp.int32(0x7FFFFFFF))
            gt = v > tvec
            eq = v == tvec
            eqi = eq.astype(jnp.int32)
            pre = plsc.cumsum(eqi)
            eqo = jax.lax.broadcast(eq_off, (16,))
            sel_eq = eq & ((pre + eqo) <= nvec)
            m = gt | sel_eq
            mi = m.astype(jnp.int32)
            cm = plsc.cumsum(mi)
            idxv = jax.lax.broadcast(i * 16, (16,)) + lax.iota(jnp.int32, 16)
            pos = jnp.where(
                m,
                jax.lax.broadcast(off, (16,)) + cm - 1,
                jax.lax.broadcast(NPAD, (16,)) + lax.iota(jnp.int32, 16))
            plsc.store_scatter(obuf, [pos], idxv)
            return (off + jnp.sum(mi), eq_off + jnp.sum(eqi))
        pltpu.sync_copy(obuf.at[pl.ds(0, NPAD)],
                        idx_hbm.at[pl.ds(t * NPAD, NPAD)])


def _compact(scores_flat, thr_flat, need_flat):
    return pl.kernel(
        _compact_body,
        out_type=jax.ShapeDtypeStruct((NT * NPAD,), jnp.int32),
        mesh=_SC_MESH(),
        compiler_params=pltpu.CompilerParams(needs_layout_passes=False),
        scratch_types=[
            pltpu.VMEM((N,), jnp.int32),
            pltpu.VMEM((NPAD + 16,), jnp.int32),
            pltpu.VMEM((16,), jnp.int32),
            pltpu.VMEM((16,), jnp.int32),
        ],
    )(scores_flat, thr_flat, need_flat)


def _gather_body(feat_hbm, idx_hbm, out_hbm, idx_v, rows0, rows1, sem0, sem1):
    wid = lax.axis_index("s") * 2 + lax.axis_index("c")
    base = wid * GROWS
    pltpu.sync_copy(idx_hbm.at[pl.ds(base, GROWS)], idx_v)
    nch = GROWS // GCH
    bufs = (rows0, rows1)
    sems = (sem0, sem1)
    pend = [None, None]
    pend[0] = pltpu.async_copy(
        feat_hbm.at[idx_v.at[pl.ds(0, GCH)]], rows0, sem0)
    for j in range(nch):
        if j + 1 < nch:
            pend[(j + 1) % 2] = pltpu.async_copy(
                feat_hbm.at[idx_v.at[pl.ds((j + 1) * GCH, GCH)]],
                bufs[(j + 1) % 2], sems[(j + 1) % 2])
        pend[j % 2].wait()
        pltpu.sync_copy(bufs[j % 2], out_hbm.at[pl.ds(base + j * GCH, GCH)])


def _gather(feat, idxf):
    return pl.kernel(
        _gather_body,
        out_type=jax.ShapeDtypeStruct((NT * NPAD, D), jnp.float32),
        mesh=_SC_MESH(),
        compiler_params=pltpu.CompilerParams(needs_layout_passes=False),
        scratch_types=[
            pltpu.VMEM((GROWS,), jnp.int32),
            pltpu.VMEM((GCH, D), jnp.float32),
            pltpu.VMEM((GCH, D), jnp.float32),
            pltpu.SemaphoreType.DMA,
            pltpu.SemaphoreType.DMA,
        ],
    )(feat, idxf)


def _tok_body(g3_ref, pp_ref, Wq_ref, bq_ref, Wk_ref, bk_ref, Wv_ref, bv_ref,
              Wo_ref, bo_ref, g_ref, bn_ref, Wc_ref, bc_ref,
              tf_ref, tl_ref, lst, vst):
    c = pl.program_id(1)

    @pl.when(c < NCHUNK)
    def _():
        sel = g3_ref[0]
        q = pp_ref[0] @ Wq_ref[0] + bq_ref[0]
        kk_ = sel @ Wk_ref[0] + bk_ref[0]
        vv = sel @ Wv_ref[0] + bv_ref[0]
        l8 = jax.lax.dot_general(kk_ * q, _blockdiag(),
                                 (((1,), (1,)), ((), ()))) * (1.0 / 8.0)
        row = c * CHUNK + jax.lax.broadcasted_iota(jnp.int32, (CHUNK, H), 0)
        l8 = jnp.where(row < KK, l8, -1e30)
        lst[pl.ds(c * CHUNK, CHUNK), :] = l8
        vst[pl.ds(c * CHUNK, CHUNK), :] = vv

    @pl.when(c == NCHUNK)
    def _():
        l8 = lst[...]
        m = jnp.max(l8, axis=0, keepdims=True)
        e = jnp.exp(l8 - m)
        z = jnp.sum(e, axis=0, keepdims=True)
        p = e / z
        pexp = p @ _blockdiag()
        comb = jnp.sum(pexp * vst[...], axis=0, keepdims=True)
        o = comb @ Wo_ref[0] + bo_ref[0]
        of = _ln_rows(o, g_ref[0], bn_ref[0])
        tf_ref[0] = of
        tl_ref[0] = of @ Wc_ref[0] + bc_ref[0]


def _tok(g3, pp, tWq, tbq, tWk, tbk, tWv, tbv, tWo, tbo, tg, tbn, Wc, bc):
    per_tok_mat = pl.BlockSpec((1, D, D), lambda t, c: (t, 0, 0))
    per_tok_vec = pl.BlockSpec((1, 1, D), lambda t, c: (t, 0, 0))
    return pl.pallas_call(
        _tok_body,
        grid=(NT, NCHUNK + 1),
        in_specs=[
            pl.BlockSpec((1, CHUNK, D),
                         lambda t, c: (t, jnp.minimum(c, NCHUNK - 1), 0)),
            per_tok_vec,
            per_tok_mat, per_tok_vec,
            per_tok_mat, per_tok_vec,
            per_tok_mat, per_tok_vec,
            per_tok_mat, per_tok_vec,
            per_tok_vec, per_tok_vec,
            pl.BlockSpec((1, D, 128), lambda t, c: (t, 0, 0)),
            pl.BlockSpec((1, 1, 128), lambda t, c: (t, 0, 0)),
        ],
        out_specs=[
            pl.BlockSpec((1, 1, D), lambda t, c: (t, 0, 0)),
            pl.BlockSpec((1, 1, 128), lambda t, c: (t, 0, 0)),
        ],
        out_shape=[
            jax.ShapeDtypeStruct((NT, 1, D), jnp.float32),
            jax.ShapeDtypeStruct((NT, 1, 128), jnp.float32),
        ],
        scratch_shapes=[
            pltpu.VMEM((NPAD, H), jnp.float32),
            pltpu.VMEM((NPAD, D), jnp.float32),
        ],
    )(g3, pp, tWq, tbq, tWk, tbk, tWv, tbv, tWo, tbo, tg, tbn, Wc, bc)


def _agg_body(tf_ref, qsel_ref, fs_ref, Wk_ref, bk_ref, Wv_ref, bv_ref,
              Wo_ref, bo_ref, g_ref, bn_ref, Ws_ref, bs_ref, out_ref):
    E_ = _blockdiag()
    ksum = fs_ref[...] @ Wk_ref[...] + N * bk_ref[...]
    tmp = qsel_ref[...] * ksum
    msel = jax.lax.dot_general(tmp, E_, (((1,), (1,)), ((), ()))) * (
        1.0 / (HD ** 0.5) / N)
    mmax = jnp.max(msel, axis=0, keepdims=True)
    e = jnp.exp(msel - mmax)
    w = e / jnp.sum(e, axis=0, keepdims=True)
    vp = tf_ref[...] @ Wv_ref[...] + bv_ref[...]
    wexp = w @ E_
    comb = jnp.sum(wexp * vp, axis=0, keepdims=True)
    o = comb @ Wo_ref[...] + bo_ref[...]
    of = _ln_rows(o, g_ref[...], bn_ref[...])
    out_ref[...] = of @ Ws_ref[...] + bs_ref[...]


def _agg(tf, qsel, fs, Wk, bk, Wv, bv, Wo, bo, g, bn, Ws, bs):
    return pl.pallas_call(
        _agg_body,
        out_shape=jax.ShapeDtypeStruct((1, 128), jnp.float32),
    )(tf, qsel, fs, Wk, bk, Wv, bv, Wo, bo, g, bn, Ws, bs)


def kernel(x, W_fe, b_fe, g_norm, bn_norm, W_proj, b_proj, prototypes,
           sel_Wq, sel_bq, sel_Wk, sel_bk, sel_Wv, sel_bv, sel_Wo, sel_bo,
           sel_g, sel_bn,
           tok_Wq, tok_bq, tok_Wk, tok_bk, tok_Wv, tok_bv, tok_Wo, tok_bo,
           tok_g, tok_bn,
           agg_Wv, agg_bv, agg_Wo, agg_bo, agg_g, agg_bn,
           tok_cls_W, tok_cls_b, slide_W, slide_b):
    r2 = lambda a: a.reshape(1, -1)

    pp, qsel = _prep(prototypes, W_proj, r2(b_proj), sel_Wq, r2(sel_bq))
    feat, scores3, fs = _feat(x, W_fe, r2(b_fe), r2(g_norm), r2(bn_norm),
                              sel_Wk, r2(sel_bk), qsel)
    thr, need = _thr(scores3)
    scores_i = jax.lax.bitcast_convert_type(scores3, jnp.int32)
    scf = scores_i.transpose(1, 0, 2).reshape(NT * N)
    idx = _compact(scf, thr.reshape(-1), need.reshape(-1))
    g3 = _gather(feat, idx).reshape(NT, NPAD, D)

    Wc = jnp.pad(tok_cls_W, ((0, 0), (0, 0), (0, 126)))
    bc = jnp.pad(tok_cls_b, ((0, 0), (0, 126))).reshape(NT, 1, 128)
    r3 = lambda a: a.reshape(NT, 1, D)
    tf, tl = _tok(g3, pp.reshape(NT, 1, D), tok_Wq, r3(tok_bq), tok_Wk,
                  r3(tok_bk), tok_Wv, r3(tok_bv), tok_Wo, r3(tok_bo),
                  r3(tok_g), r3(tok_bn), Wc, bc)

    Ws = jnp.pad(slide_W, ((0, 0), (0, 126)))
    bs = jnp.pad(r2(slide_b), ((0, 0), (0, 126)))
    sl = _agg(tf.reshape(NT, D), qsel, fs, sel_Wk, r2(sel_bk), agg_Wv,
              r2(agg_bv), agg_Wo, r2(agg_bo), r2(agg_g), r2(agg_bn), Ws, bs)

    return sl[:, :2], tl.reshape(NT, 128)[:, :2].reshape(NT, 1, 2)

# --- scband reference (transcript-rebuilt; emitter-appended) ---
"""Pipeline reference for scband-lpgmil-31112743092869 (READ-ONLY COPY).

The authoritative reference and input builder live on the scoring server;
editing this copy changes nothing except your own understanding.
"""

import jax, jax.numpy as jnp
import numpy as np

N = 50000
IN_DIM = 1024
D = 512
H = 8
NT = 6
TOPK_RATE = 10


def _ln(x, g, b, eps=1e-6):
    m = jnp.mean(x, axis=-1, keepdims=True)
    v = jnp.mean((x - m) ** 2, axis=-1, keepdims=True)
    return (x - m) / jnp.sqrt(v + eps) * g + b


def _mha(q, k, v, Wq, bq, Wk, bk, Wv, bv, Wo, bo, g, bn):
    # eval mode: dropout = identity, no topk masking
    B, Lq, Dm = q.shape
    Lk = k.shape[1]
    hd = Dm // H
    qp = (q @ Wq + bq).reshape(B, Lq, H, hd).transpose(0, 2, 1, 3)
    kp = (k @ Wk + bk).reshape(B, Lk, H, hd).transpose(0, 2, 1, 3)
    vp = (v @ Wv + bv).reshape(B, Lk, H, hd).transpose(0, 2, 1, 3)
    aw = qp @ kp.transpose(0, 1, 3, 2) / jnp.sqrt(jnp.float32(hd))
    probs = jax.nn.softmax(aw, axis=-1)
    out = (probs @ vp).transpose(0, 2, 1, 3).reshape(B, Lq, Dm)
    out = _ln(out @ Wo + bo, g, bn)
    feat = out[:, 0, :] if Lq == 1 else out  # torch .squeeze(1)
    return feat, aw[0]


def _forward(x, W_fe, b_fe, g_norm, bn_norm, W_proj, b_proj, prototypes,
             sel_Wq, sel_bq, sel_Wk, sel_bk, sel_Wv, sel_bv, sel_Wo, sel_bo, sel_g, sel_bn,
             tok_Wq, tok_bq, tok_Wk, tok_bk, tok_Wv, tok_bv, tok_Wo, tok_bo, tok_g, tok_bn,
             agg_Wv, agg_bv, agg_Wo, agg_bo, agg_g, agg_bn,
             tok_cls_W, tok_cls_b, slide_W, slide_b):
    n = x.shape[0]
    xb = x[None]  # [1, N, IN_DIM]
    feat = jax.nn.relu(xb @ W_fe + b_fe)      # feature_extractor
    feat = _ln(feat, g_norm, bn_norm)          # self.norm
    protos = prototypes @ W_proj + b_proj      # projection 1024->512, [1, 6, 512]
    _, sel_attn = _mha(protos, feat, feat, sel_Wq, sel_bq, sel_Wk, sel_bk,
                       sel_Wv, sel_bv, sel_Wo, sel_bo, sel_g, sel_bn)  # attn [8, 6, N]
    scores = jnp.mean(sel_attn, axis=0)        # [6, N]
    kk = n // TOPK_RATE
    _, topk_idx = jax.lax.top_k(scores, kk)    # [6, kk]
    token_feats = []
    token_logits = []
    for i in range(NT):
        sel = feat[:, topk_idx[i], :]          # gather selected patches [1, kk, 512]
        qi = protos[:, i:i + 1, :]
        tf, _ = _mha(qi, sel, sel, tok_Wq[i], tok_bq[i], tok_Wk[i], tok_bk[i],
                     tok_Wv[i], tok_bv[i], tok_Wo[i], tok_bo[i], tok_g[i], tok_bn[i])  # [1, 512]
        token_feats.append(tf)
        token_logits.append(tf @ tok_cls_W[i] + tok_cls_b[i])
    tokens = jnp.stack(token_feats, axis=1)    # [1, 6, 512]
    # bag attention (Aggratt) with per-head token weights pooled from selector attention
    w = jax.nn.softmax(jnp.mean(sel_attn, axis=-1), axis=-1)[None, :, None, :]  # [1, 8, 1, 6]
    hd = D // H
    vp = (tokens @ agg_Wv + agg_bv).reshape(1, NT, H, hd).transpose(0, 2, 1, 3)
    weighted = w @ vp                          # [1, 8, 1, hd]
    combined = weighted.transpose(0, 2, 1, 3).reshape(1, 1, D)
    out = _ln(combined @ agg_Wo + agg_bo, agg_g, agg_bn)
    slide_feat = out[:, 0, :]                  # squeeze(1) since tgt_len == 1
    slide_logits = slide_feat @ slide_W + slide_b
    return slide_logits, jnp.stack(token_logits, axis=0)


def setup_inputs(seed: int = 0):
    key = jax.random.key(seed)
    ks = iter(jax.random.split(key, 64))

    def nrm(shape, s=0.02):
        return jax.random.normal(next(ks), shape, dtype=jnp.float32) * s

    inp = {}
    inp['x'] = jax.random.normal(next(ks), (N, IN_DIM), dtype=jnp.float32)
    inp['W_fe'] = nrm((IN_DIM, D)); inp['b_fe'] = jnp.zeros((D,), jnp.float32)
    inp['g_norm'] = jnp.ones((D,), jnp.float32); inp['bn_norm'] = jnp.zeros((D,), jnp.float32)
    inp['W_proj'] = nrm((1024, D)); inp['b_proj'] = jnp.zeros((D,), jnp.float32)
    inp['prototypes'] = nrm((1, NT, 1024))
    inp['sel_Wq'] = nrm((D, D)); inp['sel_bq'] = jnp.zeros((D,), jnp.float32)
    inp['sel_Wk'] = nrm((D, D)); inp['sel_bk'] = jnp.zeros((D,), jnp.float32)
    inp['sel_Wv'] = nrm((D, D)); inp['sel_bv'] = jnp.zeros((D,), jnp.float32)
    inp['sel_Wo'] = nrm((D, D)); inp['sel_bo'] = jnp.zeros((D,), jnp.float32)
    inp['sel_g'] = jnp.ones((D,), jnp.float32); inp['sel_bn'] = jnp.zeros((D,), jnp.float32)
    inp['tok_Wq'] = nrm((NT, D, D)); inp['tok_bq'] = jnp.zeros((NT, D), jnp.float32)
    inp['tok_Wk'] = nrm((NT, D, D)); inp['tok_bk'] = jnp.zeros((NT, D), jnp.float32)
    inp['tok_Wv'] = nrm((NT, D, D)); inp['tok_bv'] = jnp.zeros((NT, D), jnp.float32)
    inp['tok_Wo'] = nrm((NT, D, D)); inp['tok_bo'] = jnp.zeros((NT, D), jnp.float32)
    inp['tok_g'] = jnp.ones((NT, D), jnp.float32); inp['tok_bn'] = jnp.zeros((NT, D), jnp.float32)
    inp['agg_Wv'] = nrm((D, D)); inp['agg_bv'] = jnp.zeros((D,), jnp.float32)
    inp['agg_Wo'] = nrm((D, D)); inp['agg_bo'] = jnp.zeros((D,), jnp.float32)
    inp['agg_g'] = jnp.ones((D,), jnp.float32); inp['agg_bn'] = jnp.zeros((D,), jnp.float32)
    inp['tok_cls_W'] = nrm((NT, D, 2)); inp['tok_cls_b'] = jnp.zeros((NT, 2), jnp.float32)
    inp['slide_W'] = nrm((D, 2)); inp['slide_b'] = jnp.zeros((2,), jnp.float32)
    return inp


def reference(x, W_fe, b_fe, g_norm, bn_norm, W_proj, b_proj, prototypes,
              sel_Wq, sel_bq, sel_Wk, sel_bk, sel_Wv, sel_bv, sel_Wo, sel_bo, sel_g, sel_bn,
              tok_Wq, tok_bq, tok_Wk, tok_bk, tok_Wv, tok_bv, tok_Wo, tok_bo, tok_g, tok_bn,
              agg_Wv, agg_bv, agg_Wo, agg_bo, agg_g, agg_bn,
              tok_cls_W, tok_cls_b, slide_W, slide_b):
    return _forward(x, W_fe, b_fe, g_norm, bn_norm, W_proj, b_proj, prototypes,
                    sel_Wq, sel_bq, sel_Wk, sel_bk, sel_Wv, sel_bv, sel_Wo, sel_bo, sel_g, sel_bn,
                    tok_Wq, tok_bq, tok_Wk, tok_bk, tok_Wv, tok_bv, tok_Wo, tok_bo, tok_g, tok_bn,
                    agg_Wv, agg_bv, agg_Wo, agg_bo, agg_g, agg_bn,
                    tok_cls_W, tok_cls_b, slide_W, slide_b)

if __name__ == "__main__":
    import jax
    _d = setup_inputs()
    print(jax.jit(kernel)(*tuple(_d.values())))

</pallas_src>

<mosaic_0001>
#map = affine_map<(d0, d1) -> (0, 0)>
#map1 = affine_map<(d0, d1) -> (0)>
module attributes {stable_mosaic.version = 14 : i64} {
  func.func @_gather_body(%arg0: i32, %arg1: i32, %arg2: memref<50000x512xf32, #tpu.memory_space<hbm>>, %arg3: memref<30720xi32, #tpu.memory_space<hbm>>, %arg4: memref<30720x512xf32, #tpu.memory_space<hbm>>, %arg5: memref<960xi32, #tpu.memory_space<vmem>>, %arg6: memref<120x512xf32, #tpu.memory_space<vmem>>, %arg7: memref<120x512xf32, #tpu.memory_space<vmem>>, %arg8: memref<!tpu.dma_semaphore, #tpu.memory_space<semaphore_mem>>, %arg9: memref<!tpu.dma_semaphore, #tpu.memory_space<semaphore_mem>>) attributes {dimension_semantics = [#tpu.dimension_semantics<core_parallel>, #tpu.dimension_semantics<subcore_parallel>], iteration_bounds = array<i64: 2, 16>, scalar_prefetch = 0 : i64, scratch_operands = 5 : i64, tpu.core_type = #tpu.core_type<sc_vector_subcore>, window_params = [{transform_indices = #map}, {transform_indices = #map1}, {transform_indices = #map}]} {
    %mul3A = arith.constant 2 : i32
    %mul3A_0 = arith.muli %arg1, %mul3A : i32
    %add3A = arith.addi %mul3A_0, %arg0 : i32
    %mul3A_1 = arith.constant 960 : i32
    %mul3A_2 = arith.muli %add3A, %mul3A_1 : i32
    "tpu.region"() ({
      %run_scoped3A = tpu.sem_alloc : memref<!tpu.dma_semaphore, #tpu.memory_space<semaphore_mem>>
      %dma_start3A_97 = tpu.memref_slice %arg3[%mul3A_2] : memref<30720xi32, #tpu.memory_space<hbm>> -> memref<960xi32, #tpu.memory_space<hbm>>
      %dma_start3A_98 = tpu.memref_slice %arg3[%mul3A_2] : memref<30720xi32, #tpu.memory_space<hbm>> -> memref<960xi32, #tpu.memory_space<hbm>>
      tpu.enqueue_dma source(%dma_start3A_98 : memref<960xi32, #tpu.memory_space<hbm>>) target(%arg5 : memref<960xi32, #tpu.memory_space<vmem>>) target_semaphore(%run_scoped3A : memref<!tpu.dma_semaphore, #tpu.memory_space<semaphore_mem>>)
      %dma_wait3A_99 = tpu.memref_slice %arg3[%mul3A_2] : memref<30720xi32, #tpu.memory_space<hbm>> -> memref<960xi32, #tpu.memory_space<hbm>>
      %dma_wait3A_100 = tpu.memref_slice %arg3[%mul3A_2] : memref<30720xi32, #tpu.memory_space<hbm>> -> memref<960xi32, #tpu.memory_space<hbm>>
      tpu.wait_dma2 semaphore(%run_scoped3A : memref<!tpu.dma_semaphore, #tpu.memory_space<semaphore_mem>>) src(%dma_wait3A_100 : memref<960xi32, #tpu.memory_space<hbm>>) dst(%arg5 : memref<960xi32, #tpu.memory_space<vmem>>)
      tpu.yield
    }) : () -> ()
    %dma_start3A = arith.constant 0 : i32
    %dma_start3A_3 = tpu.memref_slice %arg5[%dma_start3A] : memref<960xi32, #tpu.memory_space<vmem>> -> memref<120xi32, #tpu.memory_space<vmem>>
    %dma_start3A_4 = arith.constant 0 : i32
    %dma_start3A_5 = arith.constant 0 : i32
    %dma_start3A_6 = tpu.memref_slice %arg2[%dma_start3A_4, %dma_start3A_5] : memref<50000x512xf32, #tpu.memory_space<hbm>> -> memref<50000x512xf32, #tpu.memory_space<hbm>>
    tpu.enqueue_indirect_dma source(%dma_start3A_6 : memref<50000x512xf32, #tpu.memory_space<hbm>>) target(%arg6 : memref<120x512xf32, #tpu.memory_space<vmem>>) offsets(%dma_start3A_3 : memref<120xi32, #tpu.memory_space<vmem>>) semaphore(%arg8 : memref<!tpu.dma_semaphore, #tpu.memory_space<semaphore_mem>>)
    %dma_start3A_7 = arith.constant 120 : i32
    %dma_start3A_8 = tpu.memref_slice %arg5[%dma_start3A_7] : memref<960xi32, #tpu.memory_space<vmem>> -> memref<120xi32, #tpu.memory_space<vmem>>
    %dma_start3A_9 = arith.constant 0 : i32
    %dma_start3A_10 = arith.constant 0 : i32
    %dma_start3A_11 = tpu.memref_slice %arg2[%dma_start3A_9, %dma_start3A_10] : memref<50000x512xf32, #tpu.memory_space<hbm>> -> memref<50000x512xf32, #tpu.memory_space<hbm>>
    tpu.enqueue_indirect_dma source(%dma_start3A_11 : memref<50000x512xf32, #tpu.memory_space<hbm>>) target(%arg7 : memref<120x512xf32, #tpu.memory_space<vmem>>) offsets(%dma_start3A_8 : memref<120xi32, #tpu.memory_space<vmem>>) semaphore(%arg9 : memref<!tpu.dma_semaphore, #tpu.memory_space<semaphore_mem>>)
    %dma_wait3A = arith.constant 0 : i32
    %dma_wait3A_12 = tpu.memref_slice %arg5[%dma_wait3A] : memref<960xi32, #tpu.memory_space<vmem>> -> memref<120xi32, #tpu.memory_space<vmem>>
    %dma_wait3A_13 = arith.constant 0 : i32
    %dma_wait3A_14 = arith.constant 0 : i32
    %dma_wait3A_15 = tpu.memref_slice %arg2[%dma_wait3A_13, %dma_wait3A_14] : memref<50000x512xf32, #tpu.memory_space<hbm>> -> memref<50000x512xf32, #tpu.memory_space<hbm>>
    tpu.wait_indirect_dma semaphore(%arg8 : memref<!tpu.dma_semaphore, #tpu.memory_space<semaphore_mem>>) src(%dma_wait3A_15 : memref<50000x512xf32, #tpu.memory_space<hbm>>) dst(%arg6 : memref<120x512xf32, #tpu.memory_space<vmem>>)
    %add3A_16 = arith.constant 0 : i32
    %add3A_17 = arith.addi %mul3A_2, %add3A_16 : i32
    "tpu.region"() ({
      %run_scoped3A = tpu.sem_alloc : memref<!tpu.dma_semaphore, #tpu.memory_space<semaphore_mem>>
      %dma_start3A_97 = arith.constant 0 : i32
      %dma_start3A_98 = tpu.memref_slice %arg4[%add3A_17, %dma_start3A_97] : memref<30720x512xf32, #tpu.memory_space<hbm>> -> memref<120x512xf32, #tpu.memory_space<hbm>>
      %dma_start3A_99 = arith.constant 0 : i32
      %dma_start3A_100 = tpu.memref_slice %arg4[%add3A_17, %dma_start3A_99] : memref<30720x512xf32, #tpu.memory_space<hbm>> -> memref<120x512xf32, #tpu.memory_space<hbm>>
      tpu.enqueue_dma source(%arg6 : memref<120x512xf32, #tpu.memory_space<vmem>>) target(%dma_start3A_100 : memref<120x512xf32, #tpu.memory_space<hbm>>) target_semaphore(%run_scoped3A : memref<!tpu.dma_semaphore, #tpu.memory_space<semaphore_mem>>)
      %dma_wait3A_101 = arith.constant 0 : i32
      %dma_wait3A_102 = tpu.memref_slice %arg4[%add3A_17, %dma_wait3A_101] : memref<30720x512xf32, #tpu.memory_space<hbm>> -> memref<120x512xf32, #tpu.memory_space<hbm>>
      %dma_wait3A_103 = arith.constant 0 : i32
      %dma_wait3A_104 = tpu.memref_slice %arg4[%add3A_17, %dma_wait3A_103] : memref<30720x512xf32, #tpu.memory_space<hbm>> -> memref<120x512xf32, #tpu.memory_space<hbm>>
      tpu.wait_dma2 semaphore(%run_scoped3A : memref<!tpu.dma_semaphore, #tpu.memory_space<semaphore_mem>>) src(%arg6 : memref<120x512xf32, #tpu.memory_space<vmem>>) dst(%dma_wait3A_104 : memref<120x512xf32, #tpu.memory_space<hbm>>)
      tpu.yield
    }) : () -> ()
    %dma_start3A_18 = arith.constant 240 : i32
    %dma_start3A_19 = tpu.memref_slice %arg5[%dma_start3A_18] : memref<960xi32, #tpu.memory_space<vmem>> -> memref<120xi32, #tpu.memory_space<vmem>>
    %dma_start3A_20 = arith.constant 0 : i32
    %dma_start3A_21 = arith.constant 0 : i32
    %dma_start3A_22 = tpu.memref_slice %arg2[%dma_start3A_20, %dma_start3A_21] : memref<50000x512xf32, #tpu.memory_space<hbm>> -> memref<50000x512xf32, #tpu.memory_space<hbm>>
    tpu.enqueue_indirect_dma source(%dma_start3A_22 : memref<50000x512xf32, #tpu.memory_space<hbm>>) target(%arg6 : memref<120x512xf32, #tpu.memory_space<vmem>>) offsets(%dma_start3A_19 : memref<120xi32, #tpu.memory_space<vmem>>) semaphore(%arg8 : memref<!tpu.dma_semaphore, #tpu.memory_space<semaphore_mem>>)
    %dma_wait3A_23 = arith.constant 120 : i32
    %dma_wait3A_24 = tpu.memref_slice %arg5[%dma_wait3A_23] : memref<960xi32, #tpu.memory_space<vmem>> -> memref<120xi32, #tpu.memory_space<vmem>>
    %dma_wait3A_25 = arith.constant 0 : i32
    %dma_wait3A_26 = arith.constant 0 : i32
    %dma_wait3A_27 = tpu.memref_slice %arg2[%dma_wait3A_25, %dma_wait3A_26] : memref<50000x512xf32, #tpu.memory_space<hbm>> -> memref<50000x512xf32, #tpu.memory_space<hbm>>
    tpu.wait_indirect_dma semaphore(%arg9 : memref<!tpu.dma_semaphore, #tpu.memory_space<semaphore_mem>>) src(%dma_wait3A_27 : memref<50000x512xf32, #tpu.memory_space<hbm>>) dst(%arg7 : memref<120x512xf32, #tpu.memory_space<vmem>>)
    %add3A_28 = arith.constant 120 : i32
    %add3A_29 = arith.addi %mul3A_2, %add3A_28 : i32
    "tpu.region"() ({
      %run_scoped3A = tpu.sem_alloc : memref<!tpu.dma_semaphore, #tpu.memory_space<semaphore_mem>>
      %dma_start3A_97 = arith.constant 0 : i32
      %dma_start3A_98 = tpu.memref_slice %arg4[%add3A_29, %dma_start3A_97] : memref<30720x512xf32, #tpu.memory_space<hbm>> -> memref<120x512xf32, #tpu.memory_space<hbm>>
      %dma_start3A_99 = arith.constant 0 : i32
      %dma_start3A_100 = tpu.memref_slice %arg4[%add3A_29, %dma_start3A_99] : memref<30720x512xf32, #tpu.memory_space<hbm>> -> memref<120x512xf32, #tpu.memory_space<hbm>>
      tpu.enqueue_dma source(%arg7 : memref<120x512xf32, #tpu.memory_space<vmem>>) target(%dma_start3A_100 : memref<120x512xf32, #tpu.memory_space<hbm>>) target_semaphore(%run_scoped3A : memref<!tpu.dma_semaphore, #tpu.memory_space<semaphore_mem>>)
      %dma_wait3A_101 = arith.constant 0 : i32
      %dma_wait3A_102 = tpu.memref_slice %arg4[%add3A_29, %dma_wait3A_101] : memref<30720x512xf32, #tpu.memory_space<hbm>> -> memref<120x512xf32, #tpu.memory_space<hbm>>
      %dma_wait3A_103 = arith.constant 0 : i32
      %dma_wait3A_104 = tpu.memref_slice %arg4[%add3A_29, %dma_wait3A_103] : memref<30720x512xf32, #tpu.memory_space<hbm>> -> memref<120x512xf32, #tpu.memory_space<hbm>>
      tpu.wait_dma2 semaphore(%run_scoped3A : memref<!tpu.dma_semaphore, #tpu.memory_space<semaphore_mem>>) src(%arg7 : memref<120x512xf32, #tpu.memory_space<vmem>>) dst(%dma_wait3A_104 : memref<120x512xf32, #tpu.memory_space<hbm>>)
      tpu.yield
    }) : () -> ()
    %dma_start3A_30 = arith.constant 360 : i32
    %dma_start3A_31 = tpu.memref_slice %arg5[%dma_start3A_30] : memref<960xi32, #tpu.memory_space<vmem>> -> memref<120xi32, #tpu.memory_space<vmem>>
    %dma_start3A_32 = arith.constant 0 : i32
    %dma_start3A_33 = arith.constant 0 : i32
    %dma_start3A_34 = tpu.memref_slice %arg2[%dma_start3A_32, %dma_start3A_33] : memref<50000x512xf32, #tpu.memory_space<hbm>> -> memref<50000x512xf32, #tpu.memory_space<hbm>>
    tpu.enqueue_indirect_dma source(%dma_start3A_34 : memref<50000x512xf32, #tpu.memory_space<hbm>>) target(%arg7 : memref<120x512xf32, #tpu.memory_space<vmem>>) offsets(%dma_start3A_31 : memref<120xi32, #tpu.memory_space<vmem>>) semaphore(%arg9 : memref<!tpu.dma_semaphore, #tpu.memory_space<semaphore_mem>>)
    %dma_wait3A_35 = arith.constant 240 : i32
    %dma_wait3A_36 = tpu.memref_slice %arg5[%dma_wait3A_35] : memref<960xi32, #tpu.memory_space<vmem>> -> memref<120xi32, #tpu.memory_space<vmem>>
    %dma_wait3A_37 = arith.constant 0 : i32
    %dma_wait3A_38 = arith.constant 0 : i32
    %dma_wait3A_39 = tpu.memref_slice %arg2[%dma_wait3A_37, %dma_wait3A_38] : memref<50000x512xf32, #tpu.memory_space<hbm>> -> memref<50000x512xf32, #tpu.memory_space<hbm>>
    tpu.wait_indirect_dma semaphore(%arg8 : memref<!tpu.dma_semaphore, #tpu.memory_space<semaphore_mem>>) src(%dma_wait3A_39 : memref<50000x512xf32, #tpu.memory_space<hbm>>) dst(%arg6 : memref<120x512xf32, #tpu.memory_space<vmem>>)
    %add3A_40 = arith.constant 240 : i32
    %add3A_41 = arith.addi %mul3A_2, %add3A_40 : i32
    "tpu.region"() ({
      %run_scoped3A = tpu.sem_alloc : memref<!tpu.dma_semaphore, #tpu.memory_space<semaphore_mem>>
      %dma_start3A_97 = arith.constant 0 : i32
      %dma_start3A_98 = tpu.memref_slice %arg4[%add3A_41, %dma_start3A_97] : memref<30720x512xf32, #tpu.memory_space<hbm>> -> memref<120x512xf32, #tpu.memory_space<hbm>>
      %dma_start3A_99 = arith.constant 0 : i32
      %dma_start3A_100 = tpu.memref_slice %arg4[%add3A_41, %dma_start3A_99] : memref<30720x512xf32, #tpu.memory_space<hbm>> -> memref<120x512xf32, #tpu.memory_space<hbm>>
      tpu.enqueue_dma source(%arg6 : memref<120x512xf32, #tpu.memory_space<vmem>>) target(%dma_start3A_100 : memref<120x512xf32, #tpu.memory_space<hbm>>) target_semaphore(%run_scoped3A : memref<!tpu.dma_semaphore, #tpu.memory_space<semaphore_mem>>)
      %dma_wait3A_101 = arith.constant 0 : i32
      %dma_wait3A_102 = tpu.memref_slice %arg4[%add3A_41, %dma_wait3A_101] : memref<30720x512xf32, #tpu.memory_space<hbm>> -> memref<120x512xf32, #tpu.memory_space<hbm>>
      %dma_wait3A_103 = arith.constant 0 : i32
      %dma_wait3A_104 = tpu.memref_slice %arg4[%add3A_41, %dma_wait3A_103] : memref<30720x512xf32, #tpu.memory_space<hbm>> -> memref<120x512xf32, #tpu.memory_space<hbm>>
      tpu.wait_dma2 semaphore(%run_scoped3A : memref<!tpu.dma_semaphore, #tpu.memory_space<semaphore_mem>>) src(%arg6 : memref<120x512xf32, #tpu.memory_space<vmem>>) dst(%dma_wait3A_104 : memref<120x512xf32, #tpu.memory_space<hbm>>)
      tpu.yield
    }) : () -> ()
    %dma_start3A_42 = arith.constant 480 : i32
    %dma_start3A_43 = tpu.memref_slice %arg5[%dma_start3A_42] : memref<960xi32, #tpu.memory_space<vmem>> -> memref<120xi32, #tpu.memory_space<vmem>>
    %dma_start3A_44 = arith.constant 0 : i32
    %dma_start3A_45 = arith.constant 0 : i32
    %dma_start3A_46 = tpu.memref_slice %arg2[%dma_start3A_44, %dma_start3A_45] : memref<50000x512xf32, #tpu.memory_space<hbm>> -> memref<50000x512xf32, #tpu.memory_space<hbm>>
    tpu.enqueue_indirect_dma source(%dma_start3A_46 : memref<50000x512xf32, #tpu.memory_space<hbm>>) target(%arg6 : memref<120x512xf32, #tpu.memory_space<vmem>>) offsets(%dma_start3A_43 : memref<120xi32, #tpu.memory_space<vmem>>) semaphore(%arg8 : memref<!tpu.dma_semaphore, #tpu.memory_space<semaphore_mem>>)
    %dma_wait3A_47 = arith.constant 360 : i32
    %dma_wait3A_48 = tpu.memref_slice %arg5[%dma_wait3A_47] : memref<960xi32, #tpu.memory_space<vmem>> -> memref<120xi32, #tpu.memory_space<vmem>>
    %dma_wait3A_49 = arith.constant 0 : i32
    %dma_wait3A_50 = arith.constant 0 : i32
    %dma_wait3A_51 = tpu.memref_slice %arg2[%dma_wait3A_49, %dma_wait3A_50] : memref<50000x512xf32, #tpu.memory_space<hbm>> -> memref<50000x512xf32, #tpu.memory_space<hbm>>
    tpu.wait_indirect_dma semaphore(%arg9 : memref<!tpu.dma_semaphore, #tpu.memory_space<semaphore_mem>>) src(%dma_wait3A_51 : memref<50000x512xf32, #tpu.memory_space<hbm>>) dst(%arg7 : memref<120x512xf32, #tpu.memory_space<vmem>>)
    %add3A_52 = arith.constant 360 : i32
    %add3A_53 = arith.addi %mul3A_2, %add3A_52 : i32
    "tpu.region"() ({
      %run_scoped3A = tpu.sem_alloc : memref<!tpu.dma_semaphore, #tpu.memory_space<semaphore_mem>>
      %dma_start3A_97 = arith.constant 0 : i32
      %dma_start3A_98 = tpu.memref_slice %arg4[%add3A_53, %dma_start3A_97] : memref<30720x512xf32, #tpu.memory_space<hbm>> -> memref<120x512xf32, #tpu.memory_space<hbm>>
      %dma_start3A_99 = arith.constant 0 : i32
      %dma_start3A_100 = tpu.memref_slice %arg4[%add3A_53, %dma_start3A_99] : memref<30720x512xf32, #tpu.memory_space<hbm>> -> memref<120x512xf32, #tpu.memory_space<hbm>>
      tpu.enqueue_dma source(%arg7 : memref<120x512xf32, #tpu.memory_space<vmem>>) target(%dma_start3A_100 : memref<120x512xf32, #tpu.memory_space<hbm>>) target_semaphore(%run_scoped3A : memref<!tpu.dma_semaphore, #tpu.memory_space<semaphore_mem>>)
      %dma_wait3A_101 = arith.constant 0 : i32
      %dma_wait3A_102 = tpu.memref_slice %arg4[%add3A_53, %dma_wait3A_101] : memref<30720x512xf32, #tpu.memory_space<hbm>> -> memref<120x512xf32, #tpu.memory_space<hbm>>
      %dma_wait3A_103 = arith.constant 0 : i32
      %dma_wait3A_104 = tpu.memref_slice %arg4[%add3A_53, %dma_wait3A_103] : memref<30720x512xf32, #tpu.memory_space<hbm>> -> memref<120x512xf32, #tpu.memory_space<hbm>>
      tpu.wait_dma2 semaphore(%run_scoped3A : memref<!tpu.dma_semaphore, #tpu.memory_space<semaphore_mem>>) src(%arg7 : memref<120x512xf32, #tpu.memory_space<vmem>>) dst(%dma_wait3A_104 : memref<120x512xf32, #tpu.memory_space<hbm>>)
      tpu.yield
    }) : () -> ()
    %dma_start3A_54 = arith.constant 600 : i32
    %dma_start3A_55 = tpu.memref_slice %arg5[%dma_start3A_54] : memref<960xi32, #tpu.memory_space<vmem>> -> memref<120xi32, #tpu.memory_space<vmem>>
    %dma_start3A_56 = arith.constant 0 : i32
    %dma_start3A_57 = arith.constant 0 : i32
    %dma_start3A_58 = tpu.memref_slice %arg2[%dma_start3A_56, %dma_start3A_57] : memref<50000x512xf32, #tpu.memory_space<hbm>> -> memref<50000x512xf32, #tpu.memory_space<hbm>>
    tpu.enqueue_indirect_dma source(%dma_start3A_58 : memref<50000x512xf32, #tpu.memory_space<hbm>>) target(%arg7 : memref<120x512xf32, #tpu.memory_space<vmem>>) offsets(%dma_start3A_55 : memref<120xi32, #tpu.memory_space<vmem>>) semaphore(%arg9 : memref<!tpu.dma_semaphore, #tpu.memory_space<semaphore_mem>>)
    %dma_wait3A_59 = arith.constant 480 : i32
    %dma_wait3A_60 = tpu.memref_slice %arg5[%dma_wait3A_59] : memref<960xi32, #tpu.memory_space<vmem>> -> memref<120xi32, #tpu.memory_space<vmem>>
    %dma_wait3A_61 = arith.constant 0 : i32
    %dma_wait3A_62 = arith.constant 0 : i32
    %dma_wait3A_63 = tpu.memref_slice %arg2[%dma_wait3A_61, %dma_wait3A_62] : memref<50000x512xf32, #tpu.memory_space<hbm>> -> memref<50000x512xf32, #tpu.memory_space<hbm>>
    tpu.wait_indirect_dma semaphore(%arg8 : memref<!tpu.dma_semaphore, #tpu.memory_space<semaphore_mem>>) src(%dma_wait3A_63 : memref<50000x512xf32, #tpu.memory_space<hbm>>) dst(%arg6 : memref<120x512xf32, #tpu.memory_space<vmem>>)
    %add3A_64 = arith.constant 480 : i32
    %add3A_65 = arith.addi %mul3A_2, %add3A_64 : i32
    "tpu.region"() ({
      %run_scoped3A = tpu.sem_alloc : memref<!tpu.dma_semaphore, #tpu.memory_space<semaphore_mem>>
      %dma_start3A_97 = arith.constant 0 : i32
      %dma_start3A_98 = tpu.memref_slice %arg4[%add3A_65, %dma_start3A_97] : memref<30720x512xf32, #tpu.memory_space<hbm>> -> memref<120x512xf32, #tpu.memory_space<hbm>>
      %dma_start3A_99 = arith.constant 0 : i32
      %dma_start3A_100 = tpu.memref_slice %arg4[%add3A_65, %dma_start3A_99] : memref<30720x512xf32, #tpu.memory_space<hbm>> -> memref<120x512xf32, #tpu.memory_space<hbm>>
      tpu.enqueue_dma source(%arg6 : memref<120x512xf32, #tpu.memory_space<vmem>>) target(%dma_start3A_100 : memref<120x512xf32, #tpu.memory_space<hbm>>) target_semaphore(%run_scoped3A : memref<!tpu.dma_semaphore, #tpu.memory_space<semaphore_mem>>)
      %dma_wait3A_101 = arith.constant 0 : i32
      %dma_wait3A_102 = tpu.memref_slice %arg4[%add3A_65, %dma_wait3A_101] : memref<30720x512xf32, #tpu.memory_space<hbm>> -> memref<120x512xf32, #tpu.memory_space<hbm>>
      %dma_wait3A_103 = arith.constant 0 : i32
      %dma_wait3A_104 = tpu.memref_slice %arg4[%add3A_65, %dma_wait3A_103] : memref<30720x512xf32, #tpu.memory_space<hbm>> -> memref<120x512xf32, #tpu.memory_space<hbm>>
      tpu.wait_dma2 semaphore(%run_scoped3A : memref<!tpu.dma_semaphore, #tpu.memory_space<semaphore_mem>>) src(%arg6 : memref<120x512xf32, #tpu.memory_space<vmem>>) dst(%dma_wait3A_104 : memref<120x512xf32, #tpu.memory_space<hbm>>)
      tpu.yield
    }) : () -> ()
    %dma_start3A_66 = arith.constant 720 : i32
    %dma_start3A_67 = tpu.memref_slice %arg5[%dma_start3A_66] : memref<960xi32, #tpu.memory_space<vmem>> -> memref<120xi32, #tpu.memory_space<vmem>>
    %dma_start3A_68 = arith.constant 0 : i32
    %dma_start3A_69 = arith.constant 0 : i32
    %dma_start3A_70 = tpu.memref_slice %arg2[%dma_start3A_68, %dma_start3A_69] : memref<50000x512xf32, #tpu.memory_space<hbm>> -> memref<50000x512xf32, #tpu.memory_space<hbm>>
    tpu.enqueue_indirect_dma source(%dma_start3A_70 : memref<50000x512xf32, #tpu.memory_space<hbm>>) target(%arg6 : memref<120x512xf32, #tpu.memory_space<vmem>>) offsets(%dma_start3A_67 : memref<120xi32, #tpu.memory_space<vmem>>) semaphore(%arg8 : memref<!tpu.dma_semaphore, #tpu.memory_space<semaphore_mem>>)
    %dma_wait3A_71 = arith.constant 600 : i32
    %dma_wait3A_72 = tpu.memref_slice %arg5[%dma_wait3A_71] : memref<960xi32, #tpu.memory_space<vmem>> -> memref<120xi32, #tpu.memory_space<vmem>>
    %dma_wait3A_73 = arith.constant 0 : i32
    %dma_wait3A_74 = arith.constant 0 : i32
    %dma_wait3A_75 = tpu.memref_slice %arg2[%dma_wait3A_73, %dma_wait3A_74] : memref<50000x512xf32, #tpu.memory_space<hbm>> -> memref<50000x512xf32, #tpu.memory_space<hbm>>
    tpu.wait_indirect_dma semaphore(%arg9 : memref<!tpu.dma_semaphore, #tpu.memory_space<semaphore_mem>>) src(%dma_wait3A_75 : memref<50000x512xf32, #tpu.memory_space<hbm>>) dst(%arg7 : memref<120x512xf32, #tpu.memory_space<vmem>>)
    %add3A_76 = arith.constant 600 : i32
    %add3A_77 = arith.addi %mul3A_2, %add3A_76 : i32
    "tpu.region"() ({
      %run_scoped3A = tpu.sem_alloc : memref<!tpu.dma_semaphore, #tpu.memory_space<semaphore_mem>>
      %dma_start3A_97 = arith.constant 0 : i32
      %dma_start3A_98 = tpu.memref_slice %arg4[%add3A_77, %dma_start3A_97] : memref<30720x512xf32, #tpu.memory_space<hbm>> -> memref<120x512xf32, #tpu.memory_space<hbm>>
      %dma_start3A_99 = arith.constant 0 : i32
      %dma_start3A_100 = tpu.memref_slice %arg4[%add3A_77, %dma_start3A_99] : memref<30720x512xf32, #tpu.memory_space<hbm>> -> memref<120x512xf32, #tpu.memory_space<hbm>>
      tpu.enqueue_dma source(%arg7 : memref<120x512xf32, #tpu.memory_space<vmem>>) target(%dma_start3A_100 : memref<120x512xf32, #tpu.memory_space<hbm>>) target_semaphore(%run_scoped3A : memref<!tpu.dma_semaphore, #tpu.memory_space<semaphore_mem>>)
      %dma_wait3A_101 = arith.constant 0 : i32
      %dma_wait3A_102 = tpu.memref_slice %arg4[%add3A_77, %dma_wait3A_101] : memref<30720x512xf32, #tpu.memory_space<hbm>> -> memref<120x512xf32, #tpu.memory_space<hbm>>
      %dma_wait3A_103 = arith.constant 0 : i32
      %dma_wait3A_104 = tpu.memref_slice %arg4[%add3A_77, %dma_wait3A_103] : memref<30720x512xf32, #tpu.memory_space<hbm>> -> memref<120x512xf32, #tpu.memory_space<hbm>>
      tpu.wait_dma2 semaphore(%run_scoped3A : memref<!tpu.dma_semaphore, #tpu.memory_space<semaphore_mem>>) src(%arg7 : memref<120x512xf32, #tpu.memory_space<vmem>>) dst(%dma_wait3A_104 : memref<120x512xf32, #tpu.memory_space<hbm>>)
      tpu.yield
    }) : () -> ()
    %dma_start3A_78 = arith.constant 840 : i32
    %dma_start3A_79 = tpu.memref_slice %arg5[%dma_start3A_78] : memref<960xi32, #tpu.memory_space<vmem>> -> memref<120xi32, #tpu.memory_space<vmem>>
    %dma_start3A_80 = arith.constant 0 : i32
    %dma_start3A_81 = arith.constant 0 : i32
    %dma_start3A_82 = tpu.memref_slice %arg2[%dma_start3A_80, %dma_start3A_81] : memref<50000x512xf32, #tpu.memory_space<hbm>> -> memref<50000x512xf32, #tpu.memory_space<hbm>>
    tpu.enqueue_indirect_dma source(%dma_start3A_82 : memref<50000x512xf32, #tpu.memory_space<hbm>>) target(%arg7 : memref<120x512xf32, #tpu.memory_space<vmem>>) offsets(%dma_start3A_79 : memref<120xi32, #tpu.memory_space<vmem>>) semaphore(%arg9 : memref<!tpu.dma_semaphore, #tpu.memory_space<semaphore_mem>>)
    %dma_wait3A_83 = arith.constant 720 : i32
    %dma_wait3A_84 = tpu.memref_slice %arg5[%dma_wait3A_83] : memref<960xi32, #tpu.memory_space<vmem>> -> memref<120xi32, #tpu.memory_space<vmem>>
    %dma_wait3A_85 = arith.constant 0 : i32
    %dma_wait3A_86 = arith.constant 0 : i32
    %dma_wait3A_87 = tpu.memref_slice %arg2[%dma_wait3A_85, %dma_wait3A_86] : memref<50000x512xf32, #tpu.memory_space<hbm>> -> memref<50000x512xf32, #tpu.memory_space<hbm>>
    tpu.wait_indirect_dma semaphore(%arg8 : memref<!tpu.dma_semaphore, #tpu.memory_space<semaphore_mem>>) src(%dma_wait3A_87 : memref<50000x512xf32, #tpu.memory_space<hbm>>) dst(%arg6 : memref<120x512xf32, #tpu.memory_space<vmem>>)
    %add3A_88 = arith.constant 720 : i32
    %add3A_89 = arith.addi %mul3A_2, %add3A_88 : i32
    "tpu.region"() ({
      %run_scoped3A = tpu.sem_alloc : memref<!tpu.dma_semaphore, #tpu.memory_space<semaphore_mem>>
      %dma_start3A_97 = arith.constant 0 : i32
      %dma_start3A_98 = tpu.memref_slice %arg4[%add3A_89, %dma_start3A_97] : memref<30720x512xf32, #tpu.memory_space<hbm>> -> memref<120x512xf32, #tpu.memory_space<hbm>>
      %dma_start3A_99 = arith.constant 0 : i32
      %dma_start3A_100 = tpu.memref_slice %arg4[%add3A_89, %dma_start3A_99] : memref<30720x512xf32, #tpu.memory_space<hbm>> -> memref<120x512xf32, #tpu.memory_space<hbm>>
      tpu.enqueue_dma source(%arg6 : memref<120x512xf32, #tpu.memory_space<vmem>>) target(%dma_start3A_100 : memref<120x512xf32, #tpu.memory_space<hbm>>) target_semaphore(%run_scoped3A : memref<!tpu.dma_semaphore, #tpu.memory_space<semaphore_mem>>)
      %dma_wait3A_101 = arith.constant 0 : i32
      %dma_wait3A_102 = tpu.memref_slice %arg4[%add3A_89, %dma_wait3A_101] : memref<30720x512xf32, #tpu.memory_space<hbm>> -> memref<120x512xf32, #tpu.memory_space<hbm>>
      %dma_wait3A_103 = arith.constant 0 : i32
      %dma_wait3A_104 = tpu.memref_slice %arg4[%add3A_89, %dma_wait3A_103] : memref<30720x512xf32, #tpu.memory_space<hbm>> -> memref<120x512xf32, #tpu.memory_space<hbm>>
      tpu.wait_dma2 semaphore(%run_scoped3A : memref<!tpu.dma_semaphore, #tpu.memory_space<semaphore_mem>>) src(%arg6 : memref<120x512xf32, #tpu.memory_space<vmem>>) dst(%dma_wait3A_104 : memref<120x512xf32, #tpu.memory_space<hbm>>)
      tpu.yield
    }) : () -> ()
    %dma_wait3A_90 = arith.constant 840 : i32
    %dma_wait3A_91 = tpu.memref_slice %arg5[%dma_wait3A_90] : memref<960xi32, #tpu.memory_space<vmem>> -> memref<120xi32, #tpu.memory_space<vmem>>
    %dma_wait3A_92 = arith.constant 0 : i32
    %dma_wait3A_93 = arith.constant 0 : i32
    %dma_wait3A_94 = tpu.memref_slice %arg2[%dma_wait3A_92, %dma_wait3A_93] : memref<50000x512xf32, #tpu.memory_space<hbm>> -> memref<50000x512xf32, #tpu.memory_space<hbm>>
    tpu.wait_indirect_dma semaphore(%arg9 : memref<!tpu.dma_semaphore, #tpu.memory_space<semaphore_mem>>) src(%dma_wait3A_94 : memref<50000x512xf32, #tpu.memory_space<hbm>>) dst(%arg7 : memref<120x512xf32, #tpu.memory_space<vmem>>)
    %add3A_95 = arith.constant 840 : i32
    %add3A_96 = arith.addi %mul3A_2, %add3A_95 : i32
    "tpu.region"() ({
      %run_scoped3A = tpu.sem_alloc : memref<!tpu.dma_semaphore, #tpu.memory_space<semaphore_mem>>
      %dma_start3A_97 = arith.constant 0 : i32
      %dma_start3A_98 = tpu.memref_slice %arg4[%add3A_96, %dma_start3A_97] : memref<30720x512xf32, #tpu.memory_space<hbm>> -> memref<120x512xf32, #tpu.memory_space<hbm>>
      %dma_start3A_99 = arith.constant 0 : i32
      %dma_start3A_100 = tpu.memref_slice %arg4[%add3A_96, %dma_start3A_99] : memref<30720x512xf32, #tpu.memory_space<hbm>> -> memref<120x512xf32, #tpu.memory_space<hbm>>
      tpu.enqueue_dma source(%arg7 : memref<120x512xf32, #tpu.memory_space<vmem>>) target(%dma_start3A_100 : memref<120x512xf32, #tpu.memory_space<hbm>>) target_semaphore(%run_scoped3A : memref<!tpu.dma_semaphore, #tpu.memory_space<semaphore_mem>>)
      %dma_wait3A_101 = arith.constant 0 : i32
      %dma_wait3A_102 = tpu.memref_slice %arg4[%add3A_96, %dma_wait3A_101] : memref<30720x512xf32, #tpu.memory_space<hbm>> -> memref<120x512xf32, #tpu.memory_space<hbm>>
      %dma_wait3A_103 = arith.constant 0 : i32
      %dma_wait3A_104 = tpu.memref_slice %arg4[%add3A_96, %dma_wait3A_103] : memref<30720x512xf32, #tpu.memory_space<hbm>> -> memref<120x512xf32, #tpu.memory_space<hbm>>
      tpu.wait_dma2 semaphore(%run_scoped3A : memref<!tpu.dma_semaphore, #tpu.memory_space<semaphore_mem>>) src(%arg7 : memref<120x512xf32, #tpu.memory_space<vmem>>) dst(%dma_wait3A_104 : memref<120x512xf32, #tpu.memory_space<hbm>>)
      tpu.yield
    }) : () -> ()
    return
  }
}

#map = affine_map<(d0, d1) -> (0)>
module attributes {stable_mosaic.version = 14 : i64} {
  func.func @_compact_body(%arg0: i32, %arg1: i32, %arg2: memref<300000xi32, #tpu.memory_space<hbm>>, %arg3: memref<96xi32, #tpu.memory_space<hbm>>, %arg4: memref<96xi32, #tpu.memory_space<hbm>>, %arg5: memref<30720xi32, #tpu.memory_space<hbm>>, %arg6: memref<50000xi32, #tpu.memory_space<vmem>>, %arg7: memref<5136xi32, #tpu.memory_space<vmem>>, %arg8: memref<16xi32, #tpu.memory_space<vmem>>, %arg9: memref<16xi32, #tpu.memory_space<vmem>>) attributes {dimension_semantics = [#tpu.dimension_semantics<core_parallel>, #tpu.dimension_semantics<subcore_parallel>], iteration_bounds = array<i64: 2, 16>, scalar_prefetch = 0 : i64, scratch_operands = 4 : i64, tpu.core_type = #tpu.core_type<sc_vector_subcore>, window_params = [{transform_indices = #map}, {transform_indices = #map}, {transform_indices = #map}, {transform_indices = #map}]} {
    %mul3A = arith.constant 2 : i32
    %mul3A_0 = arith.muli %arg1, %mul3A : i32
    %add3A = arith.addi %mul3A_0, %arg0 : i32
    %lt3A = arith.constant 6 : i32
    %lt3A_1 = arith.cmpi slt, %add3A, %lt3A : i32
    %convert_element_type3A = arith.extui %lt3A_1 : i1 to i32
    %cond3A = arith.constant 0 : i32
    %cond3A_2 = arith.cmpi ne, %convert_element_type3A, %cond3A : i32
    scf.if %cond3A_2 {
      %mul3A_3 = arith.constant 16 : i32
      %mul3A_4 = arith.muli %add3A, %mul3A_3 : i32
      "tpu.region"() ({
        %run_scoped3A = tpu.sem_alloc : memref<!tpu.dma_semaphore, #tpu.memory_space<semaphore_mem>>
        %dma_start3A = tpu.memref_slice %arg3[%mul3A_4] : memref<96xi32, #tpu.memory_space<hbm>> -> memref<16xi32, #tpu.memory_space<hbm>>
        %dma_start3A_24 = tpu.memref_slice %arg3[%mul3A_4] : memref<96xi32, #tpu.memory_space<hbm>> -> memref<16xi32, #tpu.memory_space<hbm>>
        tpu.enqueue_dma source(%dma_start3A_24 : memref<16xi32, #tpu.memory_space<hbm>>) target(%arg8 : memref<16xi32, #tpu.memory_space<vmem>>) target_semaphore(%run_scoped3A : memref<!tpu.dma_semaphore, #tpu.memory_space<semaphore_mem>>)
        %dma_wait3A = tpu.memref_slice %arg3[%mul3A_4] : memref<96xi32, #tpu.memory_space<hbm>> -> memref<16xi32, #tpu.memory_space<hbm>>
        %dma_wait3A_25 = tpu.memref_slice %arg3[%mul3A_4] : memref<96xi32, #tpu.memory_space<hbm>> -> memref<16xi32, #tpu.memory_space<hbm>>
        tpu.wait_dma2 semaphore(%run_scoped3A : memref<!tpu.dma_semaphore, #tpu.memory_space<semaphore_mem>>) src(%dma_wait3A_25 : memref<16xi32, #tpu.memory_space<hbm>>) dst(%arg8 : memref<16xi32, #tpu.memory_space<vmem>>)
        tpu.yield
      }) : () -> ()
      %mul3A_5 = arith.constant 16 : i32
      %mul3A_6 = arith.muli %add3A, %mul3A_5 : i32
      "tpu.region"() ({
        %run_scoped3A = tpu.sem_alloc : memref<!tpu.dma_semaphore, #tpu.memory_space<semaphore_mem>>
        %dma_start3A = tpu.memref_slice %arg4[%mul3A_6] : memref<96xi32, #tpu.memory_space<hbm>> -> memref<16xi32, #tpu.memory_space<hbm>>
        %dma_start3A_24 = tpu.memref_slice %arg4[%mul3A_6] : memref<96xi32, #tpu.memory_space<hbm>> -> memref<16xi32, #tpu.memory_space<hbm>>
        tpu.enqueue_dma source(%dma_start3A_24 : memref<16xi32, #tpu.memory_space<hbm>>) target(%arg9 : memref<16xi32, #tpu.memory_space<vmem>>) target_semaphore(%run_scoped3A : memref<!tpu.dma_semaphore, #tpu.memory_space<semaphore_mem>>)
        %dma_wait3A = tpu.memref_slice %arg4[%mul3A_6] : memref<96xi32, #tpu.memory_space<hbm>> -> memref<16xi32, #tpu.memory_space<hbm>>
        %dma_wait3A_25 = tpu.memref_slice %arg4[%mul3A_6] : memref<96xi32, #tpu.memory_space<hbm>> -> memref<16xi32, #tpu.memory_space<hbm>>
        tpu.wait_dma2 semaphore(%run_scoped3A : memref<!tpu.dma_semaphore, #tpu.memory_space<semaphore_mem>>) src(%dma_wait3A_25 : memref<16xi32, #tpu.memory_space<hbm>>) dst(%arg9 : memref<16xi32, #tpu.memory_space<vmem>>)
        tpu.yield
      }) : () -> ()
      %mul3A_7 = arith.constant 50000 : i32
      %mul3A_8 = arith.muli %add3A, %mul3A_7 : i32
      "tpu.region"() ({
        %run_scoped3A = tpu.sem_alloc : memref<!tpu.dma_semaphore, #tpu.memory_space<semaphore_mem>>
        %dma_start3A = tpu.memref_slice %arg2[%mul3A_8] : memref<300000xi32, #tpu.memory_space<hbm>> -> memref<50000xi32, #tpu.memory_space<hbm>>
        %dma_start3A_24 = tpu.memref_slice %arg2[%mul3A_8] : memref<300000xi32, #tpu.memory_space<hbm>> -> memref<50000xi32, #tpu.memory_space<hbm>>
        tpu.enqueue_dma source(%dma_start3A_24 : memref<50000xi32, #tpu.memory_space<hbm>>) target(%arg6 : memref<50000xi32, #tpu.memory_space<vmem>>) target_semaphore(%run_scoped3A : memref<!tpu.dma_semaphore, #tpu.memory_space<semaphore_mem>>)
        %dma_wait3A = tpu.memref_slice %arg2[%mul3A_8] : memref<300000xi32, #tpu.memory_space<hbm>> -> memref<50000xi32, #tpu.memory_space<hbm>>
        %dma_wait3A_25 = tpu.memref_slice %arg2[%mul3A_8] : memref<300000xi32, #tpu.memory_space<hbm>> -> memref<50000xi32, #tpu.memory_space<hbm>>
        tpu.wait_dma2 semaphore(%run_scoped3A : memref<!tpu.dma_semaphore, #tpu.memory_space<semaphore_mem>>) src(%dma_wait3A_25 : memref<50000xi32, #tpu.memory_space<hbm>>) dst(%arg6 : memref<50000xi32, #tpu.memory_space<vmem>>)
        tpu.yield
      }) : () -> ()
      %scan3A = arith.constant 0 : i32
      %scan3A_9 = arith.constant 0 : i32
      %scan3A_10 = arith.constant 320 : i32
      %scan3A_11 = arith.addi %scan3A_9, %scan3A_10 : i32
      %scan3A_12 = arith.constant 1 : i32
      scf.for %scan3A_24 = %scan3A_9 to %scan3A_11 step %scan3A_12  : i32 {
        %broadcast_in_dim3A = arith.constant 0 : i32
        %broadcast_in_dim3A_25 = vector.broadcast %broadcast_in_dim3A : i32 to vector<16xi32>
        %mul3A_26 = arith.constant 16 : i32
        %mul3A_27 = arith.muli %scan3A_24, %mul3A_26 : i32
        %swap3A = arith.index_cast %mul3A_27 : i32 to index
        %swap3A_28 = tpu.vector_load %arg7[%swap3A] {strides = array<i32>} : memref<5136xi32, #tpu.memory_space<vmem>>, vector<16xi32>,
        tpu.vector_store %arg7[%swap3A], %broadcast_in_dim3A_25 {strides = array<i32>} : memref<5136xi32, #tpu.memory_space<vmem>>, vector<16xi32>,
      }
      %scan3A_13 = arith.constant 320 : i32
      %get3A = arith.constant 0 : index
      %get3A_14 = tpu.vector_load %arg8[%get3A] {strides = array<i32>} : memref<16xi32, #tpu.memory_space<vmem>>, vector<16xi32>,
      %get3A_15 = arith.constant 0 : index
      %get3A_16 = tpu.vector_load %arg9[%get3A_15] {strides = array<i32>} : memref<16xi32, #tpu.memory_space<vmem>>, vector<16xi32>,
      %parallel_loop3A = arith.constant 0 : i32
      %parallel_loop3A_17 = arith.constant 3125 : i32
      %parallel_loop3A_18 = arith.constant 1 : i32
      %parallel_loop3A_19 = arith.constant 0 : i32
      %parallel_loop3A_20 = arith.constant 0 : i32
      %parallel_loop3A_21:2 = scf.for %parallel_loop3A_24 = %parallel_loop3A to %parallel_loop3A_17 step %parallel_loop3A_18 iter_args(%parallel_loop3A_25 = %parallel_loop3A_19, %parallel_loop3A_26 = %parallel_loop3A_20) -> (i32, i32)  : i32 {
        %parallel_loop3A_27 = arith.constant 16 : i32
        %parallel_loop3A_28 = arith.muli %parallel_loop3A_24, %parallel_loop3A_27 : i32
        %parallel_loop3A_29 = arith.index_cast %parallel_loop3A_28 : i32 to index
        %parallel_loop3A_30 = tpu.vector_load %arg6[%parallel_loop3A_29] {strides = array<i32>} : memref<50000xi32, #tpu.memory_space<vmem>>, vector<16xi32>,
        %parallel_loop3A_31 = arith.constant 31 : i32
        %parallel_loop3A_32 = vector.broadcast %parallel_loop3A_31 : i32 to vector<16xi32>
        %parallel_loop3A_33 = arith.shrsi %parallel_loop3A_30, %parallel_loop3A_32 : vector<16xi32>
        %parallel_loop3A_34 = arith.constant 2147483647 : i32
        %parallel_loop3A_35 = vector.broadcast %parallel_loop3A_34 : i32 to vector<16xi32>
        %parallel_loop3A_36 = arith.andi %parallel_loop3A_33, %parallel_loop3A_35 : vector<16xi32>
        %parallel_loop3A_37 = arith.xori %parallel_loop3A_30, %parallel_loop3A_36 : vector<16xi32>
        %parallel_loop3A_38 = arith.cmpi sgt, %parallel_loop3A_37, %get3A_14 : vector<16xi32>
        %parallel_loop3A_39 = arith.cmpi eq, %parallel_loop3A_37, %get3A_14 : vector<16xi32>
        %parallel_loop3A_40 = arith.extui %parallel_loop3A_39 : vector<16xi1> to vector<16xi32>
        %parallel_loop3A_41 = arith.constant true
        %parallel_loop3A_42 = vector.broadcast %parallel_loop3A_41 : i1 to vector<16xi1>
        %parallel_loop3A_43 = tpu.scan <sum>, %parallel_loop3A_40 masked %parallel_loop3A_42 : vector<16xi32>, vector<16xi1> -> vector<16xi32>
        %parallel_loop3A_44 = vector.broadcast %parallel_loop3A_26 : i32 to vector<16xi32>
        %parallel_loop3A_45 = arith.addi %parallel_loop3A_43, %parallel_loop3A_44 : vector<16xi32>
        %parallel_loop3A_46 = arith.cmpi sle, %parallel_loop3A_45, %get3A_16 : vector<16xi32>
        %parallel_loop3A_47 = arith.andi %parallel_loop3A_39, %parallel_loop3A_46 : vector<16xi1>
        %parallel_loop3A_48 = arith.ori %parallel_loop3A_38, %parallel_loop3A_47 : vector<16xi1>
        %parallel_loop3A_49 = arith.extui %parallel_loop3A_48 : vector<16xi1> to vector<16xi32>
        %parallel_loop3A_50 = arith.constant true
        %parallel_loop3A_51 = vector.broadcast %parallel_loop3A_50 : i1 to vector<16xi1>
        %parallel_loop3A_52 = tpu.scan <sum>, %parallel_loop3A_49 masked %parallel_loop3A_51 : vector<16xi32>, vector<16xi1> -> vector<16xi32>
        %parallel_loop3A_53 = arith.constant 16 : i32
        %parallel_loop3A_54 = arith.muli %parallel_loop3A_24, %parallel_loop3A_53 : i32
        %parallel_loop3A_55 = vector.broadcast %parallel_loop3A_54 : i32 to vector<16xi32>
        %parallel_loop3A_56 = tpu.iota {dimensions = array<i32: 0>} : vector<16xi32>
        %parallel_loop3A_57 = arith.addi %parallel_loop3A_55, %parallel_loop3A_56 : vector<16xi32>
        %parallel_loop3A_58 = vector.broadcast %parallel_loop3A_25 : i32 to vector<16xi32>
        %parallel_loop3A_59 = arith.addi %parallel_loop3A_58, %parallel_loop3A_52 : vector<16xi32>
        %parallel_loop3A_60 = arith.constant 1 : i32
        %parallel_loop3A_61 = vector.broadcast %parallel_loop3A_60 : i32 to vector<16xi32>
        %parallel_loop3A_62 = arith.subi %parallel_loop3A_59, %parallel_loop3A_61 : vector<16xi32>
        %parallel_loop3A_63 = arith.constant 5120 : i32
        %parallel_loop3A_64 = vector.broadcast %parallel_loop3A_63 : i32 to vector<16xi32>
        %parallel_loop3A_65 = tpu.iota {dimensions = array<i32: 0>} : vector<16xi32>
        %parallel_loop3A_66 = arith.addi %parallel_loop3A_64, %parallel_loop3A_65 : vector<16xi32>
        %parallel_loop3A_67 = arith.select %parallel_loop3A_48, %parallel_loop3A_62, %parallel_loop3A_66 : vector<16xi1>, vector<16xi32>
        tpu.vector_store_idx %arg7[%parallel_loop3A_67], %parallel_loop3A_57 : memref<5136xi32, #tpu.memory_space<vmem>>[vector<16xi32>], vector<16xi32>,
        %parallel_loop3A_68 = arith.constant true
        %parallel_loop3A_69 = vector.broadcast %parallel_loop3A_68 : i1 to vector<16xi1>
        %parallel_loop3A_70 = tpu.scan <sum>, %parallel_loop3A_49 masked %parallel_loop3A_69 : vector<16xi32>, vector<16xi1> -> vector<16xi32>
        %parallel_loop3A_71 = vector.extract %parallel_loop3A_70[15] : i32 from vector<16xi32>
        %parallel_loop3A_72 = arith.addi %parallel_loop3A_25, %parallel_loop3A_71 : i32
        %parallel_loop3A_73 = arith.constant true
        %parallel_loop3A_74 = vector.broadcast %parallel_loop3A_73 : i1 to vector<16xi1>
        %parallel_loop3A_75 = tpu.scan <sum>, %parallel_loop3A_40 masked %parallel_loop3A_74 : vector<16xi32>, vector<16xi1> -> vector<16xi32>
        %parallel_loop3A_76 = vector.extract %parallel_loop3A_75[15] : i32 from vector<16xi32>
        %parallel_loop3A_77 = arith.addi %parallel_loop3A_26, %parallel_loop3A_76 : i32
        scf.yield %parallel_loop3A_72, %parallel_loop3A_77 : i32, i32
      } {sc.loop_unroll_factor = 8 : i64, sc.parallel_access}
      %mul3A_22 = arith.constant 5120 : i32
      %mul3A_23 = arith.muli %add3A, %mul3A_22 : i32
      "tpu.region"() ({
        %run_scoped3A = tpu.sem_alloc : memref<!tpu.dma_semaphore, #tpu.memory_space<semaphore_mem>>
        %dma_start3A = arith.constant 0 : i32
        %dma_start3A_24 = tpu.memref_slice %arg7[%dma_start3A] : memref<5136xi32, #tpu.memory_space<vmem>> -> memref<5120xi32, #tpu.memory_space<vmem>>
        %dma_start3A_25 = tpu.memref_slice %arg5[%mul3A_23] : memref<30720xi32, #tpu.memory_space<hbm>> -> memref<5120xi32, #tpu.memory_space<hbm>>
        %dma_start3A_26 = tpu.memref_slice %arg5[%mul3A_23] : memref<30720xi32, #tpu.memory_space<hbm>> -> memref<5120xi32, #tpu.memory_space<hbm>>
        %dma_start3A_27 = arith.constant 0 : i32
        %dma_start3A_28 = tpu.memref_slice %arg7[%dma_start3A_27] : memref<5136xi32, #tpu.memory_space<vmem>> -> memref<5120xi32, #tpu.memory_space<vmem>>
        tpu.enqueue_dma source(%dma_start3A_28 : memref<5120xi32, #tpu.memory_space<vmem>>) target(%dma_start3A_26 : memref<5120xi32, #tpu.memory_space<hbm>>) target_semaphore(%run_scoped3A : memref<!tpu.dma_semaphore, #tpu.memory_space<semaphore_mem>>)
        %dma_wait3A = arith.constant 0 : i32
        %dma_wait3A_29 = tpu.memref_slice %arg7[%dma_wait3A] : memref<5136xi32, #tpu.memory_space<vmem>> -> memref<5120xi32, #tpu.memory_space<vmem>>
        %dma_wait3A_30 = tpu.memref_slice %arg5[%mul3A_23] : memref<30720xi32, #tpu.memory_space<hbm>> -> memref<5120xi32, #tpu.memory_space<hbm>>
        %dma_wait3A_31 = tpu.memref_slice %arg5[%mul3A_23] : memref<30720xi32, #tpu.memory_space<hbm>> -> memref<5120xi32, #tpu.memory_space<hbm>>
        %dma_wait3A_32 = arith.constant 0 : i32
        %dma_wait3A_33 = tpu.memref_slice %arg7[%dma_wait3A_32] : memref<5136xi32, #tpu.memory_space<vmem>> -> memref<5120xi32, #tpu.memory_space<vmem>>
        tpu.wait_dma2 semaphore(%run_scoped3A : memref<!tpu.dma_semaphore, #tpu.memory_space<semaphore_mem>>) src(%dma_wait3A_33 : memref<5120xi32, #tpu.memory_space<vmem>>) dst(%dma_wait3A_31 : memref<5120xi32, #tpu.memory_space<hbm>>)
        tpu.yield
      }) : () -> ()
    } else {
    }
    return
  }
}

module attributes {stable_mosaic.version = 14 : i64} {
  func.func @_prep_body(%arg0: memref<1x6x1024xf32, #tpu.memory_space<vmem>>, %arg1: memref<1024x512xf32, #tpu.memory_space<vmem>>, %arg2: memref<1x512xf32, #tpu.memory_space<vmem>>, %arg3: memref<512x512xf32, #tpu.memory_space<vmem>>, %arg4: memref<1x512xf32, #tpu.memory_space<vmem>>, %arg5: memref<6x512xf32, #tpu.memory_space<vmem>>, %arg6: memref<6x512xf32, #tpu.memory_space<vmem>>) attributes {dimension_semantics = [], scalar_prefetch = 0 : i64, scratch_operands = 0 : i64, tpu.core_type = #tpu.core_type<tc>} {
    %get3A = arith.constant 0 : index
    %get3A_0 = arith.constant 0 : index
    %get3A_1 = arith.constant 0 : index
    %get3A_2 = vector.load %arg0[%get3A, %get3A_0, %get3A_1] : memref<1x6x1024xf32, #tpu.memory_space<vmem>>, vector<1x6x1024xf32>
    %get3A_3 = vector.shape_cast %get3A_2 : vector<1x6x1024xf32> to vector<6x1024xf32>
    %get3A_4 = arith.constant 0 : index
    %get3A_5 = arith.constant 0 : index
    %get3A_6 = vector.load %arg1[%get3A_4, %get3A_5] : memref<1024x512xf32, #tpu.memory_space<vmem>>, vector<1024x512xf32>
    %dot_general3A = arith.constant dense<0.000000e+00> : vector<6x512xf32>
    %dot_general3A_7 = tpu.matmul %get3A_3, %get3A_6, %dot_general3A {dimension_numbers = #tpu.dot_dimension_numbers<[1], [0], [0], [1], [0, 0, 1, 1], [], []>, transpose_lhs_hint = false} : vector<6x1024xf32>, vector<1024x512xf32>, vector<6x512xf32> -> vector<6x512xf32>
    %get3A_8 = arith.constant 0 : index
    %get3A_9 = arith.constant 0 : index
    %get3A_10 = vector.load %arg2[%get3A_8, %get3A_9] : memref<1x512xf32, #tpu.memory_space<vmem>>, vector<1x512xf32>
    %add3A = vector.broadcast %get3A_10 : vector<1x512xf32> to vector<6x512xf32>
    %add3A_11 = arith.addf %dot_general3A_7, %add3A : vector<6x512xf32>
    %get3A_12 = arith.constant 0 : index
    %get3A_13 = arith.constant 0 : index
    %get3A_14 = vector.load %arg3[%get3A_12, %get3A_13] : memref<512x512xf32, #tpu.memory_space<vmem>>, vector<512x512xf32>
    %dot_general3A_15 = arith.constant dense<0.000000e+00> : vector<6x512xf32>
    %dot_general3A_16 = tpu.matmul %add3A_11, %get3A_14, %dot_general3A_15 {dimension_numbers = #tpu.dot_dimension_numbers<[1], [0], [0], [1], [0, 0, 1, 1], [], []>, transpose_lhs_hint = false} : vector<6x512xf32>, vector<512x512xf32>, vector<6x512xf32> -> vector<6x512xf32>
    %get3A_17 = arith.constant 0 : index
    %get3A_18 = arith.constant 0 : index
    %get3A_19 = vector.load %arg4[%get3A_17, %get3A_18] : memref<1x512xf32, #tpu.memory_space<vmem>>, vector<1x512xf32>
    %add3A_20 = vector.broadcast %get3A_19 : vector<1x512xf32> to vector<6x512xf32>
    %add3A_21 = arith.addf %dot_general3A_16, %add3A_20 : vector<6x512xf32>
    %swap3A = arith.constant 0 : index
    %swap3A_22 = arith.constant 0 : index
    %swap3A_23 = vector.load %arg5[%swap3A, %swap3A_22] : memref<6x512xf32, #tpu.memory_space<vmem>>, vector<6x512xf32>
    tpu.vector_store %arg5[%swap3A, %swap3A_22], %add3A_11 {strides = array<i32>} : memref<6x512xf32, #tpu.memory_space<vmem>>, vector<6x512xf32>,
    %swap3A_24 = arith.constant 0 : index
    %swap3A_25 = arith.constant 0 : index
    %swap3A_26 = vector.load %arg6[%swap3A_24, %swap3A_25] : memref<6x512xf32, #tpu.memory_space<vmem>>, vector<6x512xf32>
    tpu.vector_store %arg6[%swap3A_24, %swap3A_25], %add3A_21 {strides = array<i32>} : memref<6x512xf32, #tpu.memory_space<vmem>>, vector<6x512xf32>,
    return
  }
}

module attributes {stable_mosaic.version = 14 : i64} {
  func.func @_feat_body(%arg0: i32, %arg1: memref<2000x1024xf32, #tpu.memory_space<vmem>>, %arg2: memref<1024x512xf32, #tpu.memory_space<vmem>>, %arg3: memref<1x512xf32, #tpu.memory_space<vmem>>, %arg4: memref<1x512xf32, #tpu.memory_space<vmem>>, %arg5: memref<1x512xf32, #tpu.memory_space<vmem>>, %arg6: memref<512x512xf32, #tpu.memory_space<vmem>>, %arg7: memref<1x512xf32, #tpu.memory_space<vmem>>, %arg8: memref<6x512xf32, #tpu.memory_space<vmem>>, %arg9: memref<2000x512xf32, #tpu.memory_space<vmem>>, %arg10: memref<1x6x2000xf32, #tpu.memory_space<vmem>>, %arg11: memref<1x512xf32, #tpu.memory_space<vmem>>) attributes {dimension_semantics = [#tpu.dimension_semantics<arbitrary>], iteration_bounds = array<i64: 25>, scalar_prefetch = 0 : i64, scratch_operands = 0 : i64, tpu.core_type = #tpu.core_type<tc>, window_params = [{transform_indices = @transform_0, window_bounds = array<i64: 2000, 1024>}, {pipeline_mode = #tpu.pipeline_mode<synchronous>, transform_indices = @transform_1, window_bounds = array<i64: 1024, 512>}, {pipeline_mode = #tpu.pipeline_mode<synchronous>, transform_indices = @transform_2, window_bounds = array<i64: 1, 512>}, {pipeline_mode = #tpu.pipeline_mode<synchronous>, transform_indices = @transform_3, window_bounds = array<i64: 1, 512>}, {pipeline_mode = #tpu.pipeline_mode<synchronous>, transform_indices = @transform_4, window_bounds = array<i64: 1, 512>}, {pipeline_mode = #tpu.pipeline_mode<synchronous>, transform_indices = @transform_5, window_bounds = array<i64: 512, 512>}, {pipeline_mode = #tpu.pipeline_mode<synchronous>, transform_indices = @transform_6, window_bounds = array<i64: 1, 512>}, {pipeline_mode = #tpu.pipeline_mode<synchronous>, transform_indices = @transform_7, window_bounds = array<i64: 6, 512>}, {transform_indices = @transform_8, window_bounds = array<i64: 2000, 512>}, {transform_indices = @transform_9, window_bounds = array<i64: 1, 6, 2000>}, {pipeline_mode = #tpu.pipeline_mode<synchronous>, transform_indices = @transform_10, window_bounds = array<i64: 1, 512>}]} {
    %get3A = arith.constant 0 : index
    %get3A_0 = arith.constant 0 : index
    %get3A_1 = vector.load %arg1[%get3A, %get3A_0] : memref<2000x1024xf32, #tpu.memory_space<vmem>>, vector<2000x1024xf32>
    %get3A_2 = arith.constant 0 : index
    %get3A_3 = arith.constant 0 : index
    %get3A_4 = vector.load %arg2[%get3A_2, %get3A_3] : memref<1024x512xf32, #tpu.memory_space<vmem>>, vector<1024x512xf32>
    %dot_general3A = arith.constant dense<0.000000e+00> : vector<2000x512xf32>
    %dot_general3A_5 = tpu.matmul %get3A_1, %get3A_4, %dot_general3A {dimension_numbers = #tpu.dot_dimension_numbers<[1], [0], [0], [1], [0, 0, 1, 1], [], []>, transpose_lhs_hint = false} : vector<2000x1024xf32>, vector<1024x512xf32>, vector<2000x512xf32> -> vector<2000x512xf32>
    %get3A_6 = arith.constant 0 : index
    %get3A_7 = arith.constant 0 : index
    %get3A_8 = vector.load %arg3[%get3A_6, %get3A_7] : memref<1x512xf32, #tpu.memory_space<vmem>>, vector<1x512xf32>
    %add3A = vector.broadcast %get3A_8 : vector<1x512xf32> to vector<2000x512xf32>
    %add3A_9 = arith.addf %dot_general3A_5, %add3A : vector<2000x512xf32>
    %max3A = arith.constant 0.000000e+00 : f32
    %max3A_10 = vector.broadcast %max3A : f32 to vector<2000x512xf32>
    %max3A_11 = arith.maximumf %add3A_9, %max3A_10 : vector<2000x512xf32>
    %get3A_12 = arith.constant 0 : index
    %get3A_13 = arith.constant 0 : index
    %get3A_14 = vector.load %arg4[%get3A_12, %get3A_13] : memref<1x512xf32, #tpu.memory_space<vmem>>, vector<1x512xf32>
    %get3A_15 = arith.constant 0 : index
    %get3A_16 = arith.constant 0 : index
    %get3A_17 = vector.load %arg5[%get3A_15, %get3A_16] : memref<1x512xf32, #tpu.memory_space<vmem>>, vector<1x512xf32>
    %reduce_sum3A = arith.constant dense<0.000000e+00> : vector<2000xf32>
    %reduce_sum3A_18 = vector.multi_reduction <add>, %max3A_11, %reduce_sum3A [1] : vector<2000x512xf32> to vector<2000xf32>
    %broadcast_in_dim3A = vector.shape_cast %reduce_sum3A_18 : vector<2000xf32> to vector<2000x1xf32>
    %div3A = arith.constant 5.120000e+02 : f32
    %div3A_19 = vector.broadcast %div3A : f32 to vector<2000x1xf32>
    %div3A_20 = arith.divf %broadcast_in_dim3A, %div3A_19 : vector<2000x1xf32>
    %sub3A = vector.broadcast %div3A_20 : vector<2000x1xf32> to vector<2000x512xf32>
    %sub3A_21 = arith.subf %max3A_11, %sub3A : vector<2000x512xf32>
    %integer_pow3A = arith.mulf %sub3A_21, %sub3A_21 : vector<2000x512xf32>
    %reduce_sum3A_22 = arith.constant dense<0.000000e+00> : vector<2000xf32>
    %reduce_sum3A_23 = vector.multi_reduction <add>, %integer_pow3A, %reduce_sum3A_22 [1] : vector<2000x512xf32> to vector<2000xf32>
    %broadcast_in_dim3A_24 = vector.shape_cast %reduce_sum3A_23 : vector<2000xf32> to vector<2000x1xf32>
    %div3A_25 = arith.constant 5.120000e+02 : f32
    %div3A_26 = vector.broadcast %div3A_25 : f32 to vector<2000x1xf32>
    %div3A_27 = arith.divf %broadcast_in_dim3A_24, %div3A_26 : vector<2000x1xf32>
    %sub3A_28 = vector.broadcast %div3A_20 : vector<2000x1xf32> to vector<2000x512xf32>
    %sub3A_29 = arith.subf %max3A_11, %sub3A_28 : vector<2000x512xf32>
    %add3A_30 = arith.constant 9.99999997E-7 : f32
    %add3A_31 = vector.broadcast %add3A_30 : f32 to vector<2000x1xf32>
    %add3A_32 = arith.addf %div3A_27, %add3A_31 : vector<2000x1xf32>
    %sqrt3A = math.sqrt %add3A_32 : vector<2000x1xf32>
    %div3A_33 = vector.broadcast %sqrt3A : vector<2000x1xf32> to vector<2000x512xf32>
    %div3A_34 = arith.divf %sub3A_29, %div3A_33 : vector<2000x512xf32>
    %mul3A = vector.broadcast %get3A_14 : vector<1x512xf32> to vector<2000x512xf32>
    %mul3A_35 = arith.mulf %div3A_34, %mul3A : vector<2000x512xf32>
    %add3A_36 = vector.broadcast %get3A_17 : vector<1x512xf32> to vector<2000x512xf32>
    %add3A_37 = arith.addf %mul3A_35, %add3A_36 : vector<2000x512xf32>
    %swap3A = arith.constant 0 : index
    %swap3A_38 = arith.constant 0 : index
    %swap3A_39 = vector.load %arg9[%swap3A, %swap3A_38] : memref<2000x512xf32, #tpu.memory_space<vmem>>, vector<2000x512xf32>
    tpu.vector_store %arg9[%swap3A, %swap3A_38], %add3A_37 {strides = array<i32>} : memref<2000x512xf32, #tpu.memory_space<vmem>>, vector<2000x512xf32>,
    %get3A_40 = arith.constant 0 : index
    %get3A_41 = arith.constant 0 : index
    %get3A_42 = vector.load %arg6[%get3A_40, %get3A_41] : memref<512x512xf32, #tpu.memory_space<vmem>>, vector<512x512xf32>
    %dot_general3A_43 = arith.constant dense<0.000000e+00> : vector<2000x512xf32>
    %dot_general3A_44 = tpu.matmul %add3A_37, %get3A_42, %dot_general3A_43 {dimension_numbers = #tpu.dot_dimension_numbers<[1], [0], [0], [1], [0, 0, 1, 1], [], []>, transpose_lhs_hint = false} : vector<2000x512xf32>, vector<512x512xf32>, vector<2000x512xf32> -> vector<2000x512xf32>
    %get3A_45 = arith.constant 0 : index
    %get3A_46 = arith.constant 0 : index
    %get3A_47 = vector.load %arg7[%get3A_45, %get3A_46] : memref<1x512xf32, #tpu.memory_space<vmem>>, vector<1x512xf32>
    %add3A_48 = vector.broadcast %get3A_47 : vector<1x512xf32> to vector<2000x512xf32>
    %add3A_49 = arith.addf %dot_general3A_44, %add3A_48 : vector<2000x512xf32>
    %get3A_50 = arith.constant 0 : index
    %get3A_51 = arith.constant 0 : index
    %get3A_52 = vector.load %arg8[%get3A_50, %get3A_51] : memref<6x512xf32, #tpu.memory_space<vmem>>, vector<6x512xf32>
    %dot_general3A_53 = arith.constant dense<0.000000e+00> : vector<6x2000xf32>
    %dot_general3A_54 = tpu.matmul %get3A_52, %add3A_49, %dot_general3A_53 {dimension_numbers = #tpu.dot_dimension_numbers<[1], [1], [0], [0], [0, 0, 1, 0], [], []>, transpose_lhs_hint = false} : vector<6x512xf32>, vector<2000x512xf32>, vector<6x2000xf32> -> vector<6x2000xf32>
    %mul3A_55 = arith.constant 1.562500e-02 : f32
    %mul3A_56 = vector.broadcast %mul3A_55 : f32 to vector<6x2000xf32>
    %mul3A_57 = arith.mulf %dot_general3A_54, %mul3A_56 : vector<6x2000xf32>
    %swap3A_58 = arith.constant 0 : index
    %swap3A_59 = arith.constant 0 : index
    %swap3A_60 = arith.constant 0 : index
    %swap3A_61 = vector.load %arg10[%swap3A_58, %swap3A_59, %swap3A_60] : memref<1x6x2000xf32, #tpu.memory_space<vmem>>, vector<1x6x2000xf32>
    %swap3A_62 = vector.shape_cast %swap3A_61 : vector<1x6x2000xf32> to vector<6x2000xf32>
    %swap3A_63 = vector.shape_cast %mul3A_57 : vector<6x2000xf32> to vector<1x6x2000xf32>
    tpu.vector_store %arg10[%swap3A_58, %swap3A_59, %swap3A_60], %swap3A_63 {strides = array<i32>} : memref<1x6x2000xf32, #tpu.memory_space<vmem>>, vector<1x6x2000xf32>,
    %eq3A = arith.constant 0 : i32
    %eq3A_64 = arith.cmpi eq, %arg0, %eq3A : i32
    %convert_element_type3A = arith.extui %eq3A_64 : i1 to i32
    %cond3A = arith.constant 0 : i32
    %cond3A_65 = arith.cmpi ne, %convert_element_type3A, %cond3A : i32
    scf.if %cond3A_65 {
      %broadcast_in_dim3A_76 = arith.constant 0.000000e+00 : f32
      %broadcast_in_dim3A_77 = vector.broadcast %broadcast_in_dim3A_76 : f32 to vector<1x512xf32>
      %swap3A_78 = arith.constant 0 : index
      %swap3A_79 = arith.constant 0 : index
      %swap3A_80 = vector.load %arg11[%swap3A_78, %swap3A_79] : memref<1x512xf32, #tpu.memory_space<vmem>>, vector<1x512xf32>
      tpu.vector_store %arg11[%swap3A_78, %swap3A_79], %broadcast_in_dim3A_77 {strides = array<i32>} : memref<1x512xf32, #tpu.memory_space<vmem>>, vector<1x512xf32>,
    } else {
    }
    %get3A_66 = arith.constant 0 : index
    %get3A_67 = arith.constant 0 : index
    %get3A_68 = vector.load %arg11[%get3A_66, %get3A_67] : memref<1x512xf32, #tpu.memory_space<vmem>>, vector<1x512xf32>
    %reduce_sum3A_69 = arith.constant dense<0.000000e+00> : vector<512xf32>
    %reduce_sum3A_70 = vector.multi_reduction <add>, %add3A_37, %reduce_sum3A_69 [0] : vector<2000x512xf32> to vector<512xf32>
    %broadcast_in_dim3A_71 = vector.shape_cast %reduce_sum3A_70 : vector<512xf32> to vector<1x512xf32>
    %add3A_72 = arith.addf %get3A_68, %broadcast_in_dim3A_71 : vector<1x512xf32>
    %swap3A_73 = arith.constant 0 : index
    %swap3A_74 = arith.constant 0 : index
    %swap3A_75 = vector.load %arg11[%swap3A_73, %swap3A_74] : memref<1x512xf32, #tpu.memory_space<vmem>>, vector<1x512xf32>
    tpu.vector_store %arg11[%swap3A_73, %swap3A_74], %add3A_72 {strides = array<i32>} : memref<1x512xf32, #tpu.memory_space<vmem>>, vector<1x512xf32>,
    return
  }
  func.func @transform_0(%arg0: i32) -> (i32, i32) {
    %c0_i32 = arith.constant 0 : i32
    %c0_i32_0 = arith.constant 0 : i32
    return %arg0, %c0_i32 : i32, i32
  }
  func.func @transform_1(%arg0: i32) -> (i32, i32) {
    %c0_i32 = arith.constant 0 : i32
    %c0_i32_0 = arith.constant 0 : i32
    %c0_i32_1 = arith.constant 0 : i32
    return %c0_i32, %c0_i32_0 : i32, i32
  }
  func.func @transform_2(%arg0: i32) -> (i32, i32) {
    %c0_i32 = arith.constant 0 : i32
    %c0_i32_0 = arith.constant 0 : i32
    %c0_i32_1 = arith.constant 0 : i32
    return %c0_i32, %c0_i32_0 : i32, i32
  }
  func.func @transform_3(%arg0: i32) -> (i32, i32) {
    %c0_i32 = arith.constant 0 : i32
    %c0_i32_0 = arith.constant 0 : i32
    %c0_i32_1 = arith.constant 0 : i32
    return %c0_i32, %c0_i32_0 : i32, i32
  }
  func.func @transform_4(%arg0: i32) -> (i32, i32) {
    %c0_i32 = arith.constant 0 : i32
    %c0_i32_0 = arith.constant 0 : i32
    %c0_i32_1 = arith.constant 0 : i32
    return %c0_i32, %c0_i32_0 : i32, i32
  }
  func.func @transform_5(%arg0: i32) -> (i32, i32) {
    %c0_i32 = arith.constant 0 : i32
    %c0_i32_0 = arith.constant 0 : i32
    %c0_i32_1 = arith.constant 0 : i32
    return %c0_i32, %c0_i32_0 : i32, i32
  }
  func.func @transform_6(%arg0: i32) -> (i32, i32) {
    %c0_i32 = arith.constant 0 : i32
    %c0_i32_0 = arith.constant 0 : i32
    %c0_i32_1 = arith.constant 0 : i32
    return %c0_i32, %c0_i32_0 : i32, i32
  }
  func.func @transform_7(%arg0: i32) -> (i32, i32) {
    %c0_i32 = arith.constant 0 : i32
    %c0_i32_0 = arith.constant 0 : i32
    %c0_i32_1 = arith.constant 0 : i32
    return %c0_i32, %c0_i32_0 : i32, i32
  }
  func.func @transform_8(%arg0: i32) -> (i32, i32) {
    %c0_i32 = arith.constant 0 : i32
    %c0_i32_0 = arith.constant 0 : i32
    return %arg0, %c0_i32 : i32, i32
  }
  func.func @transform_9(%arg0: i32) -> (i32, i32, i32) {
    %c0_i32 = arith.constant 0 : i32
    %c0_i32_0 = arith.constant 0 : i32
    %c0_i32_1 = arith.constant 0 : i32
    return %arg0, %c0_i32, %c0_i32_0 : i32, i32, i32
  }
  func.func @transform_10(%arg0: i32) -> (i32, i32) {
    %c0_i32 = arith.constant 0 : i32
    %c0_i32_0 = arith.constant 0 : i32
    %c0_i32_1 = arith.constant 0 : i32
    return %c0_i32, %c0_i32_0 : i32, i32
  }
}

module attributes {stable_mosaic.version = 14 : i64} {
  func.func @_thr_body(%arg0: memref<25x6x2000xf32, #tpu.memory_space<vmem>>, %arg1: memref<6x16xi32, #tpu.memory_space<vmem>>, %arg2: memref<6x16xi32, #tpu.memory_space<vmem>>) attributes {dimension_semantics = [], scalar_prefetch = 0 : i64, scratch_operands = 0 : i64, tpu.core_type = #tpu.core_type<tc>} {
    %get3A = arith.constant 0 : index
    %get3A_0 = arith.constant 0 : index
    %get3A_1 = arith.constant 0 : index
    %get3A_2 = vector.load %arg0[%get3A, %get3A_0, %get3A_1] : memref<25x6x2000xf32, #tpu.memory_space<vmem>>, vector<25x6x2000xf32>
    %bitcast_convert_type3A = tpu.bitcast %get3A_2 : vector<25x6x2000xf32> -> vector<25x6x2000xi32>
    %shift_right_arithmetic3A = arith.constant 31 : i32
    %shift_right_arithmetic3A_3 = vector.broadcast %shift_right_arithmetic3A : i32 to vector<25x6x2000xi32>
    %shift_right_arithmetic3A_4 = arith.shrsi %bitcast_convert_type3A, %shift_right_arithmetic3A_3 : vector<25x6x2000xi32>
    %and3A = arith.constant 2147483647 : i32
    %and3A_5 = vector.broadcast %and3A : i32 to vector<25x6x2000xi32>
    %and3A_6 = arith.andi %shift_right_arithmetic3A_4, %and3A_5 : vector<25x6x2000xi32>
    %xor3A = arith.xori %bitcast_convert_type3A, %and3A_6 : vector<25x6x2000xi32>
    %ge3A = arith.constant 0 : i32
    %ge3A_7 = vector.broadcast %ge3A : i32 to vector<25x6x2000xi32>
    %ge3A_8 = arith.cmpi sge, %xor3A, %ge3A_7 : vector<25x6x2000xi32>
    %convert_element_type3A = arith.extui %ge3A_8 : vector<25x6x2000xi1> to vector<25x6x2000xi32>
    %reduce_sum3A = arith.constant dense<0> : vector<6xi32>
    %reduce_sum3A_9 = vector.multi_reduction <add>, %convert_element_type3A, %reduce_sum3A [0, 2] : vector<25x6x2000xi32> to vector<6xi32>
    %broadcast_in_dim3A = vector.shape_cast %reduce_sum3A_9 : vector<6xi32> to vector<1x6x1xi32>
    %ge3A_10 = arith.constant 5000 : i32
    %ge3A_11 = vector.broadcast %ge3A_10 : i32 to vector<1x6x1xi32>
    %ge3A_12 = arith.cmpi sge, %broadcast_in_dim3A, %ge3A_11 : vector<1x6x1xi32>
    %jit3A = arith.constant 0 : i32
    %jit3A_13 = arith.constant -2147483648 : i32
    %broadcast_in_dim3A_14 = vector.broadcast %jit3A : i32 to vector<1x6x1xi32>
    %broadcast_in_dim3A_15 = vector.broadcast %jit3A_13 : i32 to vector<1x6x1xi32>
    %select_n3A = arith.select %ge3A_12, %broadcast_in_dim3A_14, %broadcast_in_dim3A_15 : vector<1x6x1xi1>, vector<1x6x1xi32>
    %or3A = arith.constant 1073741824 : i32
    %or3A_16 = vector.broadcast %or3A : i32 to vector<1x6x1xi32>
    %or3A_17 = arith.ori %select_n3A, %or3A_16 : vector<1x6x1xi32>
    %ge3A_18 = vector.broadcast %or3A_17 : vector<1x6x1xi32> to vector<25x6x2000xi32>
    %ge3A_19 = arith.cmpi sge, %xor3A, %ge3A_18 : vector<25x6x2000xi32>
    %convert_element_type3A_20 = arith.extui %ge3A_19 : vector<25x6x2000xi1> to vector<25x6x2000xi32>
    %reduce_sum3A_21 = arith.constant dense<0> : vector<6xi32>
    %reduce_sum3A_22 = vector.multi_reduction <add>, %convert_element_type3A_20, %reduce_sum3A_21 [0, 2] : vector<25x6x2000xi32> to vector<6xi32>
    %broadcast_in_dim3A_23 = vector.shape_cast %reduce_sum3A_22 : vector<6xi32> to vector<1x6x1xi32>
    %ge3A_24 = arith.constant 5000 : i32
    %ge3A_25 = vector.broadcast %ge3A_24 : i32 to vector<1x6x1xi32>
    %ge3A_26 = arith.cmpi sge, %broadcast_in_dim3A_23, %ge3A_25 : vector<1x6x1xi32>
    %select_n3A_27 = arith.select %ge3A_26, %or3A_17, %select_n3A : vector<1x6x1xi1>, vector<1x6x1xi32>
    %or3A_28 = arith.constant 536870912 : i32
    %or3A_29 = vector.broadcast %or3A_28 : i32 to vector<1x6x1xi32>
    %or3A_30 = arith.ori %select_n3A_27, %or3A_29 : vector<1x6x1xi32>
    %ge3A_31 = vector.broadcast %or3A_30 : vector<1x6x1xi32> to vector<25x6x2000xi32>
    %ge3A_32 = arith.cmpi sge, %xor3A, %ge3A_31 : vector<25x6x2000xi32>
    %convert_element_type3A_33 = arith.extui %ge3A_32 : vector<25x6x2000xi1> to vector<25x6x2000xi32>
    %reduce_sum3A_34 = arith.constant dense<0> : vector<6xi32>
    %reduce_sum3A_35 = vector.multi_reduction <add>, %convert_element_type3A_33, %reduce_sum3A_34 [0, 2] : vector<25x6x2000xi32> to vector<6xi32>
    %broadcast_in_dim3A_36 = vector.shape_cast %reduce_sum3A_35 : vector<6xi32> to vector<1x6x1xi32>
    %ge3A_37 = arith.constant 5000 : i32
    %ge3A_38 = vector.broadcast %ge3A_37 : i32 to vector<1x6x1xi32>
    %ge3A_39 = arith.cmpi sge, %broadcast_in_dim3A_36, %ge3A_38 : vector<1x6x1xi32>
    %select_n3A_40 = arith.select %ge3A_39, %or3A_30, %select_n3A_27 : vector<1x6x1xi1>, vector<1x6x1xi32>
    %or3A_41 = arith.constant 268435456 : i32
    %or3A_42 = vector.broadcast %or3A_41 : i32 to vector<1x6x1xi32>
    %or3A_43 = arith.ori %select_n3A_40, %or3A_42 : vector<1x6x1xi32>
    %ge3A_44 = vector.broadcast %or3A_43 : vector<1x6x1xi32> to vector<25x6x2000xi32>
    %ge3A_45 = arith.cmpi sge, %xor3A, %ge3A_44 : vector<25x6x2000xi32>
    %convert_element_type3A_46 = arith.extui %ge3A_45 : vector<25x6x2000xi1> to vector<25x6x2000xi32>
    %reduce_sum3A_47 = arith.constant dense<0> : vector<6xi32>
    %reduce_sum3A_48 = vector.multi_reduction <add>, %convert_element_type3A_46, %reduce_sum3A_47 [0, 2] : vector<25x6x2000xi32> to vector<6xi32>
    %broadcast_in_dim3A_49 = vector.shape_cast %reduce_sum3A_48 : vector<6xi32> to vector<1x6x1xi32>
    %ge3A_50 = arith.constant 5000 : i32
    %ge3A_51 = vector.broadcast %ge3A_50 : i32 to vector<1x6x1xi32>
    %ge3A_52 = arith.cmpi sge, %broadcast_in_dim3A_49, %ge3A_51 : vector<1x6x1xi32>
    %select_n3A_53 = arith.select %ge3A_52, %or3A_43, %select_n3A_40 : vector<1x6x1xi1>, vector<1x6x1xi32>
    %or3A_54 = arith.constant 134217728 : i32
    %or3A_55 = vector.broadcast %or3A_54 : i32 to vector<1x6x1xi32>
    %or3A_56 = arith.ori %select_n3A_53, %or3A_55 : vector<1x6x1xi32>
    %ge3A_57 = vector.broadcast %or3A_56 : vector<1x6x1xi32> to vector<25x6x2000xi32>
    %ge3A_58 = arith.cmpi sge, %xor3A, %ge3A_57 : vector<25x6x2000xi32>
    %convert_element_type3A_59 = arith.extui %ge3A_58 : vector<25x6x2000xi1> to vector<25x6x2000xi32>
    %reduce_sum3A_60 = arith.constant dense<0> : vector<6xi32>
    %reduce_sum3A_61 = vector.multi_reduction <add>, %convert_element_type3A_59, %reduce_sum3A_60 [0, 2] : vector<25x6x2000xi32> to vector<6xi32>
    %broadcast_in_dim3A_62 = vector.shape_cast %reduce_sum3A_61 : vector<6xi32> to vector<1x6x1xi32>
    %ge3A_63 = arith.constant 5000 : i32
    %ge3A_64 = vector.broadcast %ge3A_63 : i32 to vector<1x6x1xi32>
    %ge3A_65 = arith.cmpi sge, %broadcast_in_dim3A_62, %ge3A_64 : vector<1x6x1xi32>
    %select_n3A_66 = arith.select %ge3A_65, %or3A_56, %select_n3A_53 : vector<1x6x1xi1>, vector<1x6x1xi32>
    %or3A_67 = arith.constant 67108864 : i32
    %or3A_68 = vector.broadcast %or3A_67 : i32 to vector<1x6x1xi32>
    %or3A_69 = arith.ori %select_n3A_66, %or3A_68 : vector<1x6x1xi32>
    %ge3A_70 = vector.broadcast %or3A_69 : vector<1x6x1xi32> to vector<25x6x2000xi32>
    %ge3A_71 = arith.cmpi sge, %xor3A, %ge3A_70 : vector<25x6x2000xi32>
    %convert_element_type3A_72 = arith.extui %ge3A_71 : vector<25x6x2000xi1> to vector<25x6x2000xi32>
    %reduce_sum3A_73 = arith.constant dense<0> : vector<6xi32>
    %reduce_sum3A_74 = vector.multi_reduction <add>, %convert_element_type3A_72, %reduce_sum3A_73 [0, 2] : vector<25x6x2000xi32> to vector<6xi32>
    %broadcast_in_dim3A_75 = vector.shape_cast %reduce_sum3A_74 : vector<6xi32> to vector<1x6x1xi32>
    %ge3A_76 = arith.constant 5000 : i32
    %ge3A_77 = vector.broadcast %ge3A_76 : i32 to vector<1x6x1xi32>
    %ge3A_78 = arith.cmpi sge, %broadcast_in_dim3A_75, %ge3A_77 : vector<1x6x1xi32>
    %select_n3A_79 = arith.select %ge3A_78, %or3A_69, %select_n3A_66 : vector<1x6x1xi1>, vector<1x6x1xi32>
    %or3A_80 = arith.constant 33554432 : i32
    %or3A_81 = vector.broadcast %or3A_80 : i32 to vector<1x6x1xi32>
    %or3A_82 = arith.ori %select_n3A_79, %or3A_81 : vector<1x6x1xi32>
    %ge3A_83 = vector.broadcast %or3A_82 : vector<1x6x1xi32> to vector<25x6x2000xi32>
    %ge3A_84 = arith.cmpi sge, %xor3A, %ge3A_83 : vector<25x6x2000xi32>
    %convert_element_type3A_85 = arith.extui %ge3A_84 : vector<25x6x2000xi1> to vector<25x6x2000xi32>
    %reduce_sum3A_86 = arith.constant dense<0> : vector<6xi32>
    %reduce_sum3A_87 = vector.multi_reduction <add>, %convert_element_type3A_85, %reduce_sum3A_86 [0, 2] : vector<25x6x2000xi32> to vector<6xi32>
    %broadcast_in_dim3A_88 = vector.shape_cast %reduce_sum3A_87 : vector<6xi32> to vector<1x6x1xi32>
    %ge3A_89 = arith.constant 5000 : i32
    %ge3A_90 = vector.broadcast %ge3A_89 : i32 to vector<1x6x1xi32>
    %ge3A_91 = arith.cmpi sge, %broadcast_in_dim3A_88, %ge3A_90 : vector<1x6x1xi32>
    %select_n3A_92 = arith.select %ge3A_91, %or3A_82, %select_n3A_79 : vector<1x6x1xi1>, vector<1x6x1xi32>
    %or3A_93 = arith.constant 16777216 : i32
    %or3A_94 = vector.broadcast %or3A_93 : i32 to vector<1x6x1xi32>
    %or3A_95 = arith.ori %select_n3A_92, %or3A_94 : vector<1x6x1xi32>
    %ge3A_96 = vector.broadcast %or3A_95 : vector<1x6x1xi32> to vector<25x6x2000xi32>
    %ge3A_97 = arith.cmpi sge, %xor3A, %ge3A_96 : vector<25x6x2000xi32>
    %convert_element_type3A_98 = arith.extui %ge3A_97 : vector<25x6x2000xi1> to vector<25x6x2000xi32>
    %reduce_sum3A_99 = arith.constant dense<0> : vector<6xi32>
    %reduce_sum3A_100 = vector.multi_reduction <add>, %convert_element_type3A_98, %reduce_sum3A_99 [0, 2] : vector<25x6x2000xi32> to vector<6xi32>
    %broadcast_in_dim3A_101 = vector.shape_cast %reduce_sum3A_100 : vector<6xi32> to vector<1x6x1xi32>
    %ge3A_102 = arith.constant 5000 : i32
    %ge3A_103 = vector.broadcast %ge3A_102 : i32 to vector<1x6x1xi32>
    %ge3A_104 = arith.cmpi sge, %broadcast_in_dim3A_101, %ge3A_103 : vector<1x6x1xi32>
    %select_n3A_105 = arith.select %ge3A_104, %or3A_95, %select_n3A_92 : vector<1x6x1xi1>, vector<1x6x1xi32>
    %or3A_106 = arith.constant 8388608 : i32
    %or3A_107 = vector.broadcast %or3A_106 : i32 to vector<1x6x1xi32>
    %or3A_108 = arith.ori %select_n3A_105, %or3A_107 : vector<1x6x1xi32>
    %ge3A_109 = vector.broadcast %or3A_108 : vector<1x6x1xi32> to vector<25x6x2000xi32>
    %ge3A_110 = arith.cmpi sge, %xor3A, %ge3A_109 : vector<25x6x2000xi32>
    %convert_element_type3A_111 = arith.extui %ge3A_110 : vector<25x6x2000xi1> to vector<25x6x2000xi32>
    %reduce_sum3A_112 = arith.constant dense<0> : vector<6xi32>
    %reduce_sum3A_113 = vector.multi_reduction <add>, %convert_element_type3A_111, %reduce_sum3A_112 [0, 2] : vector<25x6x2000xi32> to vector<6xi32>
    %broadcast_in_dim3A_114 = vector.shape_cast %reduce_sum3A_113 : vector<6xi32> to vector<1x6x1xi32>
    %ge3A_115 = arith.constant 5000 : i32
    %ge3A_116 = vector.broadcast %ge3A_115 : i32 to vector<1x6x1xi32>
    %ge3A_117 = arith.cmpi sge, %broadcast_in_dim3A_114, %ge3A_116 : vector<1x6x1xi32>
    %select_n3A_118 = arith.select %ge3A_117, %or3A_108, %select_n3A_105 : vector<1x6x1xi1>, vector<1x6x1xi32>
    %or3A_119 = arith.constant 4194304 : i32
    %or3A_120 = vector.broadcast %or3A_119 : i32 to vector<1x6x1xi32>
    %or3A_121 = arith.ori %select_n3A_118, %or3A_120 : vector<1x6x1xi32>
    %ge3A_122 = vector.broadcast %or3A_121 : vector<1x6x1xi32> to vector<25x6x2000xi32>
    %ge3A_123 = arith.cmpi sge, %xor3A, %ge3A_122 : vector<25x6x2000xi32>
    %convert_element_type3A_124 = arith.extui %ge3A_123 : vector<25x6x2000xi1> to vector<25x6x2000xi32>
    %reduce_sum3A_125 = arith.constant dense<0> : vector<6xi32>
    %reduce_sum3A_126 = vector.multi_reduction <add>, %convert_element_type3A_124, %reduce_sum3A_125 [0, 2] : vector<25x6x2000xi32> to vector<6xi32>
    %broadcast_in_dim3A_127 = vector.shape_cast %reduce_sum3A_126 : vector<6xi32> to vector<1x6x1xi32>
    %ge3A_128 = arith.constant 5000 : i32
    %ge3A_129 = vector.broadcast %ge3A_128 : i32 to vector<1x6x1xi32>
    %ge3A_130 = arith.cmpi sge, %broadcast_in_dim3A_127, %ge3A_129 : vector<1x6x1xi32>
    %select_n3A_131 = arith.select %ge3A_130, %or3A_121, %select_n3A_118 : vector<1x6x1xi1>, vector<1x6x1xi32>
    %or3A_132 = arith.constant 2097152 : i32
    %or3A_133 = vector.broadcast %or3A_132 : i32 to vector<1x6x1xi32>
    %or3A_134 = arith.ori %select_n3A_131, %or3A_133 : vector<1x6x1xi32>
    %ge3A_135 = vector.broadcast %or3A_134 : vector<1x6x1xi32> to vector<25x6x2000xi32>
    %ge3A_136 = arith.cmpi sge, %xor3A, %ge3A_135 : vector<25x6x2000xi32>
    %convert_element_type3A_137 = arith.extui %ge3A_136 : vector<25x6x2000xi1> to vector<25x6x2000xi32>
    %reduce_sum3A_138 = arith.constant dense<0> : vector<6xi32>
    %reduce_sum3A_139 = vector.multi_reduction <add>, %convert_element_type3A_137, %reduce_sum3A_138 [0, 2] : vector<25x6x2000xi32> to vector<6xi32>
    %broadcast_in_dim3A_140 = vector.shape_cast %reduce_sum3A_139 : vector<6xi32> to vector<1x6x1xi32>
    %ge3A_141 = arith.constant 5000 : i32
    %ge3A_142 = vector.broadcast %ge3A_141 : i32 to vector<1x6x1xi32>
    %ge3A_143 = arith.cmpi sge, %broadcast_in_dim3A_140, %ge3A_142 : vector<1x6x1xi32>
    %select_n3A_144 = arith.select %ge3A_143, %or3A_134, %select_n3A_131 : vector<1x6x1xi1>, vector<1x6x1xi32>
    %or3A_145 = arith.constant 1048576 : i32
    %or3A_146 = vector.broadcast %or3A_145 : i32 to vector<1x6x1xi32>
    %or3A_147 = arith.ori %select_n3A_144, %or3A_146 : vector<1x6x1xi32>
    %ge3A_148 = vector.broadcast %or3A_147 : vector<1x6x1xi32> to vector<25x6x2000xi32>
    %ge3A_149 = arith.cmpi sge, %xor3A, %ge3A_148 : vector<25x6x2000xi32>
    %convert_element_type3A_150 = arith.extui %ge3A_149 : vector<25x6x2000xi1> to vector<25x6x2000xi32>
    %reduce_sum3A_151 = arith.constant dense<0> : vector<6xi32>
    %reduce_sum3A_152 = vector.multi_reduction <add>, %convert_element_type3A_150, %reduce_sum3A_151 [0, 2] : vector<25x6x2000xi32> to vector<6xi32>
    %broadcast_in_dim3A_153 = vector.shape_cast %reduce_sum3A_152 : vector<6xi32> to vector<1x6x1xi32>
    %ge3A_154 = arith.constant 5000 : i32
    %ge3A_155 = vector.broadcast %ge3A_154 : i32 to vector<1x6x1xi32>
    %ge3A_156 = arith.cmpi sge, %broadcast_in_dim3A_153, %ge3A_155 : vector<1x6x1xi32>
    %select_n3A_157 = arith.select %ge3A_156, %or3A_147, %select_n3A_144 : vector<1x6x1xi1>, vector<1x6x1xi32>
    %or3A_158 = arith.constant 524288 : i32
    %or3A_159 = vector.broadcast %or3A_158 : i32 to vector<1x6x1xi32>
    %or3A_160 = arith.ori %select_n3A_157, %or3A_159 : vector<1x6x1xi32>
    %ge3A_161 = vector.broadcast %or3A_160 : vector<1x6x1xi32> to vector<25x6x2000xi32>
    %ge3A_162 = arith.cmpi sge, %xor3A, %ge3A_161 : vector<25x6x2000xi32>
    %convert_element_type3A_163 = arith.extui %ge3A_162 : vector<25x6x2000xi1> to vector<25x6x2000xi32>
    %reduce_sum3A_164 = arith.constant dense<0> : vector<6xi32>
    %reduce_sum3A_165 = vector.multi_reduction <add>, %convert_element_type3A_163, %reduce_sum3A_164 [0, 2] : vector<25x6x2000xi32> to vector<6xi32>
    %broadcast_in_dim3A_166 = vector.shape_cast %reduce_sum3A_165 : vector<6xi32> to vector<1x6x1xi32>
    %ge3A_167 = arith.constant 5000 : i32
    %ge3A_168 = vector.broadcast %ge3A_167 : i32 to vector<1x6x1xi32>
    %ge3A_169 = arith.cmpi sge, %broadcast_in_dim3A_166, %ge3A_168 : vector<1x6x1xi32>
    %select_n3A_170 = arith.select %ge3A_169, %or3A_160, %select_n3A_157 : vector<1x6x1xi1>, vector<1x6x1xi32>
    %or3A_171 = arith.constant 262144 : i32
    %or3A_172 = vector.broadcast %or3A_171 : i32 to vector<1x6x1xi32>
    %or3A_173 = arith.ori %select_n3A_170, %or3A_172 : vector<1x6x1xi32>
    %ge3A_174 = vector.broadcast %or3A_173 : vector<1x6x1xi32> to vector<25x6x2000xi32>
    %ge3A_175 = arith.cmpi sge, %xor3A, %ge3A_174 : vector<25x6x2000xi32>
    %convert_element_type3A_176 = arith.extui %ge3A_175 : vector<25x6x2000xi1> to vector<25x6x2000xi32>
    %reduce_sum3A_177 = arith.constant dense<0> : vector<6xi32>
    %reduce_sum3A_178 = vector.multi_reduction <add>, %convert_element_type3A_176, %reduce_sum3A_177 [0, 2] : vector<25x6x2000xi32> to vector<6xi32>
    %broadcast_in_dim3A_179 = vector.shape_cast %reduce_sum3A_178 : vector<6xi32> to vector<1x6x1xi32>
    %ge3A_180 = arith.constant 5000 : i32
    %ge3A_181 = vector.broadcast %ge3A_180 : i32 to vector<1x6x1xi32>
    %ge3A_182 = arith.cmpi sge, %broadcast_in_dim3A_179, %ge3A_181 : vector<1x6x1xi32>
    %select_n3A_183 = arith.select %ge3A_182, %or3A_173, %select_n3A_170 : vector<1x6x1xi1>, vector<1x6x1xi32>
    %or3A_184 = arith.constant 131072 : i32
    %or3A_185 = vector.broadcast %or3A_184 : i32 to vector<1x6x1xi32>
    %or3A_186 = arith.ori %select_n3A_183, %or3A_185 : vector<1x6x1xi32>
    %ge3A_187 = vector.broadcast %or3A_186 : vector<1x6x1xi32> to vector<25x6x2000xi32>
    %ge3A_188 = arith.cmpi sge, %xor3A, %ge3A_187 : vector<25x6x2000xi32>
    %convert_element_type3A_189 = arith.extui %ge3A_188 : vector<25x6x2000xi1> to vector<25x6x2000xi32>
    %reduce_sum3A_190 = arith.constant dense<0> : vector<6xi32>
    %reduce_sum3A_191 = vector.multi_reduction <add>, %convert_element_type3A_189, %reduce_sum3A_190 [0, 2] : vector<25x6x2000xi32> to vector<6xi32>
    %broadcast_in_dim3A_192 = vector.shape_cast %reduce_sum3A_191 : vector<6xi32> to vector<1x6x1xi32>
    %ge3A_193 = arith.constant 5000 : i32
    %ge3A_194 = vector.broadcast %ge3A_193 : i32 to vector<1x6x1xi32>
    %ge3A_195 = arith.cmpi sge, %broadcast_in_dim3A_192, %ge3A_194 : vector<1x6x1xi32>
    %select_n3A_196 = arith.select %ge3A_195, %or3A_186, %select_n3A_183 : vector<1x6x1xi1>, vector<1x6x1xi32>
    %or3A_197 = arith.constant 65536 : i32
    %or3A_198 = vector.broadcast %or3A_197 : i32 to vector<1x6x1xi32>
    %or3A_199 = arith.ori %select_n3A_196, %or3A_198 : vector<1x6x1xi32>
    %ge3A_200 = vector.broadcast %or3A_199 : vector<1x6x1xi32> to vector<25x6x2000xi32>
    %ge3A_201 = arith.cmpi sge, %xor3A, %ge3A_200 : vector<25x6x2000xi32>
    %convert_element_type3A_202 = arith.extui %ge3A_201 : vector<25x6x2000xi1> to vector<25x6x2000xi32>
    %reduce_sum3A_203 = arith.constant dense<0> : vector<6xi32>
    %reduce_sum3A_204 = vector.multi_reduction <add>, %convert_element_type3A_202, %reduce_sum3A_203 [0, 2] : vector<25x6x2000xi32> to vector<6xi32>
    %broadcast_in_dim3A_205 = vector.shape_cast %reduce_sum3A_204 : vector<6xi32> to vector<1x6x1xi32>
    %ge3A_206 = arith.constant 5000 : i32
    %ge3A_207 = vector.broadcast %ge3A_206 : i32 to vector<1x6x1xi32>
    %ge3A_208 = arith.cmpi sge, %broadcast_in_dim3A_205, %ge3A_207 : vector<1x6x1xi32>
    %select_n3A_209 = arith.select %ge3A_208, %or3A_199, %select_n3A_196 : vector<1x6x1xi1>, vector<1x6x1xi32>
    %or3A_210 = arith.constant 32768 : i32
    %or3A_211 = vector.broadcast %or3A_210 : i32 to vector<1x6x1xi32>
    %or3A_212 = arith.ori %select_n3A_209, %or3A_211 : vector<1x6x1xi32>
    %ge3A_213 = vector.broadcast %or3A_212 : vector<1x6x1xi32> to vector<25x6x2000xi32>
    %ge3A_214 = arith.cmpi sge, %xor3A, %ge3A_213 : vector<25x6x2000xi32>
    %convert_element_type3A_215 = arith.extui %ge3A_214 : vector<25x6x2000xi1> to vector<25x6x2000xi32>
    %reduce_sum3A_216 = arith.constant dense<0> : vector<6xi32>
    %reduce_sum3A_217 = vector.multi_reduction <add>, %convert_element_type3A_215, %reduce_sum3A_216 [0, 2] : vector<25x6x2000xi32> to vector<6xi32>
    %broadcast_in_dim3A_218 = vector.shape_cast %reduce_sum3A_217 : vector<6xi32> to vector<1x6x1xi32>
    %ge3A_219 = arith.constant 5000 : i32
    %ge3A_220 = vector.broadcast %ge3A_219 : i32 to vector<1x6x1xi32>
    %ge3A_221 = arith.cmpi sge, %broadcast_in_dim3A_218, %ge3A_220 : vector<1x6x1xi32>
    %select_n3A_222 = arith.select %ge3A_221, %or3A_212, %select_n3A_209 : vector<1x6x1xi1>, vector<1x6x1xi32>
    %or3A_223 = arith.constant 16384 : i32
    %or3A_224 = vector.broadcast %or3A_223 : i32 to vector<1x6x1xi32>
    %or3A_225 = arith.ori %select_n3A_222, %or3A_224 : vector<1x6x1xi32>
    %ge3A_226 = vector.broadcast %or3A_225 : vector<1x6x1xi32> to vector<25x6x2000xi32>
    %ge3A_227 = arith.cmpi sge, %xor3A, %ge3A_226 : vector<25x6x2000xi32>
    %convert_element_type3A_228 = arith.extui %ge3A_227 : vector<25x6x2000xi1> to vector<25x6x2000xi32>
    %reduce_sum3A_229 = arith.constant dense<0> : vector<6xi32>
    %reduce_sum3A_230 = vector.multi_reduction <add>, %convert_element_type3A_228, %reduce_sum3A_229 [0, 2] : vector<25x6x2000xi32> to vector<6xi32>
    %broadcast_in_dim3A_231 = vector.shape_cast %reduce_sum3A_230 : vector<6xi32> to vector<1x6x1xi32>
    %ge3A_232 = arith.constant 5000 : i32
    %ge3A_233 = vector.broadcast %ge3A_232 : i32 to vector<1x6x1xi32>
    %ge3A_234 = arith.cmpi sge, %broadcast_in_dim3A_231, %ge3A_233 : vector<1x6x1xi32>
    %select_n3A_235 = arith.select %ge3A_234, %or3A_225, %select_n3A_222 : vector<1x6x1xi1>, vector<1x6x1xi32>
    %or3A_236 = arith.constant 8192 : i32
    %or3A_237 = vector.broadcast %or3A_236 : i32 to vector<1x6x1xi32>
    %or3A_238 = arith.ori %select_n3A_235, %or3A_237 : vector<1x6x1xi32>
    %ge3A_239 = vector.broadcast %or3A_238 : vector<1x6x1xi32> to vector<25x6x2000xi32>
    %ge3A_240 = arith.cmpi sge, %xor3A, %ge3A_239 : vector<25x6x2000xi32>
    %convert_element_type3A_241 = arith.extui %ge3A_240 : vector<25x6x2000xi1> to vector<25x6x2000xi32>
    %reduce_sum3A_242 = arith.constant dense<0> : vector<6xi32>
    %reduce_sum3A_243 = vector.multi_reduction <add>, %convert_element_type3A_241, %reduce_sum3A_242 [0, 2] : vector<25x6x2000xi32> to vector<6xi32>
    %broadcast_in_dim3A_244 = vector.shape_cast %reduce_sum3A_243 : vector<6xi32> to vector<1x6x1xi32>
    %ge3A_245 = arith.constant 5000 : i32
    %ge3A_246 = vector.broadcast %ge3A_245 : i32 to vector<1x6x1xi32>
    %ge3A_247 = arith.cmpi sge, %broadcast_in_dim3A_244, %ge3A_246 : vector<1x6x1xi32>
    %select_n3A_248 = arith.select %ge3A_247, %or3A_238, %select_n3A_235 : vector<1x6x1xi1>, vector<1x6x1xi32>
    %or3A_249 = arith.constant 4096 : i32
    %or3A_250 = vector.broadcast %or3A_249 : i32 to vector<1x6x1xi32>
    %or3A_251 = arith.ori %select_n3A_248, %or3A_250 : vector<1x6x1xi32>
    %ge3A_252 = vector.broadcast %or3A_251 : vector<1x6x1xi32> to vector<25x6x2000xi32>
    %ge3A_253 = arith.cmpi sge, %xor3A, %ge3A_252 : vector<25x6x2000xi32>
    %convert_element_type3A_254 = arith.extui %ge3A_253 : vector<25x6x2000xi1> to vector<25x6x2000xi32>
    %reduce_sum3A_255 = arith.constant dense<0> : vector<6xi32>
    %reduce_sum3A_256 = vector.multi_reduction <add>, %convert_element_type3A_254, %reduce_sum3A_255 [0, 2] : vector<25x6x2000xi32> to vector<6xi32>
    %broadcast_in_dim3A_257 = vector.shape_cast %reduce_sum3A_256 : vector<6xi32> to vector<1x6x1xi32>
    %ge3A_258 = arith.constant 5000 : i32
    %ge3A_259 = vector.broadcast %ge3A_258 : i32 to vector<1x6x1xi32>
    %ge3A_260 = arith.cmpi sge, %broadcast_in_dim3A_257, %ge3A_259 : vector<1x6x1xi32>
    %select_n3A_261 = arith.select %ge3A_260, %or3A_251, %select_n3A_248 : vector<1x6x1xi1>, vector<1x6x1xi32>
    %or3A_262 = arith.constant 2048 : i32
    %or3A_263 = vector.broadcast %or3A_262 : i32 to vector<1x6x1xi32>
    %or3A_264 = arith.ori %select_n3A_261, %or3A_263 : vector<1x6x1xi32>
    %ge3A_265 = vector.broadcast %or3A_264 : vector<1x6x1xi32> to vector<25x6x2000xi32>
    %ge3A_266 = arith.cmpi sge, %xor3A, %ge3A_265 : vector<25x6x2000xi32>
    %convert_element_type3A_267 = arith.extui %ge3A_266 : vector<25x6x2000xi1> to vector<25x6x2000xi32>
    %reduce_sum3A_268 = arith.constant dense<0> : vector<6xi32>
    %reduce_sum3A_269 = vector.multi_reduction <add>, %convert_element_type3A_267, %reduce_sum3A_268 [0, 2] : vector<25x6x2000xi32> to vector<6xi32>
    %broadcast_in_dim3A_270 = vector.shape_cast %reduce_sum3A_269 : vector<6xi32> to vector<1x6x1xi32>
    %ge3A_271 = arith.constant 5000 : i32
    %ge3A_272 = vector.broadcast %ge3A_271 : i32 to vector<1x6x1xi32>
    %ge3A_273 = arith.cmpi sge, %broadcast_in_dim3A_270, %ge3A_272 : vector<1x6x1xi32>
    %select_n3A_274 = arith.select %ge3A_273, %or3A_264, %select_n3A_261 : vector<1x6x1xi1>, vector<1x6x1xi32>
    %or3A_275 = arith.constant 1024 : i32
    %or3A_276 = vector.broadcast %or3A_275 : i32 to vector<1x6x1xi32>
    %or3A_277 = arith.ori %select_n3A_274, %or3A_276 : vector<1x6x1xi32>
    %ge3A_278 = vector.broadcast %or3A_277 : vector<1x6x1xi32> to vector<25x6x2000xi32>
    %ge3A_279 = arith.cmpi sge, %xor3A, %ge3A_278 : vector<25x6x2000xi32>
    %convert_element_type3A_280 = arith.extui %ge3A_279 : vector<25x6x2000xi1> to vector<25x6x2000xi32>
    %reduce_sum3A_281 = arith.constant dense<0> : vector<6xi32>
    %reduce_sum3A_282 = vector.multi_reduction <add>, %convert_element_type3A_280, %reduce_sum3A_281 [0, 2] : vector<25x6x2000xi32> to vector<6xi32>
    %broadcast_in_dim3A_283 = vector.shape_cast %reduce_sum3A_282 : vector<6xi32> to vector<1x6x1xi32>
    %ge3A_284 = arith.constant 5000 : i32
    %ge3A_285 = vector.broadcast %ge3A_284 : i32 to vector<1x6x1xi32>
    %ge3A_286 = arith.cmpi sge, %broadcast_in_dim3A_283, %ge3A_285 : vector<1x6x1xi32>
    %select_n3A_287 = arith.select %ge3A_286, %or3A_277, %select_n3A_274 : vector<1x6x1xi1>, vector<1x6x1xi32>
    %or3A_288 = arith.constant 512 : i32
    %or3A_289 = vector.broadcast %or3A_288 : i32 to vector<1x6x1xi32>
    %or3A_290 = arith.ori %select_n3A_287, %or3A_289 : vector<1x6x1xi32>
    %ge3A_291 = vector.broadcast %or3A_290 : vector<1x6x1xi32> to vector<25x6x2000xi32>
    %ge3A_292 = arith.cmpi sge, %xor3A, %ge3A_291 : vector<25x6x2000xi32>
    %convert_element_type3A_293 = arith.extui %ge3A_292 : vector<25x6x2000xi1> to vector<25x6x2000xi32>
    %reduce_sum3A_294 = arith.constant dense<0> : vector<6xi32>
    %reduce_sum3A_295 = vector.multi_reduction <add>, %convert_element_type3A_293, %reduce_sum3A_294 [0, 2] : vector<25x6x2000xi32> to vector<6xi32>
    %broadcast_in_dim3A_296 = vector.shape_cast %reduce_sum3A_295 : vector<6xi32> to vector<1x6x1xi32>
    %ge3A_297 = arith.constant 5000 : i32
    %ge3A_298 = vector.broadcast %ge3A_297 : i32 to vector<1x6x1xi32>
    %ge3A_299 = arith.cmpi sge, %broadcast_in_dim3A_296, %ge3A_298 : vector<1x6x1xi32>
    %select_n3A_300 = arith.select %ge3A_299, %or3A_290, %select_n3A_287 : vector<1x6x1xi1>, vector<1x6x1xi32>
    %or3A_301 = arith.constant 256 : i32
    %or3A_302 = vector.broadcast %or3A_301 : i32 to vector<1x6x1xi32>
    %or3A_303 = arith.ori %select_n3A_300, %or3A_302 : vector<1x6x1xi32>
    %ge3A_304 = vector.broadcast %or3A_303 : vector<1x6x1xi32> to vector<25x6x2000xi32>
    %ge3A_305 = arith.cmpi sge, %xor3A, %ge3A_304 : vector<25x6x2000xi32>
    %convert_element_type3A_306 = arith.extui %ge3A_305 : vector<25x6x2000xi1> to vector<25x6x2000xi32>
    %reduce_sum3A_307 = arith.constant dense<0> : vector<6xi32>
    %reduce_sum3A_308 = vector.multi_reduction <add>, %convert_element_type3A_306, %reduce_sum3A_307 [0, 2] : vector<25x6x2000xi32> to vector<6xi32>
    %broadcast_in_dim3A_309 = vector.shape_cast %reduce_sum3A_308 : vector<6xi32> to vector<1x6x1xi32>
    %ge3A_310 = arith.constant 5000 : i32
    %ge3A_311 = vector.broadcast %ge3A_310 : i32 to vector<1x6x1xi32>
    %ge3A_312 = arith.cmpi sge, %broadcast_in_dim3A_309, %ge3A_311 : vector<1x6x1xi32>
    %select_n3A_313 = arith.select %ge3A_312, %or3A_303, %select_n3A_300 : vector<1x6x1xi1>, vector<1x6x1xi32>
    %or3A_314 = arith.constant 128 : i32
    %or3A_315 = vector.broadcast %or3A_314 : i32 to vector<1x6x1xi32>
    %or3A_316 = arith.ori %select_n3A_313, %or3A_315 : vector<1x6x1xi32>
    %ge3A_317 = vector.broadcast %or3A_316 : vector<1x6x1xi32> to vector<25x6x2000xi32>
    %ge3A_318 = arith.cmpi sge, %xor3A, %ge3A_317 : vector<25x6x2000xi32>
    %convert_element_type3A_319 = arith.extui %ge3A_318 : vector<25x6x2000xi1> to vector<25x6x2000xi32>
    %reduce_sum3A_320 = arith.constant dense<0> : vector<6xi32>
    %reduce_sum3A_321 = vector.multi_reduction <add>, %convert_element_type3A_319, %reduce_sum3A_320 [0, 2] : vector<25x6x2000xi32> to vector<6xi32>
    %broadcast_in_dim3A_322 = vector.shape_cast %reduce_sum3A_321 : vector<6xi32> to vector<1x6x1xi32>
    %ge3A_323 = arith.constant 5000 : i32
    %ge3A_324 = vector.broadcast %ge3A_323 : i32 to vector<1x6x1xi32>
    %ge3A_325 = arith.cmpi sge, %broadcast_in_dim3A_322, %ge3A_324 : vector<1x6x1xi32>
    %select_n3A_326 = arith.select %ge3A_325, %or3A_316, %select_n3A_313 : vector<1x6x1xi1>, vector<1x6x1xi32>
    %or3A_327 = arith.constant 64 : i32
    %or3A_328 = vector.broadcast %or3A_327 : i32 to vector<1x6x1xi32>
    %or3A_329 = arith.ori %select_n3A_326, %or3A_328 : vector<1x6x1xi32>
    %ge3A_330 = vector.broadcast %or3A_329 : vector<1x6x1xi32> to vector<25x6x2000xi32>
    %ge3A_331 = arith.cmpi sge, %xor3A, %ge3A_330 : vector<25x6x2000xi32>
    %convert_element_type3A_332 = arith.extui %ge3A_331 : vector<25x6x2000xi1> to vector<25x6x2000xi32>
    %reduce_sum3A_333 = arith.constant dense<0> : vector<6xi32>
    %reduce_sum3A_334 = vector.multi_reduction <add>, %convert_element_type3A_332, %reduce_sum3A_333 [0, 2] : vector<25x6x2000xi32> to vector<6xi32>
    %broadcast_in_dim3A_335 = vector.shape_cast %reduce_sum3A_334 : vector<6xi32> to vector<1x6x1xi32>
    %ge3A_336 = arith.constant 5000 : i32
    %ge3A_337 = vector.broadcast %ge3A_336 : i32 to vector<1x6x1xi32>
    %ge3A_338 = arith.cmpi sge, %broadcast_in_dim3A_335, %ge3A_337 : vector<1x6x1xi32>
    %select_n3A_339 = arith.select %ge3A_338, %or3A_329, %select_n3A_326 : vector<1x6x1xi1>, vector<1x6x1xi32>
    %or3A_340 = arith.constant 32 : i32
    %or3A_341 = vector.broadcast %or3A_340 : i32 to vector<1x6x1xi32>
    %or3A_342 = arith.ori %select_n3A_339, %or3A_341 : vector<1x6x1xi32>
    %ge3A_343 = vector.broadcast %or3A_342 : vector<1x6x1xi32> to vector<25x6x2000xi32>
    %ge3A_344 = arith.cmpi sge, %xor3A, %ge3A_343 : vector<25x6x2000xi32>
    %convert_element_type3A_345 = arith.extui %ge3A_344 : vector<25x6x2000xi1> to vector<25x6x2000xi32>
    %reduce_sum3A_346 = arith.constant dense<0> : vector<6xi32>
    %reduce_sum3A_347 = vector.multi_reduction <add>, %convert_element_type3A_345, %reduce_sum3A_346 [0, 2] : vector<25x6x2000xi32> to vector<6xi32>
    %broadcast_in_dim3A_348 = vector.shape_cast %reduce_sum3A_347 : vector<6xi32> to vector<1x6x1xi32>
    %ge3A_349 = arith.constant 5000 : i32
    %ge3A_350 = vector.broadcast %ge3A_349 : i32 to vector<1x6x1xi32>
    %ge3A_351 = arith.cmpi sge, %broadcast_in_dim3A_348, %ge3A_350 : vector<1x6x1xi32>
    %select_n3A_352 = arith.select %ge3A_351, %or3A_342, %select_n3A_339 : vector<1x6x1xi1>, vector<1x6x1xi32>
    %or3A_353 = arith.constant 16 : i32
    %or3A_354 = vector.broadcast %or3A_353 : i32 to vector<1x6x1xi32>
    %or3A_355 = arith.ori %select_n3A_352, %or3A_354 : vector<1x6x1xi32>
    %ge3A_356 = vector.broadcast %or3A_355 : vector<1x6x1xi32> to vector<25x6x2000xi32>
    %ge3A_357 = arith.cmpi sge, %xor3A, %ge3A_356 : vector<25x6x2000xi32>
    %convert_element_type3A_358 = arith.extui %ge3A_357 : vector<25x6x2000xi1> to vector<25x6x2000xi32>
    %reduce_sum3A_359 = arith.constant dense<0> : vector<6xi32>
    %reduce_sum3A_360 = vector.multi_reduction <add>, %convert_element_type3A_358, %reduce_sum3A_359 [0, 2] : vector<25x6x2000xi32> to vector<6xi32>
    %broadcast_in_dim3A_361 = vector.shape_cast %reduce_sum3A_360 : vector<6xi32> to vector<1x6x1xi32>
    %ge3A_362 = arith.constant 5000 : i32
    %ge3A_363 = vector.broadcast %ge3A_362 : i32 to vector<1x6x1xi32>
    %ge3A_364 = arith.cmpi sge, %broadcast_in_dim3A_361, %ge3A_363 : vector<1x6x1xi32>
    %select_n3A_365 = arith.select %ge3A_364, %or3A_355, %select_n3A_352 : vector<1x6x1xi1>, vector<1x6x1xi32>
    %or3A_366 = arith.constant 8 : i32
    %or3A_367 = vector.broadcast %or3A_366 : i32 to vector<1x6x1xi32>
    %or3A_368 = arith.ori %select_n3A_365, %or3A_367 : vector<1x6x1xi32>
    %ge3A_369 = vector.broadcast %or3A_368 : vector<1x6x1xi32> to vector<25x6x2000xi32>
    %ge3A_370 = arith.cmpi sge, %xor3A, %ge3A_369 : vector<25x6x2000xi32>
    %convert_element_type3A_371 = arith.extui %ge3A_370 : vector<25x6x2000xi1> to vector<25x6x2000xi32>
    %reduce_sum3A_372 = arith.constant dense<0> : vector<6xi32>
    %reduce_sum3A_373 = vector.multi_reduction <add>, %convert_element_type3A_371, %reduce_sum3A_372 [0, 2] : vector<25x6x2000xi32> to vector<6xi32>
    %broadcast_in_dim3A_374 = vector.shape_cast %reduce_sum3A_373 : vector<6xi32> to vector<1x6x1xi32>
    %ge3A_375 = arith.constant 5000 : i32
    %ge3A_376 = vector.broadcast %ge3A_375 : i32 to vector<1x6x1xi32>
    %ge3A_377 = arith.cmpi sge, %broadcast_in_dim3A_374, %ge3A_376 : vector<1x6x1xi32>
    %select_n3A_378 = arith.select %ge3A_377, %or3A_368, %select_n3A_365 : vector<1x6x1xi1>, vector<1x6x1xi32>
    %or3A_379 = arith.constant 4 : i32
    %or3A_380 = vector.broadcast %or3A_379 : i32 to vector<1x6x1xi32>
    %or3A_381 = arith.ori %select_n3A_378, %or3A_380 : vector<1x6x1xi32>
    %ge3A_382 = vector.broadcast %or3A_381 : vector<1x6x1xi32> to vector<25x6x2000xi32>
    %ge3A_383 = arith.cmpi sge, %xor3A, %ge3A_382 : vector<25x6x2000xi32>
    %convert_element_type3A_384 = arith.extui %ge3A_383 : vector<25x6x2000xi1> to vector<25x6x2000xi32>
    %reduce_sum3A_385 = arith.constant dense<0> : vector<6xi32>
    %reduce_sum3A_386 = vector.multi_reduction <add>, %convert_element_type3A_384, %reduce_sum3A_385 [0, 2] : vector<25x6x2000xi32> to vector<6xi32>
    %broadcast_in_dim3A_387 = vector.shape_cast %reduce_sum3A_386 : vector<6xi32> to vector<1x6x1xi32>
    %ge3A_388 = arith.constant 5000 : i32
    %ge3A_389 = vector.broadcast %ge3A_388 : i32 to vector<1x6x1xi32>
    %ge3A_390 = arith.cmpi sge, %broadcast_in_dim3A_387, %ge3A_389 : vector<1x6x1xi32>
    %select_n3A_391 = arith.select %ge3A_390, %or3A_381, %select_n3A_378 : vector<1x6x1xi1>, vector<1x6x1xi32>
    %or3A_392 = arith.constant 2 : i32
    %or3A_393 = vector.broadcast %or3A_392 : i32 to vector<1x6x1xi32>
    %or3A_394 = arith.ori %select_n3A_391, %or3A_393 : vector<1x6x1xi32>
    %ge3A_395 = vector.broadcast %or3A_394 : vector<1x6x1xi32> to vector<25x6x2000xi32>
    %ge3A_396 = arith.cmpi sge, %xor3A, %ge3A_395 : vector<25x6x2000xi32>
    %convert_element_type3A_397 = arith.extui %ge3A_396 : vector<25x6x2000xi1> to vector<25x6x2000xi32>
    %reduce_sum3A_398 = arith.constant dense<0> : vector<6xi32>
    %reduce_sum3A_399 = vector.multi_reduction <add>, %convert_element_type3A_397, %reduce_sum3A_398 [0, 2] : vector<25x6x2000xi32> to vector<6xi32>
    %broadcast_in_dim3A_400 = vector.shape_cast %reduce_sum3A_399 : vector<6xi32> to vector<1x6x1xi32>
    %ge3A_401 = arith.constant 5000 : i32
    %ge3A_402 = vector.broadcast %ge3A_401 : i32 to vector<1x6x1xi32>
    %ge3A_403 = arith.cmpi sge, %broadcast_in_dim3A_400, %ge3A_402 : vector<1x6x1xi32>
    %select_n3A_404 = arith.select %ge3A_403, %or3A_394, %select_n3A_391 : vector<1x6x1xi1>, vector<1x6x1xi32>
    %or3A_405 = arith.constant 1 : i32
    %or3A_406 = vector.broadcast %or3A_405 : i32 to vector<1x6x1xi32>
    %or3A_407 = arith.ori %select_n3A_404, %or3A_406 : vector<1x6x1xi32>
    %ge3A_408 = vector.broadcast %or3A_407 : vector<1x6x1xi32> to vector<25x6x2000xi32>
    %ge3A_409 = arith.cmpi sge, %xor3A, %ge3A_408 : vector<25x6x2000xi32>
    %convert_element_type3A_410 = arith.extui %ge3A_409 : vector<25x6x2000xi1> to vector<25x6x2000xi32>
    %reduce_sum3A_411 = arith.constant dense<0> : vector<6xi32>
    %reduce_sum3A_412 = vector.multi_reduction <add>, %convert_element_type3A_410, %reduce_sum3A_411 [0, 2] : vector<25x6x2000xi32> to vector<6xi32>
    %broadcast_in_dim3A_413 = vector.shape_cast %reduce_sum3A_412 : vector<6xi32> to vector<1x6x1xi32>
    %ge3A_414 = arith.constant 5000 : i32
    %ge3A_415 = vector.broadcast %ge3A_414 : i32 to vector<1x6x1xi32>
    %ge3A_416 = arith.cmpi sge, %broadcast_in_dim3A_413, %ge3A_415 : vector<1x6x1xi32>
    %select_n3A_417 = arith.select %ge3A_416, %or3A_407, %select_n3A_404 : vector<1x6x1xi1>, vector<1x6x1xi32>
    %gt3A = vector.broadcast %select_n3A_417 : vector<1x6x1xi32> to vector<25x6x2000xi32>
    %gt3A_418 = arith.cmpi sgt, %xor3A, %gt3A : vector<25x6x2000xi32>
    %convert_element_type3A_419 = arith.extui %gt3A_418 : vector<25x6x2000xi1> to vector<25x6x2000xi32>
    %reduce_sum3A_420 = arith.constant dense<0> : vector<6xi32>
    %reduce_sum3A_421 = vector.multi_reduction <add>, %convert_element_type3A_419, %reduce_sum3A_420 [0, 2] : vector<25x6x2000xi32> to vector<6xi32>
    %broadcast_in_dim3A_422 = vector.shape_cast %reduce_sum3A_421 : vector<6xi32> to vector<1x6x1xi32>
    %reshape3A = vector.shape_cast %select_n3A_417 : vector<1x6x1xi32> to vector<6x1xi32>
    %broadcast_in_dim3A_423 = vector.shape_cast %reshape3A : vector<6x1xi32> to vector<6x1xi32>
    %broadcast_in_dim3A_424 = vector.broadcast %broadcast_in_dim3A_423 : vector<6x1xi32> to vector<6x16xi32>
    %swap3A = arith.constant 0 : index
    %swap3A_425 = arith.constant 0 : index
    %swap3A_426 = vector.load %arg1[%swap3A, %swap3A_425] : memref<6x16xi32, #tpu.memory_space<vmem>>, vector<6x16xi32>
    tpu.vector_store %arg1[%swap3A, %swap3A_425], %broadcast_in_dim3A_424 {strides = array<i32>} : memref<6x16xi32, #tpu.memory_space<vmem>>, vector<6x16xi32>,
    %sub3A = arith.constant 5000 : i32
    %sub3A_427 = vector.broadcast %sub3A : i32 to vector<1x6x1xi32>
    %sub3A_428 = arith.subi %sub3A_427, %broadcast_in_dim3A_422 : vector<1x6x1xi32>
    %reshape3A_429 = vector.shape_cast %sub3A_428 : vector<1x6x1xi32> to vector<6x1xi32>
    %broadcast_in_dim3A_430 = vector.shape_cast %reshape3A_429 : vector<6x1xi32> to vector<6x1xi32>
    %broadcast_in_dim3A_431 = vector.broadcast %broadcast_in_dim3A_430 : vector<6x1xi32> to vector<6x16xi32>
    %swap3A_432 = arith.constant 0 : index
    %swap3A_433 = arith.constant 0 : index
    %swap3A_434 = vector.load %arg2[%swap3A_432, %swap3A_433] : memref<6x16xi32, #tpu.memory_space<vmem>>, vector<6x16xi32>
    tpu.vector_store %arg2[%swap3A_432, %swap3A_433], %broadcast_in_dim3A_431 {strides = array<i32>} : memref<6x16xi32, #tpu.memory_space<vmem>>, vector<6x16xi32>,
    return
  }
}

module attributes {stable_mosaic.version = 14 : i64} {
  func.func @_tok_body(%arg0: i32, %arg1: i32, %arg2: memref<1x1024x512xf32, #tpu.memory_space<vmem>>, %arg3: memref<1x1x512xf32, #tpu.memory_space<vmem>>, %arg4: memref<1x512x512xf32, #tpu.memory_space<vmem>>, %arg5: memref<1x1x512xf32, #tpu.memory_space<vmem>>, %arg6: memref<1x512x512xf32, #tpu.memory_space<vmem>>, %arg7: memref<1x1x512xf32, #tpu.memory_space<vmem>>, %arg8: memref<1x512x512xf32, #tpu.memory_space<vmem>>, %arg9: memref<1x1x512xf32, #tpu.memory_space<vmem>>, %arg10: memref<1x512x512xf32, #tpu.memory_space<vmem>>, %arg11: memref<1x1x512xf32, #tpu.memory_space<vmem>>, %arg12: memref<1x1x512xf32, #tpu.memory_space<vmem>>, %arg13: memref<1x1x512xf32, #tpu.memory_space<vmem>>, %arg14: memref<1x512x128xf32, #tpu.memory_space<vmem>>, %arg15: memref<1x1x128xf32, #tpu.memory_space<vmem>>, %arg16: memref<1x1x512xf32, #tpu.memory_space<vmem>>, %arg17: memref<1x1x128xf32, #tpu.memory_space<vmem>>, %arg18: memref<5120x8xf32, #tpu.memory_space<vmem>>, %arg19: memref<5120x512xf32, #tpu.memory_space<vmem>>) attributes {dimension_semantics = [#tpu.dimension_semantics<arbitrary>, #tpu.dimension_semantics<arbitrary>], iteration_bounds = array<i64: 6, 6>, scalar_prefetch = 0 : i64, scratch_operands = 2 : i64, tpu.core_type = #tpu.core_type<tc>, window_params = [{transform_indices = @transform_0, window_bounds = array<i64: 1, 1024, 512>}, {transform_indices = @transform_1, window_bounds = array<i64: 1, 1, 512>}, {transform_indices = @transform_2, window_bounds = array<i64: 1, 512, 512>}, {transform_indices = @transform_3, window_bounds = array<i64: 1, 1, 512>}, {transform_indices = @transform_4, window_bounds = array<i64: 1, 512, 512>}, {transform_indices = @transform_5, window_bounds = array<i64: 1, 1, 512>}, {transform_indices = @transform_6, window_bounds = array<i64: 1, 512, 512>}, {transform_indices = @transform_7, window_bounds = array<i64: 1, 1, 512>}, {transform_indices = @transform_8, window_bounds = array<i64: 1, 512, 512>}, {transform_indices = @transform_9, window_bounds = array<i64: 1, 1, 512>}, {transform_indices = @transform_10, window_bounds = array<i64: 1, 1, 512>}, {transform_indices = @transform_11, window_bounds = array<i64: 1, 1, 512>}, {transform_indices = @transform_12, window_bounds = array<i64: 1, 512, 128>}, {transform_indices = @transform_13, window_bounds = array<i64: 1, 1, 128>}, {transform_indices = @transform_14, window_bounds = array<i64: 1, 1, 512>}, {transform_indices = @transform_15, window_bounds = array<i64: 1, 1, 128>}]} {
    %lt3A = arith.constant 5 : i32
    %lt3A_0 = arith.cmpi slt, %arg1, %lt3A : i32
    %convert_element_type3A = arith.extui %lt3A_0 : i1 to i32
    %cond3A = arith.constant 0 : i32
    %cond3A_1 = arith.cmpi ne, %convert_element_type3A, %cond3A : i32
    scf.if %cond3A_1 {
      %get3A = arith.constant 0 : index
      %get3A_6 = arith.constant 0 : index
      %get3A_7 = arith.constant 0 : index
      %get3A_8 = vector.load %arg2[%get3A, %get3A_6, %get3A_7] : memref<1x1024x512xf32, #tpu.memory_space<vmem>>, vector<1x1024x512xf32>
      %get3A_9 = vector.shape_cast %get3A_8 : vector<1x1024x512xf32> to vector<1024x512xf32>
      %get3A_10 = arith.constant 0 : index
      %get3A_11 = arith.constant 0 : index
      %get3A_12 = arith.constant 0 : index
      %get3A_13 = vector.load %arg3[%get3A_10, %get3A_11, %get3A_12] : memref<1x1x512xf32, #tpu.memory_space<vmem>>, vector<1x1x512xf32>
      %get3A_14 = vector.shape_cast %get3A_13 : vector<1x1x512xf32> to vector<1x512xf32>
      %get3A_15 = arith.constant 0 : index
      %get3A_16 = arith.constant 0 : index
      %get3A_17 = arith.constant 0 : index
      %get3A_18 = vector.load %arg4[%get3A_15, %get3A_16, %get3A_17] : memref<1x512x512xf32, #tpu.memory_space<vmem>>, vector<1x512x512xf32>
      %get3A_19 = vector.shape_cast %get3A_18 : vector<1x512x512xf32> to vector<512x512xf32>
      %dot_general3A = arith.constant dense<0.000000e+00> : vector<1x512xf32>
      %dot_general3A_20 = tpu.matmul %get3A_14, %get3A_19, %dot_general3A {dimension_numbers = #tpu.dot_dimension_numbers<[1], [0], [0], [1], [0, 0, 1, 1], [], []>, transpose_lhs_hint = false} : vector<1x512xf32>, vector<512x512xf32>, vector<1x512xf32> -> vector<1x512xf32>
      %get3A_21 = arith.constant 0 : index
      %get3A_22 = arith.constant 0 : index
      %get3A_23 = arith.constant 0 : index
      %get3A_24 = vector.load %arg5[%get3A_21, %get3A_22, %get3A_23] : memref<1x1x512xf32, #tpu.memory_space<vmem>>, vector<1x1x512xf32>
      %get3A_25 = vector.shape_cast %get3A_24 : vector<1x1x512xf32> to vector<1x512xf32>
      %add3A = arith.addf %dot_general3A_20, %get3A_25 : vector<1x512xf32>
      %get3A_26 = arith.constant 0 : index
      %get3A_27 = arith.constant 0 : index
      %get3A_28 = arith.constant 0 : index
      %get3A_29 = vector.load %arg6[%get3A_26, %get3A_27, %get3A_28] : memref<1x512x512xf32, #tpu.memory_space<vmem>>, vector<1x512x512xf32>
      %get3A_30 = vector.shape_cast %get3A_29 : vector<1x512x512xf32> to vector<512x512xf32>
      %dot_general3A_31 = arith.constant dense<0.000000e+00> : vector<1024x512xf32>
      %dot_general3A_32 = tpu.matmul %get3A_9, %get3A_30, %dot_general3A_31 {dimension_numbers = #tpu.dot_dimension_numbers<[1], [0], [0], [1], [0, 0, 1, 1], [], []>, transpose_lhs_hint = false} : vector<1024x512xf32>, vector<512x512xf32>, vector<1024x512xf32> -> vector<1024x512xf32>
      %get3A_33 = arith.constant 0 : index
      %get3A_34 = arith.constant 0 : index
      %get3A_35 = arith.constant 0 : index
      %get3A_36 = vector.load %arg7[%get3A_33, %get3A_34, %get3A_35] : memref<1x1x512xf32, #tpu.memory_space<vmem>>, vector<1x1x512xf32>
      %get3A_37 = vector.shape_cast %get3A_36 : vector<1x1x512xf32> to vector<1x512xf32>
      %add3A_38 = vector.broadcast %get3A_37 : vector<1x512xf32> to vector<1024x512xf32>
      %add3A_39 = arith.addf %dot_general3A_32, %add3A_38 : vector<1024x512xf32>
      %get3A_40 = arith.constant 0 : index
      %get3A_41 = arith.constant 0 : index
      %get3A_42 = arith.constant 0 : index
      %get3A_43 = vector.load %arg8[%get3A_40, %get3A_41, %get3A_42] : memref<1x512x512xf32, #tpu.memory_space<vmem>>, vector<1x512x512xf32>
      %get3A_44 = vector.shape_cast %get3A_43 : vector<1x512x512xf32> to vector<512x512xf32>
      %dot_general3A_45 = arith.constant dense<0.000000e+00> : vector<1024x512xf32>
      %dot_general3A_46 = tpu.matmul %get3A_9, %get3A_44, %dot_general3A_45 {dimension_numbers = #tpu.dot_dimension_numbers<[1], [0], [0], [1], [0, 0, 1, 1], [], []>, transpose_lhs_hint = false} : vector<1024x512xf32>, vector<512x512xf32>, vector<1024x512xf32> -> vector<1024x512xf32>
      %get3A_47 = arith.constant 0 : index
      %get3A_48 = arith.constant 0 : index
      %get3A_49 = arith.constant 0 : index
      %get3A_50 = vector.load %arg9[%get3A_47, %get3A_48, %get3A_49] : memref<1x1x512xf32, #tpu.memory_space<vmem>>, vector<1x1x512xf32>
      %get3A_51 = vector.shape_cast %get3A_50 : vector<1x1x512xf32> to vector<1x512xf32>
      %add3A_52 = vector.broadcast %get3A_51 : vector<1x512xf32> to vector<1024x512xf32>
      %add3A_53 = arith.addf %dot_general3A_46, %add3A_52 : vector<1024x512xf32>
      %mul3A = vector.broadcast %add3A : vector<1x512xf32> to vector<1024x512xf32>
      %mul3A_54 = arith.mulf %add3A_39, %mul3A : vector<1024x512xf32>
      %iota3A = tpu.iota {dimensions = array<i32: 0>} : vector<8x512xi32>
      %iota3A_55 = tpu.iota {dimensions = array<i32: 1>} : vector<8x512xi32>
      %jit3A = arith.constant 64 : i32
      %div3A = vector.broadcast %jit3A : i32 to vector<8x512xi32>
      %div3A_56 = arith.divsi %iota3A_55, %div3A : vector<8x512xi32>
      %sign3A = arith.constant 0 : i32
      %sign3A_57 = vector.broadcast %sign3A : i32 to vector<8x512xi32>
      %sign3A_58 = arith.cmpi sgt, %iota3A_55, %sign3A_57 : vector<8x512xi32>
      %sign3A_59 = arith.extui %sign3A_58 : vector<8x512xi1> to vector<8x512xi32>
      %sign3A_60 = arith.constant 0 : i32
      %sign3A_61 = vector.broadcast %sign3A_60 : i32 to vector<8x512xi32>
      %sign3A_62 = arith.cmpi slt, %iota3A_55, %sign3A_61 : vector<8x512xi32>
      %sign3A_63 = arith.extui %sign3A_62 : vector<8x512xi1> to vector<8x512xi32>
      %sign3A_64 = arith.subi %sign3A_59, %sign3A_63 : vector<8x512xi32>
      %sign3A_65 = arith.constant 0 : i32
      %sign3A_66 = arith.cmpi sgt, %jit3A, %sign3A_65 : i32
      %sign3A_67 = arith.extui %sign3A_66 : i1 to i32
      %sign3A_68 = arith.constant 0 : i32
      %sign3A_69 = arith.cmpi slt, %jit3A, %sign3A_68 : i32
      %sign3A_70 = arith.extui %sign3A_69 : i1 to i32
      %sign3A_71 = arith.subi %sign3A_67, %sign3A_70 : i32
      %ne3A = vector.broadcast %sign3A_71 : i32 to vector<8x512xi32>
      %ne3A_72 = arith.cmpi ne, %sign3A_64, %ne3A : vector<8x512xi32>
      %rem3A = vector.broadcast %jit3A : i32 to vector<8x512xi32>
      %rem3A_73 = arith.remsi %iota3A_55, %rem3A : vector<8x512xi32>
      %ne3A_74 = arith.constant 0 : i32
      %ne3A_75 = vector.broadcast %ne3A_74 : i32 to vector<8x512xi32>
      %ne3A_76 = arith.cmpi ne, %rem3A_73, %ne3A_75 : vector<8x512xi32>
      %and3A = arith.andi %ne3A_72, %ne3A_76 : vector<8x512xi1>
      %sub3A = arith.constant 1 : i32
      %sub3A_77 = vector.broadcast %sub3A : i32 to vector<8x512xi32>
      %sub3A_78 = arith.subi %div3A_56, %sub3A_77 : vector<8x512xi32>
      %select_n3A = arith.select %and3A, %sub3A_78, %div3A_56 : vector<8x512xi1>, vector<8x512xi32>
      %eq3A_79 = arith.cmpi eq, %select_n3A, %iota3A : vector<8x512xi32>
      %convert_element_type3A_80 = arith.extui %eq3A_79 : vector<8x512xi1> to vector<8x512xi32>
      %convert_element_type3A_81 = arith.sitofp %convert_element_type3A_80 : vector<8x512xi32> to vector<8x512xf32>
      %dot_general3A_82 = arith.constant dense<0.000000e+00> : vector<1024x8xf32>
      %dot_general3A_83 = tpu.matmul %mul3A_54, %convert_element_type3A_81, %dot_general3A_82 {dimension_numbers = #tpu.dot_dimension_numbers<[1], [1], [0], [0], [0, 0, 1, 0], [], []>, transpose_lhs_hint = false} : vector<1024x512xf32>, vector<8x512xf32>, vector<1024x8xf32> -> vector<1024x8xf32>
      %mul3A_84 = arith.constant 1.250000e-01 : f32
      %mul3A_85 = vector.broadcast %mul3A_84 : f32 to vector<1024x8xf32>
      %mul3A_86 = arith.mulf %dot_general3A_83, %mul3A_85 : vector<1024x8xf32>
      %mul3A_87 = arith.constant 1024 : i32
      %mul3A_88 = arith.muli %arg1, %mul3A_87 : i32
      %iota3A_89 = tpu.iota {dimensions = array<i32: 0>} : vector<1024x8xi32>
      %add3A_90 = vector.broadcast %mul3A_88 : i32 to vector<1024x8xi32>
      %add3A_91 = arith.addi %add3A_90, %iota3A_89 : vector<1024x8xi32>
      %lt3A_92 = arith.constant 5000 : i32
      %lt3A_93 = vector.broadcast %lt3A_92 : i32 to vector<1024x8xi32>
      %lt3A_94 = arith.cmpi slt, %add3A_91, %lt3A_93 : vector<1024x8xi32>
      %jit3A_95 = arith.constant -1.000000e+30 : f32
      %broadcast_in_dim3A = vector.broadcast %jit3A_95 : f32 to vector<1024x8xf32>
      %select_n3A_96 = arith.select %lt3A_94, %mul3A_86, %broadcast_in_dim3A : vector<1024x8xi1>, vector<1024x8xf32>
      %mul3A_97 = arith.constant 1024 : i32
      %mul3A_98 = arith.muli %arg1, %mul3A_97 : i32
      %swap3A = arith.index_cast %mul3A_98 : i32 to index
      %swap3A_99 = arith.constant 0 : index
      %swap3A_100 = vector.load %arg18[%swap3A, %swap3A_99] : memref<5120x8xf32, #tpu.memory_space<vmem>>, vector<1024x8xf32>
      tpu.vector_store %arg18[%swap3A, %swap3A_99], %select_n3A_96 {strides = array<i32>} : memref<5120x8xf32, #tpu.memory_space<vmem>>, vector<1024x8xf32>,
      %mul3A_101 = arith.constant 1024 : i32
      %mul3A_102 = arith.muli %arg1, %mul3A_101 : i32
      %swap3A_103 = arith.index_cast %mul3A_102 : i32 to index
      %swap3A_104 = arith.constant 0 : index
      %swap3A_105 = vector.load %arg19[%swap3A_103, %swap3A_104] : memref<5120x512xf32, #tpu.memory_space<vmem>>, vector<1024x512xf32>
      tpu.vector_store %arg19[%swap3A_103, %swap3A_104], %add3A_53 {strides = array<i32>} : memref<5120x512xf32, #tpu.memory_space<vmem>>, vector<1024x512xf32>,
    } else {
    }
    %eq3A = arith.constant 5 : i32
    %eq3A_2 = arith.cmpi eq, %arg1, %eq3A : i32
    %convert_element_type3A_3 = arith.extui %eq3A_2 : i1 to i32
    %cond3A_4 = arith.constant 0 : i32
    %cond3A_5 = arith.cmpi ne, %convert_element_type3A_3, %cond3A_4 : i32
    scf.if %cond3A_5 {
      %get3A = arith.constant 0 : index
      %get3A_6 = arith.constant 0 : index
      %get3A_7 = vector.load %arg18[%get3A, %get3A_6] : memref<5120x8xf32, #tpu.memory_space<vmem>>, vector<5120x8xf32>
      %reduce_max3A = arith.constant dense<0xFF800000> : vector<8xf32>
      %reduce_max3A_8 = vector.multi_reduction <maximumf>, %get3A_7, %reduce_max3A [0] : vector<5120x8xf32> to vector<8xf32>
      %broadcast_in_dim3A = vector.shape_cast %reduce_max3A_8 : vector<8xf32> to vector<1x8xf32>
      %sub3A = vector.broadcast %broadcast_in_dim3A : vector<1x8xf32> to vector<5120x8xf32>
      %sub3A_9 = arith.subf %get3A_7, %sub3A : vector<5120x8xf32>
      %exp3A = math.exp %sub3A_9 : vector<5120x8xf32>
      %reduce_sum3A = arith.constant dense<0.000000e+00> : vector<8xf32>
      %reduce_sum3A_10 = vector.multi_reduction <add>, %exp3A, %reduce_sum3A [0] : vector<5120x8xf32> to vector<8xf32>
      %broadcast_in_dim3A_11 = vector.shape_cast %reduce_sum3A_10 : vector<8xf32> to vector<1x8xf32>
      %div3A = vector.broadcast %broadcast_in_dim3A_11 : vector<1x8xf32> to vector<5120x8xf32>
      %div3A_12 = arith.divf %exp3A, %div3A : vector<5120x8xf32>
      %iota3A = tpu.iota {dimensions = array<i32: 0>} : vector<8x512xi32>
      %iota3A_13 = tpu.iota {dimensions = array<i32: 1>} : vector<8x512xi32>
      %jit3A = arith.constant 64 : i32
      %div3A_14 = vector.broadcast %jit3A : i32 to vector<8x512xi32>
      %div3A_15 = arith.divsi %iota3A_13, %div3A_14 : vector<8x512xi32>
      %sign3A = arith.constant 0 : i32
      %sign3A_16 = vector.broadcast %sign3A : i32 to vector<8x512xi32>
      %sign3A_17 = arith.cmpi sgt, %iota3A_13, %sign3A_16 : vector<8x512xi32>
      %sign3A_18 = arith.extui %sign3A_17 : vector<8x512xi1> to vector<8x512xi32>
      %sign3A_19 = arith.constant 0 : i32
      %sign3A_20 = vector.broadcast %sign3A_19 : i32 to vector<8x512xi32>
      %sign3A_21 = arith.cmpi slt, %iota3A_13, %sign3A_20 : vector<8x512xi32>
      %sign3A_22 = arith.extui %sign3A_21 : vector<8x512xi1> to vector<8x512xi32>
      %sign3A_23 = arith.subi %sign3A_18, %sign3A_22 : vector<8x512xi32>
      %sign3A_24 = arith.constant 0 : i32
      %sign3A_25 = arith.cmpi sgt, %jit3A, %sign3A_24 : i32
      %sign3A_26 = arith.extui %sign3A_25 : i1 to i32
      %sign3A_27 = arith.constant 0 : i32
      %sign3A_28 = arith.cmpi slt, %jit3A, %sign3A_27 : i32
      %sign3A_29 = arith.extui %sign3A_28 : i1 to i32
      %sign3A_30 = arith.subi %sign3A_26, %sign3A_29 : i32
      %ne3A = vector.broadcast %sign3A_30 : i32 to vector<8x512xi32>
      %ne3A_31 = arith.cmpi ne, %sign3A_23, %ne3A : vector<8x512xi32>
      %rem3A = vector.broadcast %jit3A : i32 to vector<8x512xi32>
      %rem3A_32 = arith.remsi %iota3A_13, %rem3A : vector<8x512xi32>
      %ne3A_33 = arith.constant 0 : i32
      %ne3A_34 = vector.broadcast %ne3A_33 : i32 to vector<8x512xi32>
      %ne3A_35 = arith.cmpi ne, %rem3A_32, %ne3A_34 : vector<8x512xi32>
      %and3A = arith.andi %ne3A_31, %ne3A_35 : vector<8x512xi1>
      %sub3A_36 = arith.constant 1 : i32
      %sub3A_37 = vector.broadcast %sub3A_36 : i32 to vector<8x512xi32>
      %sub3A_38 = arith.subi %div3A_15, %sub3A_37 : vector<8x512xi32>
      %select_n3A = arith.select %and3A, %sub3A_38, %div3A_15 : vector<8x512xi1>, vector<8x512xi32>
      %eq3A_39 = arith.cmpi eq, %select_n3A, %iota3A : vector<8x512xi32>
      %convert_element_type3A_40 = arith.extui %eq3A_39 : vector<8x512xi1> to vector<8x512xi32>
      %convert_element_type3A_41 = arith.sitofp %convert_element_type3A_40 : vector<8x512xi32> to vector<8x512xf32>
      %dot_general3A = arith.constant dense<0.000000e+00> : vector<5120x512xf32>
      %dot_general3A_42 = tpu.matmul %div3A_12, %convert_element_type3A_41, %dot_general3A {dimension_numbers = #tpu.dot_dimension_numbers<[1], [0], [0], [1], [0, 0, 1, 1], [], []>, transpose_lhs_hint = false} : vector<5120x8xf32>, vector<8x512xf32>, vector<5120x512xf32> -> vector<5120x512xf32>
      %get3A_43 = arith.constant 0 : index
      %get3A_44 = arith.constant 0 : index
      %get3A_45 = vector.load %arg19[%get3A_43, %get3A_44] : memref<5120x512xf32, #tpu.memory_space<vmem>>, vector<5120x512xf32>
      %mul3A = arith.mulf %dot_general3A_42, %get3A_45 : vector<5120x512xf32>
      %reduce_sum3A_46 = arith.constant dense<0.000000e+00> : vector<512xf32>
      %reduce_sum3A_47 = vector.multi_reduction <add>, %mul3A, %reduce_sum3A_46 [0] : vector<5120x512xf32> to vector<512xf32>
      %broadcast_in_dim3A_48 = vector.shape_cast %reduce_sum3A_47 : vector<512xf32> to vector<1x512xf32>
      %get3A_49 = arith.constant 0 : index
      %get3A_50 = arith.constant 0 : index
      %get3A_51 = arith.constant 0 : index
      %get3A_52 = vector.load %arg10[%get3A_49, %get3A_50, %get3A_51] : memref<1x512x512xf32, #tpu.memory_space<vmem>>, vector<1x512x512xf32>
      %get3A_53 = vector.shape_cast %get3A_52 : vector<1x512x512xf32> to vector<512x512xf32>
      %dot_general3A_54 = arith.constant dense<0.000000e+00> : vector<1x512xf32>
      %dot_general3A_55 = tpu.matmul %broadcast_in_dim3A_48, %get3A_53, %dot_general3A_54 {dimension_numbers = #tpu.dot_dimension_numbers<[1], [0], [0], [1], [0, 0, 1, 1], [], []>, transpose_lhs_hint = false} : vector<1x512xf32>, vector<512x512xf32>, vector<1x512xf32> -> vector<1x512xf32>
      %get3A_56 = arith.constant 0 : index
      %get3A_57 = arith.constant 0 : index
      %get3A_58 = arith.constant 0 : index
      %get3A_59 = vector.load %arg11[%get3A_56, %get3A_57, %get3A_58] : memref<1x1x512xf32, #tpu.memory_space<vmem>>, vector<1x1x512xf32>
      %get3A_60 = vector.shape_cast %get3A_59 : vector<1x1x512xf32> to vector<1x512xf32>
      %add3A = arith.addf %dot_general3A_55, %get3A_60 : vector<1x512xf32>
      %get3A_61 = arith.constant 0 : index
      %get3A_62 = arith.constant 0 : index
      %get3A_63 = arith.constant 0 : index
      %get3A_64 = vector.load %arg12[%get3A_61, %get3A_62, %get3A_63] : memref<1x1x512xf32, #tpu.memory_space<vmem>>, vector<1x1x512xf32>
      %get3A_65 = vector.shape_cast %get3A_64 : vector<1x1x512xf32> to vector<1x512xf32>
      %get3A_66 = arith.constant 0 : index
      %get3A_67 = arith.constant 0 : index
      %get3A_68 = arith.constant 0 : index
      %get3A_69 = vector.load %arg13[%get3A_66, %get3A_67, %get3A_68] : memref<1x1x512xf32, #tpu.memory_space<vmem>>, vector<1x1x512xf32>
      %get3A_70 = vector.shape_cast %get3A_69 : vector<1x1x512xf32> to vector<1x512xf32>
      %reduce_sum3A_71 = arith.constant dense<0.000000e+00> : vector<1xf32>
      %reduce_sum3A_72 = vector.multi_reduction <add>, %add3A, %reduce_sum3A_71 [1] : vector<1x512xf32> to vector<1xf32>
      %broadcast_in_dim3A_73 = vector.shape_cast %reduce_sum3A_72 : vector<1xf32> to vector<1x1xf32>
      %div3A_74 = arith.constant 5.120000e+02 : f32
      %div3A_75 = vector.broadcast %div3A_74 : f32 to vector<1x1xf32>
      %div3A_76 = arith.divf %broadcast_in_dim3A_73, %div3A_75 : vector<1x1xf32>
      %sub3A_77 = vector.broadcast %div3A_76 : vector<1x1xf32> to vector<1x512xf32>
      %sub3A_78 = arith.subf %add3A, %sub3A_77 : vector<1x512xf32>
      %integer_pow3A = arith.mulf %sub3A_78, %sub3A_78 : vector<1x512xf32>
      %reduce_sum3A_79 = arith.constant dense<0.000000e+00> : vector<1xf32>
      %reduce_sum3A_80 = vector.multi_reduction <add>, %integer_pow3A, %reduce_sum3A_79 [1] : vector<1x512xf32> to vector<1xf32>
      %broadcast_in_dim3A_81 = vector.shape_cast %reduce_sum3A_80 : vector<1xf32> to vector<1x1xf32>
      %div3A_82 = arith.constant 5.120000e+02 : f32
      %div3A_83 = vector.broadcast %div3A_82 : f32 to vector<1x1xf32>
      %div3A_84 = arith.divf %broadcast_in_dim3A_81, %div3A_83 : vector<1x1xf32>
      %sub3A_85 = vector.broadcast %div3A_76 : vector<1x1xf32> to vector<1x512xf32>
      %sub3A_86 = arith.subf %add3A, %sub3A_85 : vector<1x512xf32>
      %add3A_87 = arith.constant 9.99999997E-7 : f32
      %add3A_88 = vector.broadcast %add3A_87 : f32 to vector<1x1xf32>
      %add3A_89 = arith.addf %div3A_84, %add3A_88 : vector<1x1xf32>
      %sqrt3A = math.sqrt %add3A_89 : vector<1x1xf32>
      %div3A_90 = vector.broadcast %sqrt3A : vector<1x1xf32> to vector<1x512xf32>
      %div3A_91 = arith.divf %sub3A_86, %div3A_90 : vector<1x512xf32>
      %mul3A_92 = arith.mulf %div3A_91, %get3A_65 : vector<1x512xf32>
      %add3A_93 = arith.addf %mul3A_92, %get3A_70 : vector<1x512xf32>
      %swap3A = arith.constant 0 : index
      %swap3A_94 = arith.constant 0 : index
      %swap3A_95 = arith.constant 0 : index
      %swap3A_96 = vector.load %arg16[%swap3A, %swap3A_94, %swap3A_95] : memref<1x1x512xf32, #tpu.memory_space<vmem>>, vector<1x1x512xf32>
      %swap3A_97 = vector.shape_cast %swap3A_96 : vector<1x1x512xf32> to vector<1x512xf32>
      %swap3A_98 = vector.shape_cast %add3A_93 : vector<1x512xf32> to vector<1x1x512xf32>
      tpu.vector_store %arg16[%swap3A, %swap3A_94, %swap3A_95], %swap3A_98 {strides = array<i32>} : memref<1x1x512xf32, #tpu.memory_space<vmem>>, vector<1x1x512xf32>,
      %get3A_99 = arith.constant 0 : index
      %get3A_100 = arith.constant 0 : index
      %get3A_101 = arith.constant 0 : index
      %get3A_102 = vector.load %arg14[%get3A_99, %get3A_100, %get3A_101] : memref<1x512x128xf32, #tpu.memory_space<vmem>>, vector<1x512x128xf32>
      %get3A_103 = vector.shape_cast %get3A_102 : vector<1x512x128xf32> to vector<512x128xf32>
      %dot_general3A_104 = arith.constant dense<0.000000e+00> : vector<1x128xf32>
      %dot_general3A_105 = tpu.matmul %add3A_93, %get3A_103, %dot_general3A_104 {dimension_numbers = #tpu.dot_dimension_numbers<[1], [0], [0], [1], [0, 0, 1, 1], [], []>, transpose_lhs_hint = false} : vector<1x512xf32>, vector<512x128xf32>, vector<1x128xf32> -> vector<1x128xf32>
      %get3A_106 = arith.constant 0 : index
      %get3A_107 = arith.constant 0 : index
      %get3A_108 = arith.constant 0 : index
      %get3A_109 = vector.load %arg15[%get3A_106, %get3A_107, %get3A_108] : memref<1x1x128xf32, #tpu.memory_space<vmem>>, vector<1x1x128xf32>
      %get3A_110 = vector.shape_cast %get3A_109 : vector<1x1x128xf32> to vector<1x128xf32>
      %add3A_111 = arith.addf %dot_general3A_105, %get3A_110 : vector<1x128xf32>
      %swap3A_112 = arith.constant 0 : index
      %swap3A_113 = arith.constant 0 : index
      %swap3A_114 = arith.constant 0 : index
      %swap3A_115 = vector.load %arg17[%swap3A_112, %swap3A_113, %swap3A_114] : memref<1x1x128xf32, #tpu.memory_space<vmem>>, vector<1x1x128xf32>
      %swap3A_116 = vector.shape_cast %swap3A_115 : vector<1x1x128xf32> to vector<1x128xf32>
      %swap3A_117 = vector.shape_cast %add3A_111 : vector<1x128xf32> to vector<1x1x128xf32>
      tpu.vector_store %arg17[%swap3A_112, %swap3A_113, %swap3A_114], %swap3A_117 {strides = array<i32>} : memref<1x1x128xf32, #tpu.memory_space<vmem>>, vector<1x1x128xf32>,
    } else {
    }
    return
  }
  func.func @transform_0(%arg0: i32, %arg1: i32) -> (i32, i32, i32) {
    %min3A = arith.constant 4 : i32
    %min3A_0 = arith.minsi %arg1, %min3A : i32
    %c0_i32 = arith.constant 0 : i32
    %c0_i32_1 = arith.constant 0 : i32
    return %arg0, %min3A_0, %c0_i32 : i32, i32, i32
  }
  func.func @transform_1(%arg0: i32, %arg1: i32) -> (i32, i32, i32) {
    %c0_i32 = arith.constant 0 : i32
    %c0_i32_0 = arith.constant 0 : i32
    %c0_i32_1 = arith.constant 0 : i32
    return %arg0, %c0_i32, %c0_i32_0 : i32, i32, i32
  }
  func.func @transform_2(%arg0: i32, %arg1: i32) -> (i32, i32, i32) {
    %c0_i32 = arith.constant 0 : i32
    %c0_i32_0 = arith.constant 0 : i32
    %c0_i32_1 = arith.constant 0 : i32
    return %arg0, %c0_i32, %c0_i32_0 : i32, i32, i32
  }
  func.func @transform_3(%arg0: i32, %arg1: i32) -> (i32, i32, i32) {
    %c0_i32 = arith.constant 0 : i32
    %c0_i32_0 = arith.constant 0 : i32
    %c0_i32_1 = arith.constant 0 : i32
    return %arg0, %c0_i32, %c0_i32_0 : i32, i32, i32
  }
  func.func @transform_4(%arg0: i32, %arg1: i32) -> (i32, i32, i32) {
    %c0_i32 = arith.constant 0 : i32
    %c0_i32_0 = arith.constant 0 : i32
    %c0_i32_1 = arith.constant 0 : i32
    return %arg0, %c0_i32, %c0_i32_0 : i32, i32, i32
  }
  func.func @transform_5(%arg0: i32, %arg1: i32) -> (i32, i32, i32) {
    %c0_i32 = arith.constant 0 : i32
    %c0_i32_0 = arith.constant 0 : i32
    %c0_i32_1 = arith.constant 0 : i32
    return %arg0, %c0_i32, %c0_i32_0 : i32, i32, i32
  }
  func.func @transform_6(%arg0: i32, %arg1: i32) -> (i32, i32, i32) {
    %c0_i32 = arith.constant 0 : i32
    %c0_i32_0 = arith.constant 0 : i32
    %c0_i32_1 = arith.constant 0 : i32
    return %arg0, %c0_i32, %c0_i32_0 : i32, i32, i32
  }
  func.func @transform_7(%arg0: i32, %arg1: i32) -> (i32, i32, i32) {
    %c0_i32 = arith.constant 0 : i32
    %c0_i32_0 = arith.constant 0 : i32
    %c0_i32_1 = arith.constant 0 : i32
    return %arg0, %c0_i32, %c0_i32_0 : i32, i32, i32
  }
  func.func @transform_8(%arg0: i32, %arg1: i32) -> (i32, i32, i32) {
    %c0_i32 = arith.constant 0 : i32
    %c0_i32_0 = arith.constant 0 : i32
    %c0_i32_1 = arith.constant 0 : i32
    return %arg0, %c0_i32, %c0_i32_0 : i32, i32, i32
  }
  func.func @transform_9(%arg0: i32, %arg1: i32) -> (i32, i32, i32) {
    %c0_i32 = arith.constant 0 : i32
    %c0_i32_0 = arith.constant 0 : i32
    %c0_i32_1 = arith.constant 0 : i32
    return %arg0, %c0_i32, %c0_i32_0 : i32, i32, i32
  }
  func.func @transform_10(%arg0: i32, %arg1: i32) -> (i32, i32, i32) {
    %c0_i32 = arith.constant 0 : i32
    %c0_i32_0 = arith.constant 0 : i32
    %c0_i32_1 = arith.constant 0 : i32
    return %arg0, %c0_i32, %c0_i32_0 : i32, i32, i32
  }
  func.func @transform_11(%arg0: i32, %arg1: i32) -> (i32, i32, i32) {
    %c0_i32 = arith.constant 0 : i32
    %c0_i32_0 = arith.constant 0 : i32
    %c0_i32_1 = arith.constant 0 : i32
    return %arg0, %c0_i32, %c0_i32_0 : i32, i32, i32
  }
  func.func @transform_12(%arg0: i32, %arg1: i32) -> (i32, i32, i32) {
    %c0_i32 = arith.constant 0 : i32
    %c0_i32_0 = arith.constant 0 : i32
    %c0_i32_1 = arith.constant 0 : i32
    return %arg0, %c0_i32, %c0_i32_0 : i32, i32, i32
  }
  func.func @transform_13(%arg0: i32, %arg1: i32) -> (i32, i32, i32) {
    %c0_i32 = arith.constant 0 : i32
    %c0_i32_0 = arith.constant 0 : i32
    %c0_i32_1 = arith.constant 0 : i32
    return %arg0, %c0_i32, %c0_i32_0 : i32, i32, i32
  }
  func.func @transform_14(%arg0: i32, %arg1: i32) -> (i32, i32, i32) {
    %c0_i32 = arith.constant 0 : i32
    %c0_i32_0 = arith.constant 0 : i32
    %c0_i32_1 = arith.constant 0 : i32
    return %arg0, %c0_i32, %c0_i32_0 : i32, i32, i32
  }
  func.func @transform_15(%arg0: i32, %arg1: i32) -> (i32, i32, i32) {
    %c0_i32 = arith.constant 0 : i32
    %c0_i32_0 = arith.constant 0 : i32
    %c0_i32_1 = arith.constant 0 : i32
    return %arg0, %c0_i32, %c0_i32_0 : i32, i32, i32
  }
}

module attributes {stable_mosaic.version = 14 : i64} {
  func.func @_agg_body(%arg0: memref<6x512xf32, #tpu.memory_space<vmem>>, %arg1: memref<6x512xf32, #tpu.memory_space<vmem>>, %arg2: memref<1x512xf32, #tpu.memory_space<vmem>>, %arg3: memref<512x512xf32, #tpu.memory_space<vmem>>, %arg4: memref<1x512xf32, #tpu.memory_space<vmem>>, %arg5: memref<512x512xf32, #tpu.memory_space<vmem>>, %arg6: memref<1x512xf32, #tpu.memory_space<vmem>>, %arg7: memref<512x512xf32, #tpu.memory_space<vmem>>, %arg8: memref<1x512xf32, #tpu.memory_space<vmem>>, %arg9: memref<1x512xf32, #tpu.memory_space<vmem>>, %arg10: memref<1x512xf32, #tpu.memory_space<vmem>>, %arg11: memref<512x128xf32, #tpu.memory_space<vmem>>, %arg12: memref<1x128xf32, #tpu.memory_space<vmem>>, %arg13: memref<1x128xf32, #tpu.memory_space<vmem>>) attributes {dimension_semantics = [], scalar_prefetch = 0 : i64, scratch_operands = 0 : i64, tpu.core_type = #tpu.core_type<tc>} {
    %iota3A = tpu.iota {dimensions = array<i32: 0>} : vector<8x512xi32>
    %iota3A_0 = tpu.iota {dimensions = array<i32: 1>} : vector<8x512xi32>
    %jit3A = arith.constant 64 : i32
    %div3A = vector.broadcast %jit3A : i32 to vector<8x512xi32>
    %div3A_1 = arith.divsi %iota3A_0, %div3A : vector<8x512xi32>
    %sign3A = arith.constant 0 : i32
    %sign3A_2 = vector.broadcast %sign3A : i32 to vector<8x512xi32>
    %sign3A_3 = arith.cmpi sgt, %iota3A_0, %sign3A_2 : vector<8x512xi32>
    %sign3A_4 = arith.extui %sign3A_3 : vector<8x512xi1> to vector<8x512xi32>
    %sign3A_5 = arith.constant 0 : i32
    %sign3A_6 = vector.broadcast %sign3A_5 : i32 to vector<8x512xi32>
    %sign3A_7 = arith.cmpi slt, %iota3A_0, %sign3A_6 : vector<8x512xi32>
    %sign3A_8 = arith.extui %sign3A_7 : vector<8x512xi1> to vector<8x512xi32>
    %sign3A_9 = arith.subi %sign3A_4, %sign3A_8 : vector<8x512xi32>
    %sign3A_10 = arith.constant 0 : i32
    %sign3A_11 = arith.cmpi sgt, %jit3A, %sign3A_10 : i32
    %sign3A_12 = arith.extui %sign3A_11 : i1 to i32
    %sign3A_13 = arith.constant 0 : i32
    %sign3A_14 = arith.cmpi slt, %jit3A, %sign3A_13 : i32
    %sign3A_15 = arith.extui %sign3A_14 : i1 to i32
    %sign3A_16 = arith.subi %sign3A_12, %sign3A_15 : i32
    %ne3A = vector.broadcast %sign3A_16 : i32 to vector<8x512xi32>
    %ne3A_17 = arith.cmpi ne, %sign3A_9, %ne3A : vector<8x512xi32>
    %rem3A = vector.broadcast %jit3A : i32 to vector<8x512xi32>
    %rem3A_18 = arith.remsi %iota3A_0, %rem3A : vector<8x512xi32>
    %ne3A_19 = arith.constant 0 : i32
    %ne3A_20 = vector.broadcast %ne3A_19 : i32 to vector<8x512xi32>
    %ne3A_21 = arith.cmpi ne, %rem3A_18, %ne3A_20 : vector<8x512xi32>
    %and3A = arith.andi %ne3A_17, %ne3A_21 : vector<8x512xi1>
    %sub3A = arith.constant 1 : i32
    %sub3A_22 = vector.broadcast %sub3A : i32 to vector<8x512xi32>
    %sub3A_23 = arith.subi %div3A_1, %sub3A_22 : vector<8x512xi32>
    %select_n3A = arith.select %and3A, %sub3A_23, %div3A_1 : vector<8x512xi1>, vector<8x512xi32>
    %eq3A = arith.cmpi eq, %select_n3A, %iota3A : vector<8x512xi32>
    %convert_element_type3A = arith.extui %eq3A : vector<8x512xi1> to vector<8x512xi32>
    %convert_element_type3A_24 = arith.sitofp %convert_element_type3A : vector<8x512xi32> to vector<8x512xf32>
    %get3A = arith.constant 0 : index
    %get3A_25 = arith.constant 0 : index
    %get3A_26 = vector.load %arg2[%get3A, %get3A_25] : memref<1x512xf32, #tpu.memory_space<vmem>>, vector<1x512xf32>
    %get3A_27 = arith.constant 0 : index
    %get3A_28 = arith.constant 0 : index
    %get3A_29 = vector.load %arg3[%get3A_27, %get3A_28] : memref<512x512xf32, #tpu.memory_space<vmem>>, vector<512x512xf32>
    %dot_general3A = arith.constant dense<0.000000e+00> : vector<1x512xf32>
    %dot_general3A_30 = tpu.matmul %get3A_26, %get3A_29, %dot_general3A {dimension_numbers = #tpu.dot_dimension_numbers<[1], [0], [0], [1], [0, 0, 1, 1], [], []>, transpose_lhs_hint = false} : vector<1x512xf32>, vector<512x512xf32>, vector<1x512xf32> -> vector<1x512xf32>
    %get3A_31 = arith.constant 0 : index
    %get3A_32 = arith.constant 0 : index
    %get3A_33 = vector.load %arg4[%get3A_31, %get3A_32] : memref<1x512xf32, #tpu.memory_space<vmem>>, vector<1x512xf32>
    %mul3A = arith.constant 5.000000e+04 : f32
    %mul3A_34 = vector.broadcast %mul3A : f32 to vector<1x512xf32>
    %mul3A_35 = arith.mulf %mul3A_34, %get3A_33 : vector<1x512xf32>
    %add3A = arith.addf %dot_general3A_30, %mul3A_35 : vector<1x512xf32>
    %get3A_36 = arith.constant 0 : index
    %get3A_37 = arith.constant 0 : index
    %get3A_38 = vector.load %arg1[%get3A_36, %get3A_37] : memref<6x512xf32, #tpu.memory_space<vmem>>, vector<6x512xf32>
    %mul3A_39 = vector.broadcast %add3A : vector<1x512xf32> to vector<6x512xf32>
    %mul3A_40 = arith.mulf %get3A_38, %mul3A_39 : vector<6x512xf32>
    %dot_general3A_41 = arith.constant dense<0.000000e+00> : vector<6x8xf32>
    %dot_general3A_42 = tpu.matmul %mul3A_40, %convert_element_type3A_24, %dot_general3A_41 {dimension_numbers = #tpu.dot_dimension_numbers<[1], [1], [0], [0], [0, 0, 1, 0], [], []>, transpose_lhs_hint = false} : vector<6x512xf32>, vector<8x512xf32>, vector<6x8xf32> -> vector<6x8xf32>
    %mul3A_43 = arith.constant 2.500000e-06 : f32
    %mul3A_44 = vector.broadcast %mul3A_43 : f32 to vector<6x8xf32>
    %mul3A_45 = arith.mulf %dot_general3A_42, %mul3A_44 : vector<6x8xf32>
    %reduce_max3A = arith.constant dense<0xFF800000> : vector<8xf32>
    %reduce_max3A_46 = vector.multi_reduction <maximumf>, %mul3A_45, %reduce_max3A [0] : vector<6x8xf32> to vector<8xf32>
    %broadcast_in_dim3A = vector.shape_cast %reduce_max3A_46 : vector<8xf32> to vector<1x8xf32>
    %sub3A_47 = vector.broadcast %broadcast_in_dim3A : vector<1x8xf32> to vector<6x8xf32>
    %sub3A_48 = arith.subf %mul3A_45, %sub3A_47 : vector<6x8xf32>
    %exp3A = math.exp %sub3A_48 : vector<6x8xf32>
    %reduce_sum3A = arith.constant dense<0.000000e+00> : vector<8xf32>
    %reduce_sum3A_49 = vector.multi_reduction <add>, %exp3A, %reduce_sum3A [0] : vector<6x8xf32> to vector<8xf32>
    %broadcast_in_dim3A_50 = vector.shape_cast %reduce_sum3A_49 : vector<8xf32> to vector<1x8xf32>
    %div3A_51 = vector.broadcast %broadcast_in_dim3A_50 : vector<1x8xf32> to vector<6x8xf32>
    %div3A_52 = arith.divf %exp3A, %div3A_51 : vector<6x8xf32>
    %get3A_53 = arith.constant 0 : index
    %get3A_54 = arith.constant 0 : index
    %get3A_55 = vector.load %arg0[%get3A_53, %get3A_54] : memref<6x512xf32, #tpu.memory_space<vmem>>, vector<6x512xf32>
    %get3A_56 = arith.constant 0 : index
    %get3A_57 = arith.constant 0 : index
    %get3A_58 = vector.load %arg5[%get3A_56, %get3A_57] : memref<512x512xf32, #tpu.memory_space<vmem>>, vector<512x512xf32>
    %dot_general3A_59 = arith.constant dense<0.000000e+00> : vector<6x512xf32>
    %dot_general3A_60 = tpu.matmul %get3A_55, %get3A_58, %dot_general3A_59 {dimension_numbers = #tpu.dot_dimension_numbers<[1], [0], [0], [1], [0, 0, 1, 1], [], []>, transpose_lhs_hint = false} : vector<6x512xf32>, vector<512x512xf32>, vector<6x512xf32> -> vector<6x512xf32>
    %get3A_61 = arith.constant 0 : index
    %get3A_62 = arith.constant 0 : index
    %get3A_63 = vector.load %arg6[%get3A_61, %get3A_62] : memref<1x512xf32, #tpu.memory_space<vmem>>, vector<1x512xf32>
    %add3A_64 = vector.broadcast %get3A_63 : vector<1x512xf32> to vector<6x512xf32>
    %add3A_65 = arith.addf %dot_general3A_60, %add3A_64 : vector<6x512xf32>
    %dot_general3A_66 = arith.constant dense<0.000000e+00> : vector<6x512xf32>
    %dot_general3A_67 = tpu.matmul %div3A_52, %convert_element_type3A_24, %dot_general3A_66 {dimension_numbers = #tpu.dot_dimension_numbers<[1], [0], [0], [1], [0, 0, 1, 1], [], []>, transpose_lhs_hint = false} : vector<6x8xf32>, vector<8x512xf32>, vector<6x512xf32> -> vector<6x512xf32>
    %mul3A_68 = arith.mulf %dot_general3A_67, %add3A_65 : vector<6x512xf32>
    %reduce_sum3A_69 = arith.constant dense<0.000000e+00> : vector<512xf32>
    %reduce_sum3A_70 = vector.multi_reduction <add>, %mul3A_68, %reduce_sum3A_69 [0] : vector<6x512xf32> to vector<512xf32>
    %broadcast_in_dim3A_71 = vector.shape_cast %reduce_sum3A_70 : vector<512xf32> to vector<1x512xf32>
    %get3A_72 = arith.constant 0 : index
    %get3A_73 = arith.constant 0 : index
    %get3A_74 = vector.load %arg7[%get3A_72, %get3A_73] : memref<512x512xf32, #tpu.memory_space<vmem>>, vector<512x512xf32>
    %dot_general3A_75 = arith.constant dense<0.000000e+00> : vector<1x512xf32>
    %dot_general3A_76 = tpu.matmul %broadcast_in_dim3A_71, %get3A_74, %dot_general3A_75 {dimension_numbers = #tpu.dot_dimension_numbers<[1], [0], [0], [1], [0, 0, 1, 1], [], []>, transpose_lhs_hint = false} : vector<1x512xf32>, vector<512x512xf32>, vector<1x512xf32> -> vector<1x512xf32>
    %get3A_77 = arith.constant 0 : index
    %get3A_78 = arith.constant 0 : index
    %get3A_79 = vector.load %arg8[%get3A_77, %get3A_78] : memref<1x512xf32, #tpu.memory_space<vmem>>, vector<1x512xf32>
    %add3A_80 = arith.addf %dot_general3A_76, %get3A_79 : vector<1x512xf32>
    %get3A_81 = arith.constant 0 : index
    %get3A_82 = arith.constant 0 : index
    %get3A_83 = vector.load %arg9[%get3A_81, %get3A_82] : memref<1x512xf32, #tpu.memory_space<vmem>>, vector<1x512xf32>
    %get3A_84 = arith.constant 0 : index
    %get3A_85 = arith.constant 0 : index
    %get3A_86 = vector.load %arg10[%get3A_84, %get3A_85] : memref<1x512xf32, #tpu.memory_space<vmem>>, vector<1x512xf32>
    %reduce_sum3A_87 = arith.constant dense<0.000000e+00> : vector<1xf32>
    %reduce_sum3A_88 = vector.multi_reduction <add>, %add3A_80, %reduce_sum3A_87 [1] : vector<1x512xf32> to vector<1xf32>
    %broadcast_in_dim3A_89 = vector.shape_cast %reduce_sum3A_88 : vector<1xf32> to vector<1x1xf32>
    %div3A_90 = arith.constant 5.120000e+02 : f32
    %div3A_91 = vector.broadcast %div3A_90 : f32 to vector<1x1xf32>
    %div3A_92 = arith.divf %broadcast_in_dim3A_89, %div3A_91 : vector<1x1xf32>
    %sub3A_93 = vector.broadcast %div3A_92 : vector<1x1xf32> to vector<1x512xf32>
    %sub3A_94 = arith.subf %add3A_80, %sub3A_93 : vector<1x512xf32>
    %integer_pow3A = arith.mulf %sub3A_94, %sub3A_94 : vector<1x512xf32>
    %reduce_sum3A_95 = arith.constant dense<0.000000e+00> : vector<1xf32>
    %reduce_sum3A_96 = vector.multi_reduction <add>, %integer_pow3A, %reduce_sum3A_95 [1] : vector<1x512xf32> to vector<1xf32>
    %broadcast_in_dim3A_97 = vector.shape_cast %reduce_sum3A_96 : vector<1xf32> to vector<1x1xf32>
    %div3A_98 = arith.constant 5.120000e+02 : f32
    %div3A_99 = vector.broadcast %div3A_98 : f32 to vector<1x1xf32>
    %div3A_100 = arith.divf %broadcast_in_dim3A_97, %div3A_99 : vector<1x1xf32>
    %sub3A_101 = vector.broadcast %div3A_92 : vector<1x1xf32> to vector<1x512xf32>
    %sub3A_102 = arith.subf %add3A_80, %sub3A_101 : vector<1x512xf32>
    %add3A_103 = arith.constant 9.99999997E-7 : f32
    %add3A_104 = vector.broadcast %add3A_103 : f32 to vector<1x1xf32>
    %add3A_105 = arith.addf %div3A_100, %add3A_104 : vector<1x1xf32>
    %sqrt3A = math.sqrt %add3A_105 : vector<1x1xf32>
    %div3A_106 = vector.broadcast %sqrt3A : vector<1x1xf32> to vector<1x512xf32>
    %div3A_107 = arith.divf %sub3A_102, %div3A_106 : vector<1x512xf32>
    %mul3A_108 = arith.mulf %div3A_107, %get3A_83 : vector<1x512xf32>
    %add3A_109 = arith.addf %mul3A_108, %get3A_86 : vector<1x512xf32>
    %get3A_110 = arith.constant 0 : index
    %get3A_111 = arith.constant 0 : index
    %get3A_112 = vector.load %arg11[%get3A_110, %get3A_111] : memref<512x128xf32, #tpu.memory_space<vmem>>, vector<512x128xf32>
    %dot_general3A_113 = arith.constant dense<0.000000e+00> : vector<1x128xf32>
    %dot_general3A_114 = tpu.matmul %add3A_109, %get3A_112, %dot_general3A_113 {dimension_numbers = #tpu.dot_dimension_numbers<[1], [0], [0], [1], [0, 0, 1, 1], [], []>, transpose_lhs_hint = false} : vector<1x512xf32>, vector<512x128xf32>, vector<1x128xf32> -> vector<1x128xf32>
    %get3A_115 = arith.constant 0 : index
    %get3A_116 = arith.constant 0 : index
    %get3A_117 = vector.load %arg12[%get3A_115, %get3A_116] : memref<1x128xf32, #tpu.memory_space<vmem>>, vector<1x128xf32>
    %add3A_118 = arith.addf %dot_general3A_114, %get3A_117 : vector<1x128xf32>
    %swap3A = arith.constant 0 : index
    %swap3A_119 = arith.constant 0 : index
    %swap3A_120 = vector.load %arg13[%swap3A, %swap3A_119] : memref<1x128xf32, #tpu.memory_space<vmem>>, vector<1x128xf32>
    tpu.vector_store %arg13[%swap3A, %swap3A_119], %add3A_118 {strides = array<i32>} : memref<1x128xf32, #tpu.memory_space<vmem>>, vector<1x128xf32>,
    return
  }
}

</mosaic_0001>

<sc_bundles>
// kernel: kernel.12.cloned.1.call-start
scs
__scs_entry_jumppad:
0x0: {  	(pc) =	sbr.rel $0x88, $3  }
0x1: {  	(tag) =	ssettag $0x0;
	lr =	simm.s32 $0x1  }
0x2: {  	[smem:$0x3F81] =	sst lr;
	_ =	strace $0xD0000000  }
0x3: {  	_ = 	snop  }
0x4: {  	_ = 	snop  }
0x5: {  	_ = 	snop  }
0x6: {  	_ = 	snop  }
0x7: {  	_ = 	snop  }
__scs_overlays_trampoline_lowered:
0x8: {  	[smem:$0x3F90] =	sst s0  }
0x9: {  	[smem:$0x3F91] =	sst s1  }
0xa: {  	[smem:$0x3F92] =	sst s2  }
0xb: {  	[smem:$0x3F93] =	sst s3  }
0xc: {  	[smem:$0x3F94] =	sst s4  }
0xd: {  	[smem:$0x3F95] =	sst s5  }
0xe: {  	[smem:$0x3F96] =	sst s6  }
0xf: {  	[smem:$0x3F97] =	sst s7  }
0x10: {  	[smem:$0x3F98] =	sst s8  }
0x11: {  	[smem:$0x3F99] =	sst s9;
	s0 =	simm.s32 @!p0 $0x0  }
0x12: {  	s1 =	sld [smem:$0x3F7F];
	s0 =	simm.s32 @p0 $0x1  }
0x13: {  	[smem:$0x3F9A] =	sst s0;
	s0 =	simm.s32 @!p1 $0x0  }
0x14: {  	s2 =	sld [smem:$0x3F7E];
	s0 =	simm.s32 @p1 $0x1  }
0x15: {  	[smem:$0x3F9B] =	sst s0;
	s0 =	simm.s32 @!p2 $0x0  }
0x16: {  	s3 =	sld [smem:$0x3FDB];
	s0 =	simm.s32 @p2 $0x1  }
0x17: {  	s4 =	simm.s32 $0x1BF5;
	[smem:$0x3F9D] =	sst s0  }
0x18: {  	s0 =	sld [smem:$0x3F80];
	_ =	swait.ge [sflag:s4], $0x0  }
0x19: {  	s7 =	sld [smem:$0x3F81]  }
0x1a: {  	s8 =	sadd.s32 $0xFFFFE003, lr  }
0x1b: {  	s9 =	sadd.s32 $0xFFFFFEF7, lr;
	s5 =	simm.s32 $0xFFFFFFFF;
	p2 =	slt.u32 s8, $0xFFFFF086  }
0x1c: {  	p1 =	slt.u32 s9, $0xF7A;
	s5 =	simm.s32 @!p2 $0x0  }
0x1d: {  	s5 =	simm.s32 @p1 $0x1;
	p0 =	seq.s32 s7, s2  }
0x1e: {  	s7 =	smul.u32 @!p0 $0xF7A, s2;
	p2 =	seq.s32 @!p0 s5, $0x0  }
0x1f: {  	s9 =	smul.u32 $0xF7A, s1;
	s8 =	simm.s32 @!p0 $0x1BF5;
	p2 =	por !p2, p0  }
0x20: {  	[sflag:s8] =	ssyncset.s32 @!p0 $0xFFFFF086;
	s6 =	sadd.s32 @!p0 s3, s7;
	s7 =	simm.s32 @!p0 $0x108  }
0x21: {  	s3 =	sadd.s32 s3, s9;
	s6 =	sadd.s32 @!p0 $0x88, s6;
	s7 =	simm.s32 @p2 $0x1082  }
0x22: {  	[simem:s7], [sflag:s8] =	dma.local @!p0 [hbm:s6], $0xF7A  }
0x23: {  	s9 =	sor.u32 $0xD0000000, s2;
	s6 =	simm.s32 $0x108;
	_ =	swait.ge @!p0 [sflag:s8], $0x0  }
0x24: {  	s3 =	sadd.s32 $0x88, s3;
	s6 =	simm.s32 @!p1 $0x1082;
	[sflag:s4] =	ssyncset.s32 $0xFFFFF086  }
0x25: {  	[simem:s6], [sflag:s4] =	dma.local [hbm:s3], $0xF7A  }
0x26: {  	[smem:$0x3F81] =	sst s1;
	(tag) =	ssettag s2;
	_ =	strace s9  }
0x27: {  	s1 =	sld [smem:$0x3F91]  }
0x28: {  	s2 =	sld [smem:$0x3F92]  }
0x29: {  	s4 =	sld [smem:$0x3F94]  }
0x2a: {  	p0 =	seq.s32 s5, $0x0;
	s5 =	sld [smem:$0x3F95]  }
0x2b: {  	s6 =	sld [smem:$0x3F96]  }
0x2c: {  	s7 =	sld [smem:$0x3F97]  }
0x2d: {  	s3 =	simm.s32 $0x108;
	s8 =	sld [smem:$0x3F98]  }
0x2e: {  	s3 =	simm.s32 @!p0 $0x1082;
	s9 =	sld [smem:$0x3F99]  }
0x2f: {  	lr =	sadd.s32 s0, s3;
	s0 =	sld [smem:$0x3F90]  }
0x30: {  	s3 =	sld [smem:$0x3F93]  }
0x31: {  	[smem:$0x3F9C] =	sst s10  }
0x32: {  	s10 =	sld [smem:$0x3F9A];
	_ =	sdelay $0x3  }
0x33: {  	p0 =	seq.s32 s10, $0x1;
	s10 =	sld [smem:$0x3F9C];
	_ =	sdelay $0x3  }
0x34: {  	[smem:$0x3F9C] =	sst s10  }
0x35: {  	s10 =	sld [smem:$0x3F9B];
	_ =	sdelay $0x3  }
0x36: {  	p1 =	seq.s32 s10, $0x1;
	s10 =	sld [smem:$0x3F9C];
	_ =	sdelay $0x3  }
0x37: {  	[smem:$0x3F9C] =	sst s10  }
0x38: {  	s10 =	sld [smem:$0x3F9D]  }
0x39: {  	_ = 	snop;
	(pc) =	sbr.ind lr, $3  }
0x3a: {  	_ = 	snop  }
0x3b: {  	_ = 	snop  }
0x3c: {  	p2 =	seq.s32 s10, $0x1;
	s10 =	sld [smem:$0x3F9C]  }
0x3d: {  	_ =	shalt  }
0x3e: {  	_ =	shalt  }
0x3f: {  	_ =	shalt  }
0x40: {  	_ =	shalt  }
0x41: {  	_ =	shalt  }
0x42: {  	_ =	shalt  }
0x43: {  	_ =	shalt  }
0x44: {  	_ =	shalt  }
0x45: {  	_ =	shalt  }
0x46: {  	_ =	shalt  }
0x47: {  	_ =	shalt  }
0x48: {  	_ =	shalt  }
0x49: {  	_ =	shalt  }
0x4a: {  	_ =	shalt  }
0x4b: {  	_ =	shalt  }
0x4c: {  	_ =	shalt  }
0x4d: {  	_ =	shalt  }
0x4e: {  	_ =	shalt  }
0x4f: {  	_ =	shalt  }
0x50: {  	_ =	shalt  }
0x51: {  	_ =	shalt  }
0x52: {  	_ =	shalt  }
0x53: {  	_ =	shalt  }
0x54: {  	_ =	shalt  }
0x55: {  	_ =	shalt  }
0x56: {  	_ =	shalt  }
0x57: {  	_ =	shalt  }
0x58: {  	_ =	shalt  }
0x59: {  	_ =	shalt  }
0x5a: {  	_ =	shalt  }
0x5b: {  	_ =	shalt  }
0x5c: {  	_ =	shalt  }
0x5d: {  	_ =	shalt  }
0x5e: {  	_ =	shalt  }
0x5f: {  	_ =	shalt  }
0x60: {  	_ =	shalt  }
0x61: {  	_ =	shalt  }
0x62: {  	_ =	shalt  }
0x63: {  	_ =	shalt  }
0x64: {  	_ =	shalt  }
0x65: {  	_ =	shalt  }
0x66: {  	_ =	shalt  }
0x67: {  	_ =	shalt  }
0x68: {  	_ =	shalt  }
0x69: {  	_ =	shalt  }
0x6a: {  	_ =	shalt  }
0x6b: {  	_ =	shalt  }
0x6c: {  	_ =	shalt  }
0x6d: {  	_ =	shalt  }
0x6e: {  	_ =	shalt  }
0x6f: {  	_ =	shalt  }
0x70: {  	_ =	shalt  }
0x71: {  	_ =	shalt  }
0x72: {  	_ =	shalt  }
0x73: {  	_ =	shalt  }
0x74: {  	_ =	shalt  }
0x75: {  	_ =	shalt  }
0x76: {  	_ =	shalt  }
0x77: {  	_ =	shalt  }
0x78: {  	_ =	shalt  }
0x79: {  	_ =	shalt  }
0x7a: {  	_ =	shalt  }
0x7b: {  	_ =	shalt  }
0x7c: {  	_ =	shalt  }
0x7d: {  	_ =	shalt  }
0x7e: {  	_ =	shalt  }
0x7f: {  	_ =	shalt  }
0x80: {  	_ =	shalt  }
0x81: {  	_ =	shalt  }
0x82: {  	_ =	shalt  }
0x83: {  	_ =	shalt  }
0x84: {  	_ =	shalt  }
0x85: {  	_ =	shalt  }
0x86: {  	_ =	shalt  }
0x87: {  	_ =	shalt  }
.Lfunc_end0:
.L_simem_size_0:
called_computation.1_lowered:
.L_overlay_start_0:
0x88: {  	s2 =	sld [smem:$0x3FD9]  }
0x89: {  	s3 =	sld [smem:$0x3FFE];
	_ =	sdelay $0x1  }
0x8a: {  	s1 =	srdreg.scid  }
0x8b: {  	s0 =	sand.u32 $0x1, s1  }
0x8c: {  	s16 =	sshll.u32 s0, $0xA;
	s2 =	sadd.s32 s3, s2  }
0x8d: {  	s2 =	sadd.s32 s2, s16  }
0x8e: {  	[smem:$0x3FA8] =	sst s2  }
0x8f: {  	_ = 	snop  }
0x90: {  	(tm) =	ssettm $0x1  }
0x91: {  	s17 =	sld [smem:$0x3FFB];
	_ =	sdelay $0x3  }
0x92: {  	_ =	strace s17  }
0x93: {  	s2 =	sld [smem:$0x3FFC];
	_ =	sdelay $0x3  }
0x94: {  	_ =	strace s2  }
0x95: {  	s2 =	sld [smem:$0x3FFD];
	_ =	sdelay $0x3  }
0x96: {  	_ =	strace s2  }
0x97: {  	_ =	strace $0x8FFFFFFF  }
0x98: {  	s18 =	sld [smem:$0x3FDB];
	_ =	sdelay $0x1  }
0x99: {  	s19 =	simm.s32 $_scs_section_size  }
0x9a: {  	s4 =	simm.s32 $_size__tile_overlayer_lowered;
	s5 =	simm.s32 $_tile_overlayer_lowered  }
0x9b: {  	s22 =	simm.s32 $0x1BFF;
	s21 =	sshll.u32 s5, $0x1;
	s2 =	sadd.s32 s19, s18  }
0x9c: {  	s6 =	simm.s32 $0x0;
	s20 =	sshll.u32 s4, $0x1;
	s4 =	sadd.s32 s21, s2  }
0x9d: {  	[timem:s6], [sflag:s22] =	dma.local [hbm:s4], s20  }
0x9e: {  	_ =	swait.ge [sflag:s22], s20  }
0x9f: {  	s3 =	ssub.s32 $0x0, s20;
	[sflag:s22] =	ssyncset.done $0x0  }
0xa0: {  	[sflag:s22] =	ssyncadd.s32 s3;
	_ =	sdelay $0x1  }
0xa1: {  	s23 =	simm.s32 $0x1B8B  }
0xa2: {  	_ =	swait.ge [sflag:s23], $0x1  }
0xa3: {  	[sflag:s23] =	ssyncset.done $0x0  }
0xa4: {  	s25 =	simm.s32 $0x1B8E;
	s24 =	sld [smem:$0x3FFE];
	[sflag:s23] =	ssyncadd.s32 $0xFFFFFFFF  }
0xa5: {  	s26 =	simm.s32 $execute0_lowered;
	[smem:$0x3FD2] =	sst s25  }
0xa6: {  	s4 =	sshll.u32 s26, $0x1;
	_ =	strace $0x80000049;
	[dreg:$0x1] =	wrdreg $0xFFFFFFFF  }
0xa7: {  	s28 =	simm.s32 $_size_execute0_lowered;
	s2 =	sadd.s32 s2, s4;
	[dreg:$0x0] =	wrdreg $0x0  }
0xa8: {  	s4 =	sshll.u32 s28, $0x1;
	[dreg:$0x2] =	wrdreg s2  }
0xa9: {  	[dreg:$0x3] =	wrdreg s4  }
0xaa: {  	[dreg:$0x4] =	wrdreg $0xC0  }
0xab: {  	_ =	task [dreg:s6], $0x5FFFF  }
0xac: {  	[dreg:$0x1] =	wrdreg $0xFFFFFFFF  }
0xad: {  	[dreg:$0x0] =	wrdreg $0x60  }
0xae: {  	[dreg:$0x2] =	wrdreg s24  }
0xaf: {  	[dreg:$0x3] =	wrdreg $0x9  }
0xb0: {  	_ =	task.clear_ibuf [dreg:s6], $0x4FFFF;
	_ =	strace $0x90000049  }
0xb1: {  	s29 =	simm.s32 $0x9;
	_ =	strace $0x8000004B  }
0xb2: {  	_ =	swait.ge [sflag:s29], $0x1  }
0xb3: {  	[sflag:s29] =	ssyncadd.s32 $0xFFFFFFFF  }
0xb4: {  	_ =	strace $0x9000004B  }
0xb5: {  	_ =	sfence  }
0xb6: {  	s30 =	sld [smem:$0x0];
	_ =	sdelay $0x2  }
0xb7: {  	s31 =	sshll.u32 s1, $0xD;
	s1 =	sshrl.u32 s1, $0x2  }
0xb8: {  	s3 =	sand.u32 $0x4000, s31;
	s1 =	sadd.s32 s1, s30  }
0xb9: {  	s0 =	sor.u32 s3, s0;
	s1 =	sshll.u32 s1, $0x11  }
0xba: {  	s0 =	sor.u32 s1, s0  }
0xbb: {  	s0 =	sadd.s32 $0x8F2B, s0  }
0xbc: {  	[sflag:s0] =	ssyncadd.remote.s32 $0x1  }
0xbd: {  	_ =	sfence.sel $0xFFFF  }
0xbe: {  	[dreg:$0x0] =	wrdreg $0xFFFFFFFF;
	(pc) =	sbr.abs _section_cstart, $3  }
0xbf: {  	[dreg:$0x1] =	wrdreg $0xFFFFFFFF  }
0xc0: {  	_ =	task.clear_ibuf [dreg:s6], $0x2FFFF;
	_ =	strace $0x9FFFFFFF  }
0xc1: {  	(tm) =	ssettm $0x7FFFFFFF  }
tec
execute0_lowered:
.L_overlay_start_1:
0x0: {  	(tag) =	ssettag $0x1  }
0x1: {  	s0 =	srdreg.scid;
	s1 =	stileid.u32  }
0x2: {  	s0 =	sand.u32 $0x1, s0;
	s1 =	sshll.u32 s1, $0x1  }
0x3: {  	s1 =	sor.u32 s0, s1  }
0x4: {  	s3 =	smul.u32 $0x78, s1  }
0x5: {  	s4 =	rddreg [dreg:$0x0];
	s2 =	simm.s32 $0x0;
	s5 =	smul.u32 $0x78000, s1  }
0x6: {  	[smem:$0x7FF] =	sst s2;
	s1 =	smul.u32 $0xF000, s1  }
0x7: {  	s6 =	sadd.s32 $0x31D800, s4;
	_ =	strace $0x8000004A  }
0x8: {  	s3 =	sadd.s32 s3, s4;
	s5 =	sshrl.u32 s5, $0x3;
	s1 =	sadd.s32 s6, s1  }
0x9: {  	s3 =	sadd.s32 $0x31C800, s3;
	s5 =	sadd.s32 s6, s5;
	[dreg:$0x3] =	wrdreg s1  }
0xa: {  	s18 =	simm.s32 $0x1;
	[dreg:$0x2] =	wrdreg s3;
	s23 =	sadd.s32 $0x1E00, s5  }
0xb: {  	s19 =	simm.s32 $0x2;
	s24 =	sadd.s32 $0x3C00, s5;
	[dreg:$0x4] =	wrdreg s23  }
0xc: {  	s0 =	ssub.s32 $0x2, s0;
	s25 =	sadd.s32 $0x5A00, s5;
	[dreg:$0x5] =	wrdreg s24  }
0xd: {  	s29 =	sshrl.u32 s0, $0x1;
	s26 =	sadd.s32 $0x7800, s5;
	[dreg:$0x6] =	wrdreg s25  }
0xe: {  	s0 =	ssub.s32 s0, s29;
	s28 =	sadd.s32 $0x9600, s5;
	[dreg:$0x7] =	wrdreg s26  }
0xf: {  	v2 =	vlaneseq.u32;
	s6 =	simm.s32 $0x3;
	s30 =	sadd.s32 $0xB400, s5;
	[dreg:$0x8] =	wrdreg s28  }
0x10: {  	vm0 =	vmmov $0xffff;
	v1 =	vshrl.u32 v2, $0x3;
	s3 =	sadd.s32 $0x5E00, s4;
	s31 =	sadd.s32 $0xD200, s5;
	[dreg:$0x9] =	wrdreg s30  }
0x11: {  	v0 =	vand.u32 $0x7, v2;
	v2 =	vor.u32 $0x8, v2;
	v1 =	vmul.u32 $0x8, v1;
	s4 =	sadd.s32 $0x5F00, s4;
	s5 =	smax.u32 s0, $0x1;
	[dreg:$0xa] =	wrdreg s31  }
.LBB2_1:
0x12: {  	s20 =	rddreg [dreg:$0x2]  }
0x13: {  	[tilespmem:s2], [sflag:$0x3] =	stream.linear.gather [hbm4b:s20+s2], $0x3C0, $0x38;
	[tilespmem:$0x1E400] =	vst v63  }
0x14: {  	_ =	swait.ge [sflag:s6], $0x3C0  }
0x15: {  	[sflag:s6] =	ssyncset.done $0x0  }
0x16: {  	[sflag:s6] =	ssyncadd.s32 $0xFFFFFC40  }
0x17: {  	v3 =	vld [tilespmem:$0x0];
	_ =	sdelay $0x4  }
0x18: {  	v4 =	vshll.u32 v3, $0x2  }
0x19: {  	v3 =	vand.u32 $0x7, v3;
	v4 =	vand.u32 $0xFFFFFFE0, v4  }
0x1a: {  	v3 =	vor.u32 v3, v4  }
0x1b: {  	v4 =	vperm.xlane v3, v0;
	_ =	sdelay $0x1  }
0x1c: {  	v4 =	vadd.s32 v1, v4;
	_ =	sdelay $0x1  }
0x1d: {  	v3 =	vperm.xlane v3, v2;
	_ =	sdelay $0x1  }
0x1e: {  	s0 =	simm.s32 $0x400;
	v3 =	vadd.s32 v1, v3  }
0x1f: {  	[tilespmem:s0], [sflag:$0x1] =	stream.indirect_vreg.gather [hbm4b:s3+s2], $0x80, v4, vm0, $0xb8;
	[tilespmem:$0x1E400] =	vst v63  }
0x20: {  	s1 =	simm.s32 $0xC00  }
0x21: {  	[tilespmem:s1], [sflag:$0x1] =	stream.indirect_vreg.gather [hbm4b:s4+s2], $0x80, v4, vm0, $0xb8;
	[tilespmem:$0x1E400] =	vst v63  }
0x22: {  	s8 =	simm.s32 $0x1400  }
0x23: {  	[tilespmem:s8], [sflag:$0x1] =	stream.indirect_vreg.gather [hbm4b:s3+s2], $0x80, v3, vm0, $0xb8;
	[tilespmem:$0x1E400] =	vst v63  }
0x24: {  	s9 =	simm.s32 $0x1C00  }
0x25: {  	[tilespmem:s9], [sflag:$0x1] =	stream.indirect_vreg.gather [hbm4b:s4+s2], $0x80, v3, vm0, $0xb8;
	[tilespmem:$0x1E400] =	vst v63  }
0x26: {  	v3 =	vld [tilespmem:$0x10];
	_ =	sdelay $0x4  }
0x27: {  	v57 =	vshll.u32 v3, $0x2  }
0x28: {  	v3 =	vand.u32 $0x7, v3;
	v4 =	vand.u32 $0xFFFFFFE0, v57  }
0x29: {  	v3 =	vor.u32 v3, v4  }
0x2a: {  	v4 =	vperm.xlane v3, v0;
	_ =	sdelay $0x1  }
0x2b: {  	v4 =	vadd.s32 v1, v4;
	_ =	sdelay $0x1  }
0x2c: {  	v3 =	vperm.xlane v3, v2;
	_ =	sdelay $0x1  }
0x2d: {  	s10 =	simm.s32 $0x2400;
	v3 =	vadd.s32 v1, v3  }
0x2e: {  	[tilespmem:s10], [sflag:$0x1] =	stream.indirect_vreg.gather [hbm4b:s3+s2], $0x80, v4, vm0, $0xb8;
	[tilespmem:$0x1E400] =	vst v63  }
0x2f: {  	s11 =	simm.s32 $0x2C00  }
0x30: {  	[tilespmem:s11], [sflag:$0x1] =	stream.indirect_vreg.gather [hbm4b:s4+s2], $0x80, v4, vm0, $0xb8;
	[tilespmem:$0x1E400] =	vst v63  }
0x31: {  	s12 =	simm.s32 $0x3400  }
0x32: {  	[tilespmem:s12], [sflag:$0x1] =	stream.indirect_vreg.gather [hbm4b:s3+s2], $0x80, v3, vm0, $0xb8;
	[tilespmem:$0x1E400] =	vst v63  }
0x33: {  	s13 =	simm.s32 $0x3C00  }
0x34: {  	[tilespmem:s13], [sflag:$0x1] =	stream.indirect_vreg.gather [hbm4b:s4+s2], $0x80, v3, vm0, $0xb8;
	[tilespmem:$0x1E400] =	vst v63  }
0x35: {  	v3 =	vld [tilespmem:$0x20];
	_ =	sdelay $0x4  }
0x36: {  	v58 =	vshll.u32 v3, $0x2  }
0x37: {  	v3 =	vand.u32 $0x7, v3;
	v4 =	vand.u32 $0xFFFFFFE0, v58  }
0x38: {  	v3 =	vor.u32 v3, v4  }
0x39: {  	v4 =	vperm.xlane v3, v0;
	_ =	sdelay $0x1  }
0x3a: {  	v4 =	vadd.s32 v1, v4;
	_ =	sdelay $0x1  }
0x3b: {  	v3 =	vperm.xlane v3, v2;
	_ =	sdelay $0x1  }
0x3c: {  	s14 =	simm.s32 $0x4400;
	v3 =	vadd.s32 v1, v3  }
0x3d: {  	[tilespmem:s14], [sflag:$0x1] =	stream.indirect_vreg.gather [hbm4b:s3+s2], $0x80, v4, vm0, $0xb8;
	[tilespmem:$0x1E400] =	vst v63  }
0x3e: {  	s15 =	simm.s32 $0x4C00  }
0x3f: {  	[tilespmem:s15], [sflag:$0x1] =	stream.indirect_vreg.gather [hbm4b:s4+s2], $0x80, v4, vm0, $0xb8;
	[tilespmem:$0x1E400] =	vst v63  }
0x40: {  	s16 =	simm.s32 $0x5400  }
0x41: {  	[tilespmem:s16], [sflag:$0x1] =	stream.indirect_vreg.gather [hbm4b:s3+s2], $0x80, v3, vm0, $0xb8;
	[tilespmem:$0x1E400] =	vst v63  }
0x42: {  	s17 =	simm.s32 $0x5C00  }
0x43: {  	[tilespmem:s17], [sflag:$0x1] =	stream.indirect_vreg.gather [hbm4b:s4+s2], $0x80, v3, vm0, $0xb8;
	[tilespmem:$0x1E400] =	vst v63  }
0x44: {  	v3 =	vld [tilespmem:$0x30];
	_ =	sdelay $0x4  }
0x45: {  	v59 =	vshll.u32 v3, $0x2  }
0x46: {  	v3 =	vand.u32 $0x7, v3;
	v4 =	vand.u32 $0xFFFFFFE0, v59  }
0x47: {  	v3 =	vor.u32 v3, v4  }
0x48: {  	v4 =	vperm.xlane v3, v0;
	_ =	sdelay $0x1  }
0x49: {  	v4 =	vadd.s32 v1, v4;
	_ =	sdelay $0x1  }
0x4a: {  	v3 =	vperm.xlane v3, v2;
	_ =	sdelay $0x1  }
0x4b: {  	s20 =	simm.s32 $0x6400;
	v3 =	vadd.s32 v1, v3  }
0x4c: {  	[tilespmem:s20], [sflag:$0x1] =	stream.indirect_vreg.gather [hbm4b:s3+s2], $0x80, v4, vm0, $0xb8;
	[tilespmem:$0x1E400] =	vst v63  }
0x4d: {  	s21 =	simm.s32 $0x6C00  }
0x4e: {  	[tilespmem:s21], [sflag:$0x1] =	stream.indirect_vreg.gather [hbm4b:s4+s2], $0x80, v4, vm0, $0xb8;
	[tilespmem:$0x1E400] =	vst v63  }
0x4f: {  	s22 =	simm.s32 $0x7400  }
0x50: {  	[tilespmem:s22], [sflag:$0x1] =	stream.indirect_vreg.gather [hbm4b:s3+s2], $0x80, v3, vm0, $0xb8;
	[tilespmem:$0x1E400] =	vst v63  }
0x51: {  	s23 =	simm.s32 $0x7C00  }
0x52: {  	[tilespmem:s23], [sflag:$0x1] =	stream.indirect_vreg.gather [hbm4b:s4+s2], $0x80, v3, vm0, $0xb8;
	[tilespmem:$0x1E400] =	vst v63  }
0x53: {  	v3 =	vld [tilespmem:$0x40];
	_ =	sdelay $0x4  }
0x54: {  	v60 =	vshll.u32 v3, $0x2  }
0x55: {  	v3 =	vand.u32 $0x7, v3;
	v4 =	vand.u32 $0xFFFFFFE0, v60  }
0x56: {  	v3 =	vor.u32 v3, v4  }
0x57: {  	v4 =	vperm.xlane v3, v0;
	_ =	sdelay $0x1  }
0x58: {  	v4 =	vadd.s32 v1, v4;
	_ =	sdelay $0x1  }
0x59: {  	v3 =	vperm.xlane v3, v2;
	_ =	sdelay $0x1  }
0x5a: {  	s24 =	simm.s32 $0x8400;
	v3 =	vadd.s32 v1, v3  }
0x5b: {  	[tilespmem:s24], [sflag:$0x1] =	stream.indirect_vreg.gather [hbm4b:s3+s2], $0x80, v4, vm0, $0xb8;
	[tilespmem:$0x1E400] =	vst v63  }
0x5c: {  	s25 =	simm.s32 $0x8C00  }
0x5d: {  	[tilespmem:s25], [sflag:$0x1] =	stream.indirect_vreg.gather [hbm4b:s4+s2], $0x80, v4, vm0, $0xb8;
	[tilespmem:$0x1E400] =	vst v63  }
0x5e: {  	s26 =	simm.s32 $0x9400  }
0x5f: {  	[tilespmem:s26], [sflag:$0x1] =	stream.indirect_vreg.gather [hbm4b:s3+s2], $0x80, v3, vm0, $0xb8;
	[tilespmem:$0x1E400] =	vst v63  }
0x60: {  	s28 =	simm.s32 $0x9C00  }
0x61: {  	[tilespmem:s28], [sflag:$0x1] =	stream.indirect_vreg.gather [hbm4b:s4+s2], $0x80, v3, vm0, $0xb8;
	[tilespmem:$0x1E400] =	vst v63  }
0x62: {  	v3 =	vld [tilespmem:$0x50];
	_ =	sdelay $0x4  }
0x63: {  	v61 =	vshll.u32 v3, $0x2  }
0x64: {  	v3 =	vand.u32 $0x7, v3;
	v4 =	vand.u32 $0xFFFFFFE0, v61  }
0x65: {  	v3 =	vor.u32 v3, v4  }
0x66: {  	v4 =	vperm.xlane v3, v0;
	_ =	sdelay $0x1  }
0x67: {  	v4 =	vadd.s32 v1, v4;
	_ =	sdelay $0x1  }
0x68: {  	v3 =	vperm.xlane v3, v2;
	_ =	sdelay $0x1  }
0x69: {  	s29 =	simm.s32 $0xA400;
	v3 =	vadd.s32 v1, v3  }
0x6a: {  	[tilespmem:s29], [sflag:$0x1] =	stream.indirect_vreg.gather [hbm4b:s3+s2], $0x80, v4, vm0, $0xb8;
	[tilespmem:$0x1E400] =	vst v63  }
0x6b: {  	s30 =	simm.s32 $0xAC00  }
0x6c: {  	[tilespmem:s30], [sflag:$0x1] =	stream.indirect_vreg.gather [hbm4b:s4+s2], $0x80, v4, vm0, $0xb8;
	[tilespmem:$0x1E400] =	vst v63  }
0x6d: {  	s31 =	simm.s32 $0xB400  }
0x6e: {  	[tilespmem:s31], [sflag:$0x1] =	stream.indirect_vreg.gather [hbm4b:s3+s2], $0x80, v3, vm0, $0xb8;
	[tilespmem:$0x1E400] =	vst v63  }
0x6f: {  	s0 =	simm.s32 $0xBC00  }
0x70: {  	[tilespmem:s0], [sflag:$0x1] =	stream.indirect_vreg.gather [hbm4b:s4+s2], $0x80, v3, vm0, $0xb8;
	[tilespmem:$0x1E400] =	vst v63  }
0x71: {  	v3 =	vld [tilespmem:$0x60];
	_ =	sdelay $0x4  }
0x72: {  	v62 =	vshll.u32 v3, $0x2  }
0x73: {  	v3 =	vand.u32 $0x7, v3;
	v4 =	vand.u32 $0xFFFFFFE0, v62  }
0x74: {  	v3 =	vor.u32 v3, v4  }
0x75: {  	v4 =	vperm.xlane v3, v0;
	_ =	sdelay $0x1  }
0x76: {  	v4 =	vadd.s32 v1, v4;
	_ =	sdelay $0x1  }
0x77: {  	v3 =	vperm.xlane v3, v2;
	_ =	sdelay $0x1  }
0x78: {  	s12 =	simm.s32 $0xC400;
	v3 =	vadd.s32 v1, v3  }
0x79: {  	[tilespmem:s12], [sflag:$0x1] =	stream.indirect_vreg.gather [hbm4b:s3+s2], $0x80, v4, vm0, $0xb8;
	[tilespmem:$0x1E400] =	vst v63  }
0x7a: {  	s14 =	simm.s32 $0xCC00  }
0x7b: {  	[tilespmem:s14], [sflag:$0x1] =	stream.indirect_vreg.gather [hbm4b:s4+s2], $0x80, v4, vm0, $0xb8;
	[tilespmem:$0x1E400] =	vst v63  }
0x7c: {  	s15 =	simm.s32 $0xD400  }
0x7d: {  	[tilespmem:s15], [sflag:$0x1] =	stream.indirect_vreg.gather [hbm4b:s3+s2], $0x80, v3, vm0, $0xb8;
	[tilespmem:$0x1E400] =	vst v63  }
0x7e: {  	s16 =	simm.s32 $0xDC00  }
0x7f: {  	[tilespmem:s16], [sflag:$0x1] =	stream.indirect_vreg.gather [hbm4b:s4+s2], $0x80, v3, vm0, $0xb8;
	[tilespmem:$0x1E400] =	vst v63  }
0x80: {  	v3 =	vld.msk [tilespmem:$0x70], $0xff;
	_ =	sdelay $0x4  }
0x81: {  	v63 =	vshll.u32 v3, $0x2  }
0x82: {  	v3 =	vand.u32 $0x7, v3;
	v4 =	vand.u32 $0xFFFFFFE0, v63  }
0x83: {  	v3 =	vor.u32 v3, v4  }
0x84: {  	v3 =	vperm.xlane v3, v0;
	_ =	sdelay $0x1  }
0x85: {  	v3 =	vadd.s32 v1, v3;
	_ =	sdelay $0x3  }
0x86: {  	s17 =	simm.s32 $0xE400  }
0x87: {  	[tilespmem:s17], [sflag:$0x1] =	stream.indirect_vreg.gather [hbm4b:s3+s2], $0x80, v3, vm0, $0xb8;
	[tilespmem:$0x1E400] =	vst v63  }
0x88: {  	s20 =	simm.s32 $0xEC00  }
0x89: {  	[tilespmem:s20], [sflag:$0x1] =	stream.indirect_vreg.gather [hbm4b:s4+s2], $0x80, v3, vm0, $0xb8;
	[tilespmem:$0x1E400] =	vst v63  }
0x8a: {  	v3 =	vld [tilespmem:$0x78];
	_ =	sdelay $0x4  }
0x8b: {  	v8 =	vshll.u32 v3, $0x2  }
0x8c: {  	v3 =	vand.u32 $0x7, v3;
	v4 =	vand.u32 $0xFFFFFFE0, v8  }
0x8d: {  	v3 =	vor.u32 v3, v4  }
0x8e: {  	v4 =	vperm.xlane v3, v0;
	_ =	sdelay $0x1  }
0x8f: {  	v4 =	vadd.s32 v1, v4;
	_ =	sdelay $0x1  }
0x90: {  	v3 =	vperm.xlane v3, v2;
	_ =	sdelay $0x1  }
0x91: {  	s21 =	simm.s32 $0xF400;
	v3 =	vadd.s32 v1, v3  }
0x92: {  	[tilespmem:s21], [sflag:$0x2] =	stream.indirect_vreg.gather [hbm4b:s3+s2], $0x80, v4, vm0, $0xb8;
	[tilespmem:$0x1E400] =	vst v63  }
0x93: {  	s22 =	simm.s32 $0xFC00  }
0x94: {  	[tilespmem:s22], [sflag:$0x2] =	stream.indirect_vreg.gather [hbm4b:s4+s2], $0x80, v4, vm0, $0xb8;
	[tilespmem:$0x1E400] =	vst v63  }
0x95: {  	s23 =	simm.s32 $0x10400  }
0x96: {  	[tilespmem:s23], [sflag:$0x2] =	stream.indirect_vreg.gather [hbm4b:s3+s2], $0x80, v3, vm0, $0xb8;
	[tilespmem:$0x1E400] =	vst v63  }
0x97: {  	s24 =	simm.s32 $0x10C00  }
0x98: {  	[tilespmem:s24], [sflag:$0x2] =	stream.indirect_vreg.gather [hbm4b:s4+s2], $0x80, v3, vm0, $0xb8;
	[tilespmem:$0x1E400] =	vst v63  }
0x99: {  	v3 =	vld [tilespmem:$0x88];
	_ =	sdelay $0x4  }
0x9a: {  	v9 =	vshll.u32 v3, $0x2  }
0x9b: {  	v3 =	vand.u32 $0x7, v3;
	v4 =	vand.u32 $0xFFFFFFE0, v9  }
0x9c: {  	v3 =	vor.u32 v3, v4  }
0x9d: {  	v4 =	vperm.xlane v3, v0;
	_ =	sdelay $0x1  }
0x9e: {  	v4 =	vadd.s32 v1, v4;
	_ =	sdelay $0x1  }
0x9f: {  	v3 =	vperm.xlane v3, v2;
	_ =	sdelay $0x1  }
0xa0: {  	s25 =	simm.s32 $0x11400;
	v3 =	vadd.s32 v1, v3  }
0xa1: {  	[tilespmem:s25], [sflag:$0x2] =	stream.indirect_vreg.gather [hbm4b:s3+s2], $0x80, v4, vm0, $0xb8;
	[tilespmem:$0x1E400] =	vst v63  }
0xa2: {  	s26 =	simm.s32 $0x11C00  }
0xa3: {  	[tilespmem:s26], [sflag:$0x2] =	stream.indirect_vreg.gather [hbm4b:s4+s2], $0x80, v4, vm0, $0xb8;
	[tilespmem:$0x1E400] =	vst v63  }
0xa4: {  	s28 =	simm.s32 $0x12400  }
0xa5: {  	[tilespmem:s28], [sflag:$0x2] =	stream.indirect_vreg.gather [hbm4b:s3+s2], $0x80, v3, vm0, $0xb8;
	[tilespmem:$0x1E400] =	vst v63  }
0xa6: {  	s29 =	simm.s32 $0x12C00  }
0xa7: {  	[tilespmem:s29], [sflag:$0x2] =	stream.indirect_vreg.gather [hbm4b:s4+s2], $0x80, v3, vm0, $0xb8;
	[tilespmem:$0x1E400] =	vst v63  }
0xa8: {  	v3 =	vld [tilespmem:$0x98];
	_ =	sdelay $0x4  }
0xa9: {  	v10 =	vshll.u32 v3, $0x2  }
0xaa: {  	v3 =	vand.u32 $0x7, v3;
	v4 =	vand.u32 $0xFFFFFFE0, v10  }
0xab: {  	v3 =	vor.u32 v3, v4  }
0xac: {  	v4 =	vperm.xlane v3, v0;
	_ =	sdelay $0x1  }
0xad: {  	v4 =	vadd.s32 v1, v4;
	_ =	sdelay $0x1  }
0xae: {  	v3 =	vperm.xlane v3, v2;
	_ =	sdelay $0x1  }
0xaf: {  	s30 =	simm.s32 $0x13400;
	v3 =	vadd.s32 v1, v3  }
0xb0: {  	[tilespmem:s30], [sflag:$0x2] =	stream.indirect_vreg.gather [hbm4b:s3+s2], $0x80, v4, vm0, $0xb8;
	[tilespmem:$0x1E400] =	vst v63  }
0xb1: {  	s0 =	simm.s32 $0x13C00  }
0xb2: {  	[tilespmem:s0], [sflag:$0x2] =	stream.indirect_vreg.gather [hbm4b:s4+s2], $0x80, v4, vm0, $0xb8;
	[tilespmem:$0x1E400] =	vst v63  }
0xb3: {  	s1 =	simm.s32 $0x14400  }
0xb4: {  	[tilespmem:s1], [sflag:$0x2] =	stream.indirect_vreg.gather [hbm4b:s3+s2], $0x80, v3, vm0, $0xb8;
	[tilespmem:$0x1E400] =	vst v63  }
0xb5: {  	s12 =	simm.s32 $0x14C00  }
0xb6: {  	[tilespmem:s12], [sflag:$0x2] =	stream.indirect_vreg.gather [hbm4b:s4+s2], $0x80, v3, vm0, $0xb8;
	[tilespmem:$0x1E400] =	vst v63  }
0xb7: {  	v3 =	vld [tilespmem:$0xA8];
	_ =	sdelay $0x4  }
0xb8: {  	v11 =	vshll.u32 v3, $0x2  }
0xb9: {  	v3 =	vand.u32 $0x7, v3;
	v4 =	vand.u32 $0xFFFFFFE0, v11  }
0xba: {  	v3 =	vor.u32 v3, v4  }
0xbb: {  	v4 =	vperm.xlane v3, v0;
	_ =	sdelay $0x1  }
0xbc: {  	v4 =	vadd.s32 v1, v4;
	_ =	sdelay $0x1  }
0xbd: {  	v3 =	vperm.xlane v3, v2;
	_ =	sdelay $0x1  }
0xbe: {  	s14 =	simm.s32 $0x15400;
	v3 =	vadd.s32 v1, v3  }
0xbf: {  	[tilespmem:s14], [sflag:$0x2] =	stream.indirect_vreg.gather [hbm4b:s3+s2], $0x80, v4, vm0, $0xb8;
	[tilespmem:$0x1E400] =	vst v63  }
0xc0: {  	s15 =	simm.s32 $0x15C00  }
0xc1: {  	[tilespmem:s15], [sflag:$0x2] =	stream.indirect_vreg.gather [hbm4b:s4+s2], $0x80, v4, vm0, $0xb8;
	[tilespmem:$0x1E400] =	vst v63  }
0xc2: {  	s16 =	simm.s32 $0x16400  }
0xc3: {  	[tilespmem:s16], [sflag:$0x2] =	stream.indirect_vreg.gather [hbm4b:s3+s2], $0x80, v3, vm0, $0xb8;
	[tilespmem:$0x1E400] =	vst v63  }
0xc4: {  	s17 =	simm.s32 $0x16C00  }
0xc5: {  	[tilespmem:s17], [sflag:$0x2] =	stream.indirect_vreg.gather [hbm4b:s4+s2], $0x80, v3, vm0, $0xb8;
	[tilespmem:$0x1E400] =	vst v63  }
0xc6: {  	v3 =	vld [tilespmem:$0xB8];
	_ =	sdelay $0x4  }
0xc7: {  	v12 =	vshll.u32 v3, $0x2  }
0xc8: {  	v3 =	vand.u32 $0x7, v3;
	v4 =	vand.u32 $0xFFFFFFE0, v12  }
0xc9: {  	v3 =	vor.u32 v3, v4  }
0xca: {  	v4 =	vperm.xlane v3, v0;
	_ =	sdelay $0x1  }
0xcb: {  	v4 =	vadd.s32 v1, v4;
	_ =	sdelay $0x1  }
0xcc: {  	v3 =	vperm.xlane v3, v2;
	_ =	sdelay $0x1  }
0xcd: {  	s21 =	simm.s32 $0x17400;
	v3 =	vadd.s32 v1, v3  }
0xce: {  	[tilespmem:s21], [sflag:$0x2] =	stream.indirect_vreg.gather [hbm4b:s3+s2], $0x80, v4, vm0, $0xb8;
	[tilespmem:$0x1E400] =	vst v63  }
0xcf: {  	s22 =	simm.s32 $0x17C00  }
0xd0: {  	[tilespmem:s22], [sflag:$0x2] =	stream.indirect_vreg.gather [hbm4b:s4+s2], $0x80, v4, vm0, $0xb8;
	[tilespmem:$0x1E400] =	vst v63  }
0xd1: {  	s23 =	simm.s32 $0x18400  }
0xd2: {  	[tilespmem:s23], [sflag:$0x2] =	stream.indirect_vreg.gather [hbm4b:s3+s2], $0x80, v3, vm0, $0xb8;
	[tilespmem:$0x1E400] =	vst v63  }
0xd3: {  	s24 =	simm.s32 $0x18C00  }
0xd4: {  	[tilespmem:s24], [sflag:$0x2] =	stream.indirect_vreg.gather [hbm4b:s4+s2], $0x80, v3, vm0, $0xb8;
	[tilespmem:$0x1E400] =	vst v63  }
0xd5: {  	v3 =	vld [tilespmem:$0xC8];
	_ =	sdelay $0x4  }
0xd6: {  	v13 =	vshll.u32 v3, $0x2  }
0xd7: {  	v3 =	vand.u32 $0x7, v3;
	v4 =	vand.u32 $0xFFFFFFE0, v13  }
0xd8: {  	v3 =	vor.u32 v3, v4  }
0xd9: {  	v4 =	vperm.xlane v3, v0;
	_ =	sdelay $0x1  }
0xda: {  	v4 =	vadd.s32 v1, v4;
	_ =	sdelay $0x1  }
0xdb: {  	v3 =	vperm.xlane v3, v2;
	_ =	sdelay $0x1  }
0xdc: {  	s25 =	simm.s32 $0x19400;
	v3 =	vadd.s32 v1, v3  }
0xdd: {  	[tilespmem:s25], [sflag:$0x2] =	stream.indirect_vreg.gather [hbm4b:s3+s2], $0x80, v4, vm0, $0xb8;
	[tilespmem:$0x1E400] =	vst v63  }
0xde: {  	s26 =	simm.s32 $0x19C00  }
0xdf: {  	[tilespmem:s26], [sflag:$0x2] =	stream.indirect_vreg.gather [hbm4b:s4+s2], $0x80, v4, vm0, $0xb8;
	[tilespmem:$0x1E400] =	vst v63  }
0xe0: {  	s28 =	simm.s32 $0x1A400  }
0xe1: {  	[tilespmem:s28], [sflag:$0x2] =	stream.indirect_vreg.gather [hbm4b:s3+s2], $0x80, v3, vm0, $0xb8;
	[tilespmem:$0x1E400] =	vst v63  }
0xe2: {  	s29 =	simm.s32 $0x1AC00  }
0xe3: {  	[tilespmem:s29], [sflag:$0x2] =	stream.indirect_vreg.gather [hbm4b:s4+s2], $0x80, v3, vm0, $0xb8;
	[tilespmem:$0x1E400] =	vst v63  }
0xe4: {  	v3 =	vld [tilespmem:$0xD8];
	_ =	sdelay $0x4  }
0xe5: {  	v14 =	vshll.u32 v3, $0x2  }
0xe6: {  	v3 =	vand.u32 $0x7, v3;
	v4 =	vand.u32 $0xFFFFFFE0, v14  }
0xe7: {  	v3 =	vor.u32 v3, v4  }
0xe8: {  	v4 =	vperm.xlane v3, v0;
	_ =	sdelay $0x1  }
0xe9: {  	v4 =	vadd.s32 v1, v4;
	_ =	sdelay $0x1  }
0xea: {  	v3 =	vperm.xlane v3, v2;
	_ =	sdelay $0x1  }
0xeb: {  	s30 =	simm.s32 $0x1B400;
	v3 =	vadd.s32 v1, v3  }
0xec: {  	[tilespmem:s30], [sflag:$0x2] =	stream.indirect_vreg.gather [hbm4b:s3+s2], $0x80, v4, vm0, $0xb8;
	[tilespmem:$0x1E400] =	vst v63  }
0xed: {  	s0 =	simm.s32 $0x1BC00  }
0xee: {  	[tilespmem:s0], [sflag:$0x2] =	stream.indirect_vreg.gather [hbm4b:s4+s2], $0x80, v4, vm0, $0xb8;
	[tilespmem:$0x1E400] =	vst v63  }
0xef: {  	s1 =	simm.s32 $0x1C400  }
0xf0: {  	[tilespmem:s1], [sflag:$0x2] =	stream.indirect_vreg.gather [hbm4b:s3+s2], $0x80, v3, vm0, $0xb8;
	[tilespmem:$0x1E400] =	vst v63  }
0xf1: {  	s12 =	simm.s32 $0x1CC00  }
0xf2: {  	[tilespmem:s12], [sflag:$0x2] =	stream.indirect_vreg.gather [hbm4b:s4+s2], $0x80, v3, vm0, $0xb8;
	[tilespmem:$0x1E400] =	vst v63  }
0xf3: {  	v3 =	vld.msk [tilespmem:$0xE8], $0xff;
	_ =	sdelay $0x4  }
0xf4: {  	v15 =	vshll.u32 v3, $0x2  }
0xf5: {  	v3 =	vand.u32 $0x7, v3;
	v4 =	vand.u32 $0xFFFFFFE0, v15  }
0xf6: {  	v3 =	vor.u32 v3, v4  }
0xf7: {  	v3 =	vperm.xlane v3, v0;
	_ =	sdelay $0x1  }
0xf8: {  	v3 =	vadd.s32 v1, v3;
	_ =	sdelay $0x3  }
0xf9: {  	s14 =	simm.s32 $0x1D400  }
0xfa: {  	[tilespmem:s14], [sflag:$0x2] =	stream.indirect_vreg.gather [hbm4b:s3+s2], $0x80, v3, vm0, $0xb8;
	[tilespmem:$0x1E400] =	vst v63  }
0xfb: {  	s15 =	simm.s32 $0x1DC00  }
0xfc: {  	[tilespmem:s15], [sflag:$0x2] =	stream.indirect_vreg.gather [hbm4b:s4+s2], $0x80, v3, vm0, $0xb8;
	[tilespmem:$0x1E400] =	vst v63  }
0xfd: {  	_ =	swait.ge [sflag:s18], $0xF000  }
0xfe: {  	[sflag:s18] =	ssyncset.done $0x0  }
0xff: {  	s17 =	simm.s32 $0x400;
	s16 =	rddreg [dreg:$0x3];
	[sflag:s18] =	ssyncadd.s32 $0xFFFF1000  }
0x100: {  	[hbm4b:s16+s2] =	stream.linear.scatter [tilespmem:s17], [sflag:$0x3], $0xF000, $0x38;
	[tilespmem:$0x1E400] =	vst v63  }
0x101: {  	_ =	swait.ge [sflag:s6], $0xF000  }
0x102: {  	[sflag:s6] =	ssyncset.done $0x0  }
0x103: {  	[sflag:s6] =	ssyncadd.s32 $0xFFFF1000  }
0x104: {  	v3 =	vld [tilespmem:$0xF0];
	_ =	sdelay $0x4  }
0x105: {  	v16 =	vshll.u32 v3, $0x2  }
0x106: {  	v3 =	vand.u32 $0x7, v3;
	v4 =	vand.u32 $0xFFFFFFE0, v16  }
0x107: {  	v3 =	vor.u32 v3, v4  }
0x108: {  	v4 =	vperm.xlane v3, v0;
	_ =	sdelay $0x1  }
0x109: {  	v4 =	vadd.s32 v1, v4;
	_ =	sdelay $0x1  }
0x10a: {  	v3 =	vperm.xlane v3, v2;
	_ =	sdelay $0x1  }
0x10b: {  	v3 =	vadd.s32 v1, v3  }
0x10c: {  	[tilespmem:s17], [sflag:$0x1] =	stream.indirect_vreg.gather [hbm4b:s3+s2], $0x80, v4, vm0, $0xb8;
	[tilespmem:$0x1E400] =	vst v63  }
0x10d: {  	s12 =	simm.s32 $0xC00  }
0x10e: {  	[tilespmem:s12], [sflag:$0x1] =	stream.indirect_vreg.gather [hbm4b:s4+s2], $0x80, v4, vm0, $0xb8;
	[tilespmem:$0x1E400] =	vst v63  }
0x10f: {  	s14 =	simm.s32 $0x1400  }
0x110: {  	[tilespmem:s14], [sflag:$0x1] =	stream.indirect_vreg.gather [hbm4b:s3+s2], $0x80, v3, vm0, $0xb8;
	[tilespmem:$0x1E400] =	vst v63  }
0x111: {  	s7 =	simm.s32 $0x1C00  }
0x112: {  	[tilespmem:s7], [sflag:$0x1] =	stream.indirect_vreg.gather [hbm4b:s4+s2], $0x80, v3, vm0, $0xb8;
	[tilespmem:$0x1E400] =	vst v63  }
0x113: {  	v3 =	vld [tilespmem:$0x100];
	_ =	sdelay $0x4  }
0x114: {  	v17 =	vshll.u32 v3, $0x2  }
0x115: {  	v3 =	vand.u32 $0x7, v3;
	v4 =	vand.u32 $0xFFFFFFE0, v17  }
0x116: {  	v3 =	vor.u32 v3, v4  }
0x117: {  	v4 =	vperm.xlane v3, v0;
	_ =	sdelay $0x1  }
0x118: {  	v4 =	vadd.s32 v1, v4;
	_ =	sdelay $0x1  }
0x119: {  	v3 =	vperm.xlane v3, v2;
	_ =	sdelay $0x1  }
0x11a: {  	s15 =	simm.s32 $0x2400;
	v3 =	vadd.s32 v1, v3  }
0x11b: {  	[tilespmem:s15], [sflag:$0x1] =	stream.indirect_vreg.gather [hbm4b:s3+s2], $0x80, v4, vm0, $0xb8;
	[tilespmem:$0x1E400] =	vst v63  }
0x11c: {  	s16 =	simm.s32 $0x2C00  }
0x11d: {  	[tilespmem:s16], [sflag:$0x1] =	stream.indirect_vreg.gather [hbm4b:s4+s2], $0x80, v4, vm0, $0xb8;
	[tilespmem:$0x1E400] =	vst v63  }
0x11e: {  	s17 =	simm.s32 $0x3400  }
0x11f: {  	[tilespmem:s17], [sflag:$0x1] =	stream.indirect_vreg.gather [hbm4b:s3+s2], $0x80, v3, vm0, $0xb8;
	[tilespmem:$0x1E400] =	vst v63  }
0x120: {  	s8 =	simm.s32 $0x3C00  }
0x121: {  	[tilespmem:s8], [sflag:$0x1] =	stream.indirect_vreg.gather [hbm4b:s4+s2], $0x80, v3, vm0, $0xb8;
	[tilespmem:$0x1E400] =	vst v63  }
0x122: {  	v3 =	vld [tilespmem:$0x110];
	_ =	sdelay $0x4  }
0x123: {  	v18 =	vshll.u32 v3, $0x2  }
0x124: {  	v3 =	vand.u32 $0x7, v3;
	v4 =	vand.u32 $0xFFFFFFE0, v18  }
0x125: {  	v3 =	vor.u32 v3, v4  }
0x126: {  	v4 =	vperm.xlane v3, v0;
	_ =	sdelay $0x1  }
0x127: {  	v4 =	vadd.s32 v1, v4;
	_ =	sdelay $0x1  }
0x128: {  	v3 =	vperm.xlane v3, v2;
	_ =	sdelay $0x1  }
0x129: {  	s21 =	simm.s32 $0x4400;
	v3 =	vadd.s32 v1, v3  }
0x12a: {  	[tilespmem:s21], [sflag:$0x1] =	stream.indirect_vreg.gather [hbm4b:s3+s2], $0x80, v4, vm0, $0xb8;
	[tilespmem:$0x1E400] =	vst v63  }
0x12b: {  	s22 =	simm.s32 $0x4C00  }
0x12c: {  	[tilespmem:s22], [sflag:$0x1] =	stream.indirect_vreg.gather [hbm4b:s4+s2], $0x80, v4, vm0, $0xb8;
	[tilespmem:$0x1E400] =	vst v63  }
0x12d: {  	s23 =	simm.s32 $0x5400  }
0x12e: {  	[tilespmem:s23], [sflag:$0x1] =	stream.indirect_vreg.gather [hbm4b:s3+s2], $0x80, v3, vm0, $0xb8;
	[tilespmem:$0x1E400] =	vst v63  }
0x12f: {  	s9 =	simm.s32 $0x5C00  }
0x130: {  	[tilespmem:s9], [sflag:$0x1] =	stream.indirect_vreg.gather [hbm4b:s4+s2], $0x80, v3, vm0, $0xb8;
	[tilespmem:$0x1E400] =	vst v63  }
0x131: {  	v3 =	vld [tilespmem:$0x120];
	_ =	sdelay $0x4  }
0x132: {  	v19 =	vshll.u32 v3, $0x2  }
0x133: {  	v3 =	vand.u32 $0x7, v3;
	v4 =	vand.u32 $0xFFFFFFE0, v19  }
0x134: {  	v3 =	vor.u32 v3, v4  }
0x135: {  	v4 =	vperm.xlane v3, v0;
	_ =	sdelay $0x1  }
0x136: {  	v4 =	vadd.s32 v1, v4;
	_ =	sdelay $0x1  }
0x137: {  	v3 =	vperm.xlane v3, v2;
	_ =	sdelay $0x1  }
0x138: {  	s24 =	simm.s32 $0x6400;
	v3 =	vadd.s32 v1, v3  }
0x139: {  	[tilespmem:s24], [sflag:$0x1] =	stream.indirect_vreg.gather [hbm4b:s3+s2], $0x80, v4, vm0, $0xb8;
	[tilespmem:$0x1E400] =	vst v63  }
0x13a: {  	s25 =	simm.s32 $0x6C00  }
0x13b: {  	[tilespmem:s25], [sflag:$0x1] =	stream.indirect_vreg.gather [hbm4b:s4+s2], $0x80, v4, vm0, $0xb8;
	[tilespmem:$0x1E400] =	vst v63  }
0x13c: {  	s26 =	simm.s32 $0x7400  }
0x13d: {  	[tilespmem:s26], [sflag:$0x1] =	stream.indirect_vreg.gather [hbm4b:s3+s2], $0x80, v3, vm0, $0xb8;
	[tilespmem:$0x1E400] =	vst v63  }
0x13e: {  	s10 =	simm.s32 $0x7C00  }
0x13f: {  	[tilespmem:s10], [sflag:$0x1] =	stream.indirect_vreg.gather [hbm4b:s4+s2], $0x80, v3, vm0, $0xb8;
	[tilespmem:$0x1E400] =	vst v63  }
0x140: {  	v3 =	vld [tilespmem:$0x130];
	_ =	sdelay $0x4  }
0x141: {  	v20 =	vshll.u32 v3, $0x2  }
0x142: {  	v3 =	vand.u32 $0x7, v3;
	v4 =	vand.u32 $0xFFFFFFE0, v20  }
0x143: {  	v3 =	vor.u32 v3, v4  }
0x144: {  	v4 =	vperm.xlane v3, v0;
	_ =	sdelay $0x1  }
0x145: {  	v4 =	vadd.s32 v1, v4;
	_ =	sdelay $0x1  }
0x146: {  	v3 =	vperm.xlane v3, v2;
	_ =	sdelay $0x1  }
0x147: {  	s28 =	simm.s32 $0x8400;
	v3 =	vadd.s32 v1, v3  }
0x148: {  	[tilespmem:s28], [sflag:$0x1] =	stream.indirect_vreg.gather [hbm4b:s3+s2], $0x80, v4, vm0, $0xb8;
	[tilespmem:$0x1E400] =	vst v63  }
0x149: {  	s29 =	simm.s32 $0x8C00  }
0x14a: {  	[tilespmem:s29], [sflag:$0x1] =	stream.indirect_vreg.gather [hbm4b:s4+s2], $0x80, v4, vm0, $0xb8;
	[tilespmem:$0x1E400] =	vst v63  }
0x14b: {  	s30 =	simm.s32 $0x9400  }
0x14c: {  	[tilespmem:s30], [sflag:$0x1] =	stream.indirect_vreg.gather [hbm4b:s3+s2], $0x80, v3, vm0, $0xb8;
	[tilespmem:$0x1E400] =	vst v63  }
0x14d: {  	s11 =	simm.s32 $0x9C00  }
0x14e: {  	[tilespmem:s11], [sflag:$0x1] =	stream.indirect_vreg.gather [hbm4b:s4+s2], $0x80, v3, vm0, $0xb8;
	[tilespmem:$0x1E400] =	vst v63  }
0x14f: {  	v3 =	vld [tilespmem:$0x140];
	_ =	sdelay $0x4  }
0x150: {  	v21 =	vshll.u32 v3, $0x2  }
0x151: {  	v3 =	vand.u32 $0x7, v3;
	v4 =	vand.u32 $0xFFFFFFE0, v21  }
0x152: {  	v3 =	vor.u32 v3, v4  }
0x153: {  	v4 =	vperm.xlane v3, v0;
	_ =	sdelay $0x1  }
0x154: {  	v4 =	vadd.s32 v1, v4;
	_ =	sdelay $0x1  }
0x155: {  	v3 =	vperm.xlane v3, v2;
	_ =	sdelay $0x1  }
0x156: {  	s7 =	simm.s32 $0xA400;
	v3 =	vadd.s32 v1, v3  }
0x157: {  	[tilespmem:s7], [sflag:$0x1] =	stream.indirect_vreg.gather [hbm4b:s3+s2], $0x80, v4, vm0, $0xb8;
	[tilespmem:$0x1E400] =	vst v63  }
0x158: {  	s8 =	simm.s32 $0xAC00  }
0x159: {  	[tilespmem:s8], [sflag:$0x1] =	stream.indirect_vreg.gather [hbm4b:s4+s2], $0x80, v4, vm0, $0xb8;
	[tilespmem:$0x1E400] =	vst v63  }
0x15a: {  	s9 =	simm.s32 $0xB400  }
0x15b: {  	[tilespmem:s9], [sflag:$0x1] =	stream.indirect_vreg.gather [hbm4b:s3+s2], $0x80, v3, vm0, $0xb8;
	[tilespmem:$0x1E400] =	vst v63  }
0x15c: {  	s13 =	simm.s32 $0xBC00  }
0x15d: {  	[tilespmem:s13], [sflag:$0x1] =	stream.indirect_vreg.gather [hbm4b:s4+s2], $0x80, v3, vm0, $0xb8;
	[tilespmem:$0x1E400] =	vst v63  }
0x15e: {  	v3 =	vld [tilespmem:$0x150];
	_ =	sdelay $0x4  }
0x15f: {  	v22 =	vshll.u32 v3, $0x2  }
0x160: {  	v3 =	vand.u32 $0x7, v3;
	v4 =	vand.u32 $0xFFFFFFE0, v22  }
0x161: {  	v3 =	vor.u32 v3, v4  }
0x162: {  	v4 =	vperm.xlane v3, v0;
	_ =	sdelay $0x1  }
0x163: {  	v4 =	vadd.s32 v1, v4;
	_ =	sdelay $0x1  }
0x164: {  	v3 =	vperm.xlane v3, v2;
	_ =	sdelay $0x1  }
0x165: {  	s10 =	simm.s32 $0xC400;
	v3 =	vadd.s32 v1, v3  }
0x166: {  	[tilespmem:s10], [sflag:$0x1] =	stream.indirect_vreg.gather [hbm4b:s3+s2], $0x80, v4, vm0, $0xb8;
	[tilespmem:$0x1E400] =	vst v63  }
0x167: {  	s11 =	simm.s32 $0xCC00  }
0x168: {  	[tilespmem:s11], [sflag:$0x1] =	stream.indirect_vreg.gather [hbm4b:s4+s2], $0x80, v4, vm0, $0xb8;
	[tilespmem:$0x1E400] =	vst v63  }
0x169: {  	s13 =	simm.s32 $0xD400  }
0x16a: {  	[tilespmem:s13], [sflag:$0x1] =	stream.indirect_vreg.gather [hbm4b:s3+s2], $0x80, v3, vm0, $0xb8;
	[tilespmem:$0x1E400] =	vst v63  }
0x16b: {  	s31 =	simm.s32 $0xDC00  }
0x16c: {  	[tilespmem:s31], [sflag:$0x1] =	stream.indirect_vreg.gather [hbm4b:s4+s2], $0x80, v3, vm0, $0xb8;
	[tilespmem:$0x1E400] =	vst v63  }
0x16d: {  	v3 =	vld.msk [tilespmem:$0x160], $0xff;
	_ =	sdelay $0x4  }
0x16e: {  	v23 =	vshll.u32 v3, $0x2  }
0x16f: {  	v3 =	vand.u32 $0x7, v3;
	v4 =	vand.u32 $0xFFFFFFE0, v23  }
0x170: {  	v3 =	vor.u32 v3, v4  }
0x171: {  	v3 =	vperm.xlane v3, v0;
	_ =	sdelay $0x1  }
0x172: {  	v3 =	vadd.s32 v1, v3;
	_ =	sdelay $0x3  }
0x173: {  	s31 =	simm.s32 $0xE400  }
0x174: {  	[tilespmem:s31], [sflag:$0x1] =	stream.indirect_vreg.gather [hbm4b:s3+s2], $0x80, v3, vm0, $0xb8;
	[tilespmem:$0x1E400] =	vst v63  }
0x175: {  	s20 =	simm.s32 $0xEC00  }
0x176: {  	[tilespmem:s20], [sflag:$0x1] =	stream.indirect_vreg.gather [hbm4b:s4+s2], $0x80, v3, vm0, $0xb8;
	[tilespmem:$0x1E400] =	vst v63  }
0x177: {  	_ =	swait.ge [sflag:s19], $0xF000  }
0x178: {  	[sflag:s19] =	ssyncset.done $0x0  }
0x179: {  	s0 =	simm.s32 $0xF400;
	s1 =	rddreg [dreg:$0x4];
	[sflag:s19] =	ssyncadd.s32 $0xFFFF1000  }
0x17a: {  	[hbm4b:s1+s2] =	stream.linear.scatter [tilespmem:s0], [sflag:$0x3], $0xF000, $0x38;
	[tilespmem:$0x1E400] =	vst v63  }
0x17b: {  	_ =	swait.ge [sflag:s6], $0xF000  }
0x17c: {  	[sflag:s6] =	ssyncset.done $0x0  }
0x17d: {  	[sflag:s6] =	ssyncadd.s32 $0xFFFF1000  }
0x17e: {  	v3 =	vld [tilespmem:$0x168];
	_ =	sdelay $0x4  }
0x17f: {  	v24 =	vshll.u32 v3, $0x2  }
0x180: {  	v3 =	vand.u32 $0x7, v3;
	v4 =	vand.u32 $0xFFFFFFE0, v24  }
0x181: {  	v3 =	vor.u32 v3, v4  }
0x182: {  	v4 =	vperm.xlane v3, v0;
	_ =	sdelay $0x1  }
0x183: {  	v4 =	vadd.s32 v1, v4;
	_ =	sdelay $0x1  }
0x184: {  	v3 =	vperm.xlane v3, v2;
	_ =	sdelay $0x1  }
0x185: {  	v3 =	vadd.s32 v1, v3  }
0x186: {  	[tilespmem:s0], [sflag:$0x2] =	stream.indirect_vreg.gather [hbm4b:s3+s2], $0x80, v4, vm0, $0xb8;
	[tilespmem:$0x1E400] =	vst v63  }
0x187: {  	s20 =	simm.s32 $0xFC00  }
0x188: {  	[tilespmem:s20], [sflag:$0x2] =	stream.indirect_vreg.gather [hbm4b:s4+s2], $0x80, v4, vm0, $0xb8;
	[tilespmem:$0x1E400] =	vst v63  }
0x189: {  	s1 =	simm.s32 $0x10400  }
0x18a: {  	[tilespmem:s1], [sflag:$0x2] =	stream.indirect_vreg.gather [hbm4b:s3+s2], $0x80, v3, vm0, $0xb8;
	[tilespmem:$0x1E400] =	vst v63  }
0x18b: {  	s20 =	simm.s32 $0x10C00  }
0x18c: {  	[tilespmem:s20], [sflag:$0x2] =	stream.indirect_vreg.gather [hbm4b:s4+s2], $0x80, v3, vm0, $0xb8;
	[tilespmem:$0x1E400] =	vst v63  }
0x18d: {  	v3 =	vld [tilespmem:$0x178];
	_ =	sdelay $0x4  }
0x18e: {  	v25 =	vshll.u32 v3, $0x2  }
0x18f: {  	v3 =	vand.u32 $0x7, v3;
	v4 =	vand.u32 $0xFFFFFFE0, v25  }
0x190: {  	v3 =	vor.u32 v3, v4  }
0x191: {  	v4 =	vperm.xlane v3, v0;
	_ =	sdelay $0x1  }
0x192: {  	v4 =	vadd.s32 v1, v4;
	_ =	sdelay $0x1  }
0x193: {  	v3 =	vperm.xlane v3, v2;
	_ =	sdelay $0x1  }
0x194: {  	s1 =	simm.s32 $0x11400;
	v3 =	vadd.s32 v1, v3  }
0x195: {  	[tilespmem:s1], [sflag:$0x2] =	stream.indirect_vreg.gather [hbm4b:s3+s2], $0x80, v4, vm0, $0xb8;
	[tilespmem:$0x1E400] =	vst v63  }
0x196: {  	s20 =	simm.s32 $0x11C00  }
0x197: {  	[tilespmem:s20], [sflag:$0x2] =	stream.indirect_vreg.gather [hbm4b:s4+s2], $0x80, v4, vm0, $0xb8;
	[tilespmem:$0x1E400] =	vst v63  }
0x198: {  	s1 =	simm.s32 $0x12400  }
0x199: {  	[tilespmem:s1], [sflag:$0x2] =	stream.indirect_vreg.gather [hbm4b:s3+s2], $0x80, v3, vm0, $0xb8;
	[tilespmem:$0x1E400] =	vst v63  }
0x19a: {  	s20 =	simm.s32 $0x12C00  }
0x19b: {  	[tilespmem:s20], [sflag:$0x2] =	stream.indirect_vreg.gather [hbm4b:s4+s2], $0x80, v3, vm0, $0xb8;
	[tilespmem:$0x1E400] =	vst v63  }
0x19c: {  	v3 =	vld [tilespmem:$0x188];
	_ =	sdelay $0x4  }
0x19d: {  	v26 =	vshll.u32 v3, $0x2  }
0x19e: {  	v3 =	vand.u32 $0x7, v3;
	v4 =	vand.u32 $0xFFFFFFE0, v26  }
0x19f: {  	v3 =	vor.u32 v3, v4  }
0x1a0: {  	v4 =	vperm.xlane v3, v0;
	_ =	sdelay $0x1  }
0x1a1: {  	v4 =	vadd.s32 v1, v4;
	_ =	sdelay $0x1  }
0x1a2: {  	v3 =	vperm.xlane v3, v2;
	_ =	sdelay $0x1  }
0x1a3: {  	s1 =	simm.s32 $0x13400;
	v3 =	vadd.s32 v1, v3  }
0x1a4: {  	[tilespmem:s1], [sflag:$0x2] =	stream.indirect_vreg.gather [hbm4b:s3+s2], $0x80, v4, vm0, $0xb8;
	[tilespmem:$0x1E400] =	vst v63  }
0x1a5: {  	s20 =	simm.s32 $0x13C00  }
0x1a6: {  	[tilespmem:s20], [sflag:$0x2] =	stream.indirect_vreg.gather [hbm4b:s4+s2], $0x80, v4, vm0, $0xb8;
	[tilespmem:$0x1E400] =	vst v63  }
0x1a7: {  	s1 =	simm.s32 $0x14400  }
0x1a8: {  	[tilespmem:s1], [sflag:$0x2] =	stream.indirect_vreg.gather [hbm4b:s3+s2], $0x80, v3, vm0, $0xb8;
	[tilespmem:$0x1E400] =	vst v63  }
0x1a9: {  	s20 =	simm.s32 $0x14C00  }
0x1aa: {  	[tilespmem:s20], [sflag:$0x2] =	stream.indirect_vreg.gather [hbm4b:s4+s2], $0x80, v3, vm0, $0xb8;
	[tilespmem:$0x1E400] =	vst v63  }
0x1ab: {  	v3 =	vld [tilespmem:$0x198];
	_ =	sdelay $0x4  }
0x1ac: {  	v27 =	vshll.u32 v3, $0x2  }
0x1ad: {  	v3 =	vand.u32 $0x7, v3;
	v4 =	vand.u32 $0xFFFFFFE0, v27  }
0x1ae: {  	v3 =	vor.u32 v3, v4  }
0x1af: {  	v4 =	vperm.xlane v3, v0;
	_ =	sdelay $0x1  }
0x1b0: {  	v4 =	vadd.s32 v1, v4;
	_ =	sdelay $0x1  }
0x1b1: {  	v3 =	vperm.xlane v3, v2;
	_ =	sdelay $0x1  }
0x1b2: {  	s1 =	simm.s32 $0x15400;
	v3 =	vadd.s32 v1, v3  }
0x1b3: {  	[tilespmem:s1], [sflag:$0x2] =	stream.indirect_vreg.gather [hbm4b:s3+s2], $0x80, v4, vm0, $0xb8;
	[tilespmem:$0x1E400] =	vst v63  }
0x1b4: {  	s20 =	simm.s32 $0x15C00  }
0x1b5: {  	[tilespmem:s20], [sflag:$0x2] =	stream.indirect_vreg.gather [hbm4b:s4+s2], $0x80, v4, vm0, $0xb8;
	[tilespmem:$0x1E400] =	vst v63  }
0x1b6: {  	s1 =	simm.s32 $0x16400  }
0x1b7: {  	[tilespmem:s1], [sflag:$0x2] =	stream.indirect_vreg.gather [hbm4b:s3+s2], $0x80, v3, vm0, $0xb8;
	[tilespmem:$0x1E400] =	vst v63  }
0x1b8: {  	s20 =	simm.s32 $0x16C00  }
0x1b9: {  	[tilespmem:s20], [sflag:$0x2] =	stream.indirect_vreg.gather [hbm4b:s4+s2], $0x80, v3, vm0, $0xb8;
	[tilespmem:$0x1E400] =	vst v63  }
0x1ba: {  	v3 =	vld [tilespmem:$0x1A8];
	_ =	sdelay $0x4  }
0x1bb: {  	v28 =	vshll.u32 v3, $0x2  }
0x1bc: {  	v3 =	vand.u32 $0x7, v3;
	v4 =	vand.u32 $0xFFFFFFE0, v28  }
0x1bd: {  	v3 =	vor.u32 v3, v4  }
0x1be: {  	v4 =	vperm.xlane v3, v0;
	_ =	sdelay $0x1  }
0x1bf: {  	v4 =	vadd.s32 v1, v4;
	_ =	sdelay $0x1  }
0x1c0: {  	v3 =	vperm.xlane v3, v2;
	_ =	sdelay $0x1  }
0x1c1: {  	s1 =	simm.s32 $0x17400;
	v3 =	vadd.s32 v1, v3  }
0x1c2: {  	[tilespmem:s1], [sflag:$0x2] =	stream.indirect_vreg.gather [hbm4b:s3+s2], $0x80, v4, vm0, $0xb8;
	[tilespmem:$0x1E400] =	vst v63  }
0x1c3: {  	s20 =	simm.s32 $0x17C00  }
0x1c4: {  	[tilespmem:s20], [sflag:$0x2] =	stream.indirect_vreg.gather [hbm4b:s4+s2], $0x80, v4, vm0, $0xb8;
	[tilespmem:$0x1E400] =	vst v63  }
0x1c5: {  	s1 =	simm.s32 $0x18400  }
0x1c6: {  	[tilespmem:s1], [sflag:$0x2] =	stream.indirect_vreg.gather [hbm4b:s3+s2], $0x80, v3, vm0, $0xb8;
	[tilespmem:$0x1E400] =	vst v63  }
0x1c7: {  	s20 =	simm.s32 $0x18C00  }
0x1c8: {  	[tilespmem:s20], [sflag:$0x2] =	stream.indirect_vreg.gather [hbm4b:s4+s2], $0x80, v3, vm0, $0xb8;
	[tilespmem:$0x1E400] =	vst v63  }
0x1c9: {  	v3 =	vld [tilespmem:$0x1B8];
	_ =	sdelay $0x4  }
0x1ca: {  	v29 =	vshll.u32 v3, $0x2  }
0x1cb: {  	v3 =	vand.u32 $0x7, v3;
	v4 =	vand.u32 $0xFFFFFFE0, v29  }
0x1cc: {  	v3 =	vor.u32 v3, v4  }
0x1cd: {  	v4 =	vperm.xlane v3, v0;
	_ =	sdelay $0x1  }
0x1ce: {  	v4 =	vadd.s32 v1, v4;
	_ =	sdelay $0x1  }
0x1cf: {  	v3 =	vperm.xlane v3, v2;
	_ =	sdelay $0x1  }
0x1d0: {  	s1 =	simm.s32 $0x19400;
	v3 =	vadd.s32 v1, v3  }
0x1d1: {  	[tilespmem:s1], [sflag:$0x2] =	stream.indirect_vreg.gather [hbm4b:s3+s2], $0x80, v4, vm0, $0xb8;
	[tilespmem:$0x1E400] =	vst v63  }
0x1d2: {  	s20 =	simm.s32 $0x19C00  }
0x1d3: {  	[tilespmem:s20], [sflag:$0x2] =	stream.indirect_vreg.gather [hbm4b:s4+s2], $0x80, v4, vm0, $0xb8;
	[tilespmem:$0x1E400] =	vst v63  }
0x1d4: {  	s1 =	simm.s32 $0x1A400  }
0x1d5: {  	[tilespmem:s1], [sflag:$0x2] =	stream.indirect_vreg.gather [hbm4b:s3+s2], $0x80, v3, vm0, $0xb8;
	[tilespmem:$0x1E400] =	vst v63  }
0x1d6: {  	s20 =	simm.s32 $0x1AC00  }
0x1d7: {  	[tilespmem:s20], [sflag:$0x2] =	stream.indirect_vreg.gather [hbm4b:s4+s2], $0x80, v3, vm0, $0xb8;
	[tilespmem:$0x1E400] =	vst v63  }
0x1d8: {  	v3 =	vld [tilespmem:$0x1C8];
	_ =	sdelay $0x4  }
0x1d9: {  	v30 =	vshll.u32 v3, $0x2  }
0x1da: {  	v3 =	vand.u32 $0x7, v3;
	v4 =	vand.u32 $0xFFFFFFE0, v30  }
0x1db: {  	v3 =	vor.u32 v3, v4  }
0x1dc: {  	v4 =	vperm.xlane v3, v0;
	_ =	sdelay $0x1  }
0x1dd: {  	v4 =	vadd.s32 v1, v4;
	_ =	sdelay $0x1  }
0x1de: {  	v3 =	vperm.xlane v3, v2;
	_ =	sdelay $0x1  }
0x1df: {  	s1 =	simm.s32 $0x1B400;
	v3 =	vadd.s32 v1, v3  }
0x1e0: {  	[tilespmem:s1], [sflag:$0x2] =	stream.indirect_vreg.gather [hbm4b:s3+s2], $0x80, v4, vm0, $0xb8;
	[tilespmem:$0x1E400] =	vst v63  }
0x1e1: {  	s20 =	simm.s32 $0x1BC00  }
0x1e2: {  	[tilespmem:s20], [sflag:$0x2] =	stream.indirect_vreg.gather [hbm4b:s4+s2], $0x80, v4, vm0, $0xb8;
	[tilespmem:$0x1E400] =	vst v63  }
0x1e3: {  	s1 =	simm.s32 $0x1C400  }
0x1e4: {  	[tilespmem:s1], [sflag:$0x2] =	stream.indirect_vreg.gather [hbm4b:s3+s2], $0x80, v3, vm0, $0xb8;
	[tilespmem:$0x1E400] =	vst v63  }
0x1e5: {  	s20 =	simm.s32 $0x1CC00  }
0x1e6: {  	[tilespmem:s20], [sflag:$0x2] =	stream.indirect_vreg.gather [hbm4b:s4+s2], $0x80, v3, vm0, $0xb8;
	[tilespmem:$0x1E400] =	vst v63  }
0x1e7: {  	v3 =	vld.msk [tilespmem:$0x1D8], $0xff;
	_ =	sdelay $0x4  }
0x1e8: {  	v31 =	vshll.u32 v3, $0x2  }
0x1e9: {  	v3 =	vand.u32 $0x7, v3;
	v4 =	vand.u32 $0xFFFFFFE0, v31  }
0x1ea: {  	v3 =	vor.u32 v3, v4  }
0x1eb: {  	v3 =	vperm.xlane v3, v0;
	_ =	sdelay $0x1  }
0x1ec: {  	v3 =	vadd.s32 v1, v3;
	_ =	sdelay $0x3  }
0x1ed: {  	s1 =	simm.s32 $0x1D400  }
0x1ee: {  	[tilespmem:s1], [sflag:$0x2] =	stream.indirect_vreg.gather [hbm4b:s3+s2], $0x80, v3, vm0, $0xb8;
	[tilespmem:$0x1E400] =	vst v63  }
0x1ef: {  	s20 =	simm.s32 $0x1DC00  }
0x1f0: {  	[tilespmem:s20], [sflag:$0x2] =	stream.indirect_vreg.gather [hbm4b:s4+s2], $0x80, v3, vm0, $0xb8;
	[tilespmem:$0x1E400] =	vst v63  }
0x1f1: {  	_ =	swait.ge [sflag:s18], $0xF000  }
0x1f2: {  	[sflag:s18] =	ssyncset.done $0x0  }
0x1f3: {  	s1 =	simm.s32 $0x400;
	s0 =	rddreg [dreg:$0x5];
	[sflag:s18] =	ssyncadd.s32 $0xFFFF1000  }
0x1f4: {  	[hbm4b:s0+s2] =	stream.linear.scatter [tilespmem:s1], [sflag:$0x3], $0xF000, $0x38;
	[tilespmem:$0x1E400] =	vst v63  }
0x1f5: {  	_ =	swait.ge [sflag:s6], $0xF000  }
0x1f6: {  	[sflag:s6] =	ssyncset.done $0x0  }
0x1f7: {  	[sflag:s6] =	ssyncadd.s32 $0xFFFF1000  }
0x1f8: {  	v3 =	vld [tilespmem:$0x1E0];
	_ =	sdelay $0x4  }
0x1f9: {  	v32 =	vshll.u32 v3, $0x2  }
0x1fa: {  	v3 =	vand.u32 $0x7, v3;
	v4 =	vand.u32 $0xFFFFFFE0, v32  }
0x1fb: {  	v3 =	vor.u32 v3, v4  }
0x1fc: {  	v4 =	vperm.xlane v3, v0;
	_ =	sdelay $0x1  }
0x1fd: {  	v4 =	vadd.s32 v1, v4;
	_ =	sdelay $0x1  }
0x1fe: {  	v3 =	vperm.xlane v3, v2;
	_ =	sdelay $0x1  }
0x1ff: {  	v3 =	vadd.s32 v1, v3  }
0x200: {  	[tilespmem:s1], [sflag:$0x1] =	stream.indirect_vreg.gather [hbm4b:s3+s2], $0x80, v4, vm0, $0xb8;
	[tilespmem:$0x1E400] =	vst v63  }
0x201: {  	_ = 	snop  }
0x202: {  	[tilespmem:s12], [sflag:$0x1] =	stream.indirect_vreg.gather [hbm4b:s4+s2], $0x80, v4, vm0, $0xb8;
	[tilespmem:$0x1E400] =	vst v63  }
0x203: {  	_ = 	snop  }
0x204: {  	[tilespmem:s14], [sflag:$0x1] =	stream.indirect_vreg.gather [hbm4b:s3+s2], $0x80, v3, vm0, $0xb8;
	[tilespmem:$0x1E400] =	vst v63  }
0x205: {  	s1 =	simm.s32 $0x1C00  }
0x206: {  	[tilespmem:s1], [sflag:$0x1] =	stream.indirect_vreg.gather [hbm4b:s4+s2], $0x80, v3, vm0, $0xb8;
	[tilespmem:$0x1E400] =	vst v63  }
0x207: {  	v3 =	vld [tilespmem:$0x1F0];
	_ =	sdelay $0x4  }
0x208: {  	v33 =	vshll.u32 v3, $0x2  }
0x209: {  	v3 =	vand.u32 $0x7, v3;
	v4 =	vand.u32 $0xFFFFFFE0, v33  }
0x20a: {  	v3 =	vor.u32 v3, v4  }
0x20b: {  	v4 =	vperm.xlane v3, v0;
	_ =	sdelay $0x1  }
0x20c: {  	v4 =	vadd.s32 v1, v4;
	_ =	sdelay $0x1  }
0x20d: {  	v3 =	vperm.xlane v3, v2;
	_ =	sdelay $0x1  }
0x20e: {  	v3 =	vadd.s32 v1, v3  }
0x20f: {  	[tilespmem:s15], [sflag:$0x1] =	stream.indirect_vreg.gather [hbm4b:s3+s2], $0x80, v4, vm0, $0xb8;
	[tilespmem:$0x1E400] =	vst v63  }
0x210: {  	_ = 	snop  }
0x211: {  	[tilespmem:s16], [sflag:$0x1] =	stream.indirect_vreg.gather [hbm4b:s4+s2], $0x80, v4, vm0, $0xb8;
	[tilespmem:$0x1E400] =	vst v63  }
0x212: {  	_ = 	snop  }
0x213: {  	[tilespmem:s17], [sflag:$0x1] =	stream.indirect_vreg.gather [hbm4b:s3+s2], $0x80, v3, vm0, $0xb8;
	[tilespmem:$0x1E400] =	vst v63  }
0x214: {  	s20 =	simm.s32 $0x3C00  }
0x215: {  	[tilespmem:s20], [sflag:$0x1] =	stream.indirect_vreg.gather [hbm4b:s4+s2], $0x80, v3, vm0, $0xb8;
	[tilespmem:$0x1E400] =	vst v63  }
0x216: {  	v3 =	vld [tilespmem:$0x200];
	_ =	sdelay $0x4  }
0x217: {  	v34 =	vshll.u32 v3, $0x2  }
0x218: {  	v3 =	vand.u32 $0x7, v3;
	v4 =	vand.u32 $0xFFFFFFE0, v34  }
0x219: {  	v3 =	vor.u32 v3, v4  }
0x21a: {  	v4 =	vperm.xlane v3, v0;
	_ =	sdelay $0x1  }
0x21b: {  	v4 =	vadd.s32 v1, v4;
	_ =	sdelay $0x1  }
0x21c: {  	v3 =	vperm.xlane v3, v2;
	_ =	sdelay $0x1  }
0x21d: {  	v3 =	vadd.s32 v1, v3  }
0x21e: {  	[tilespmem:s21], [sflag:$0x1] =	stream.indirect_vreg.gather [hbm4b:s3+s2], $0x80, v4, vm0, $0xb8;
	[tilespmem:$0x1E400] =	vst v63  }
0x21f: {  	_ = 	snop  }
0x220: {  	[tilespmem:s22], [sflag:$0x1] =	stream.indirect_vreg.gather [hbm4b:s4+s2], $0x80, v4, vm0, $0xb8;
	[tilespmem:$0x1E400] =	vst v63  }
0x221: {  	_ = 	snop  }
0x222: {  	[tilespmem:s23], [sflag:$0x1] =	stream.indirect_vreg.gather [hbm4b:s3+s2], $0x80, v3, vm0, $0xb8;
	[tilespmem:$0x1E400] =	vst v63  }
0x223: {  	s23 =	simm.s32 $0x5C00  }
0x224: {  	[tilespmem:s23], [sflag:$0x1] =	stream.indirect_vreg.gather [hbm4b:s4+s2], $0x80, v3, vm0, $0xb8;
	[tilespmem:$0x1E400] =	vst v63  }
0x225: {  	v3 =	vld [tilespmem:$0x210];
	_ =	sdelay $0x4  }
0x226: {  	v35 =	vshll.u32 v3, $0x2  }
0x227: {  	v3 =	vand.u32 $0x7, v3;
	v4 =	vand.u32 $0xFFFFFFE0, v35  }
0x228: {  	v3 =	vor.u32 v3, v4  }
0x229: {  	v4 =	vperm.xlane v3, v0;
	_ =	sdelay $0x1  }
0x22a: {  	v4 =	vadd.s32 v1, v4;
	_ =	sdelay $0x1  }
0x22b: {  	v3 =	vperm.xlane v3, v2;
	_ =	sdelay $0x1  }
0x22c: {  	v3 =	vadd.s32 v1, v3  }
0x22d: {  	[tilespmem:s24], [sflag:$0x1] =	stream.indirect_vreg.gather [hbm4b:s3+s2], $0x80, v4, vm0, $0xb8;
	[tilespmem:$0x1E400] =	vst v63  }
0x22e: {  	_ = 	snop  }
0x22f: {  	[tilespmem:s25], [sflag:$0x1] =	stream.indirect_vreg.gather [hbm4b:s4+s2], $0x80, v4, vm0, $0xb8;
	[tilespmem:$0x1E400] =	vst v63  }
0x230: {  	_ = 	snop  }
0x231: {  	[tilespmem:s26], [sflag:$0x1] =	stream.indirect_vreg.gather [hbm4b:s3+s2], $0x80, v3, vm0, $0xb8;
	[tilespmem:$0x1E400] =	vst v63  }
0x232: {  	s26 =	simm.s32 $0x7C00  }
0x233: {  	[tilespmem:s26], [sflag:$0x1] =	stream.indirect_vreg.gather [hbm4b:s4+s2], $0x80, v3, vm0, $0xb8;
	[tilespmem:$0x1E400] =	vst v63  }
0x234: {  	v3 =	vld [tilespmem:$0x220];
	_ =	sdelay $0x4  }
0x235: {  	v36 =	vshll.u32 v3, $0x2  }
0x236: {  	v3 =	vand.u32 $0x7, v3;
	v4 =	vand.u32 $0xFFFFFFE0, v36  }
0x237: {  	v3 =	vor.u32 v3, v4  }
0x238: {  	v4 =	vperm.xlane v3, v0;
	_ =	sdelay $0x1  }
0x239: {  	v4 =	vadd.s32 v1, v4;
	_ =	sdelay $0x1  }
0x23a: {  	v3 =	vperm.xlane v3, v2;
	_ =	sdelay $0x1  }
0x23b: {  	v3 =	vadd.s32 v1, v3  }
0x23c: {  	[tilespmem:s28], [sflag:$0x1] =	stream.indirect_vreg.gather [hbm4b:s3+s2], $0x80, v4, vm0, $0xb8;
	[tilespmem:$0x1E400] =	vst v63  }
0x23d: {  	_ = 	snop  }
0x23e: {  	[tilespmem:s29], [sflag:$0x1] =	stream.indirect_vreg.gather [hbm4b:s4+s2], $0x80, v4, vm0, $0xb8;
	[tilespmem:$0x1E400] =	vst v63  }
0x23f: {  	_ = 	snop  }
0x240: {  	[tilespmem:s30], [sflag:$0x1] =	stream.indirect_vreg.gather [hbm4b:s3+s2], $0x80, v3, vm0, $0xb8;
	[tilespmem:$0x1E400] =	vst v63  }
0x241: {  	s30 =	simm.s32 $0x9C00  }
0x242: {  	[tilespmem:s30], [sflag:$0x1] =	stream.indirect_vreg.gather [hbm4b:s4+s2], $0x80, v3, vm0, $0xb8;
	[tilespmem:$0x1E400] =	vst v63  }
0x243: {  	v3 =	vld [tilespmem:$0x230];
	_ =	sdelay $0x4  }
0x244: {  	v37 =	vshll.u32 v3, $0x2  }
0x245: {  	v3 =	vand.u32 $0x7, v3;
	v4 =	vand.u32 $0xFFFFFFE0, v37  }
0x246: {  	v3 =	vor.u32 v3, v4  }
0x247: {  	v4 =	vperm.xlane v3, v0;
	_ =	sdelay $0x1  }
0x248: {  	v4 =	vadd.s32 v1, v4;
	_ =	sdelay $0x1  }
0x249: {  	v3 =	vperm.xlane v3, v2;
	_ =	sdelay $0x1  }
0x24a: {  	v3 =	vadd.s32 v1, v3  }
0x24b: {  	[tilespmem:s7], [sflag:$0x1] =	stream.indirect_vreg.gather [hbm4b:s3+s2], $0x80, v4, vm0, $0xb8;
	[tilespmem:$0x1E400] =	vst v63  }
0x24c: {  	_ = 	snop  }
0x24d: {  	[tilespmem:s8], [sflag:$0x1] =	stream.indirect_vreg.gather [hbm4b:s4+s2], $0x80, v4, vm0, $0xb8;
	[tilespmem:$0x1E400] =	vst v63  }
0x24e: {  	_ = 	snop  }
0x24f: {  	[tilespmem:s9], [sflag:$0x1] =	stream.indirect_vreg.gather [hbm4b:s3+s2], $0x80, v3, vm0, $0xb8;
	[tilespmem:$0x1E400] =	vst v63  }
0x250: {  	s20 =	simm.s32 $0xBC00  }
0x251: {  	[tilespmem:s20], [sflag:$0x1] =	stream.indirect_vreg.gather [hbm4b:s4+s2], $0x80, v3, vm0, $0xb8;
	[tilespmem:$0x1E400] =	vst v63  }
0x252: {  	v3 =	vld [tilespmem:$0x240];
	_ =	sdelay $0x4  }
0x253: {  	v38 =	vshll.u32 v3, $0x2  }
0x254: {  	v3 =	vand.u32 $0x7, v3;
	v4 =	vand.u32 $0xFFFFFFE0, v38  }
0x255: {  	v3 =	vor.u32 v3, v4  }
0x256: {  	v4 =	vperm.xlane v3, v0;
	_ =	sdelay $0x1  }
0x257: {  	v4 =	vadd.s32 v1, v4;
	_ =	sdelay $0x1  }
0x258: {  	v3 =	vperm.xlane v3, v2;
	_ =	sdelay $0x1  }
0x259: {  	v3 =	vadd.s32 v1, v3  }
0x25a: {  	[tilespmem:s10], [sflag:$0x1] =	stream.indirect_vreg.gather [hbm4b:s3+s2], $0x80, v4, vm0, $0xb8;
	[tilespmem:$0x1E400] =	vst v63  }
0x25b: {  	_ = 	snop  }
0x25c: {  	[tilespmem:s11], [sflag:$0x1] =	stream.indirect_vreg.gather [hbm4b:s4+s2], $0x80, v4, vm0, $0xb8;
	[tilespmem:$0x1E400] =	vst v63  }
0x25d: {  	_ = 	snop  }
0x25e: {  	[tilespmem:s13], [sflag:$0x1] =	stream.indirect_vreg.gather [hbm4b:s3+s2], $0x80, v3, vm0, $0xb8;
	[tilespmem:$0x1E400] =	vst v63  }
0x25f: {  	s30 =	simm.s32 $0xDC00  }
0x260: {  	[tilespmem:s30], [sflag:$0x1] =	stream.indirect_vreg.gather [hbm4b:s4+s2], $0x80, v3, vm0, $0xb8;
	[tilespmem:$0x1E400] =	vst v63  }
0x261: {  	v3 =	vld.msk [tilespmem:$0x250], $0xff;
	_ =	sdelay $0x4  }
0x262: {  	v39 =	vshll.u32 v3, $0x2  }
0x263: {  	v3 =	vand.u32 $0x7, v3;
	v4 =	vand.u32 $0xFFFFFFE0, v39  }
0x264: {  	v3 =	vor.u32 v3, v4  }
0x265: {  	v3 =	vperm.xlane v3, v0;
	_ =	sdelay $0x1  }
0x266: {  	v3 =	vadd.s32 v1, v3;
	_ =	sdelay $0x4  }
0x267: {  	[tilespmem:s31], [sflag:$0x1] =	stream.indirect_vreg.gather [hbm4b:s3+s2], $0x80, v3, vm0, $0xb8;
	[tilespmem:$0x1E400] =	vst v63  }
0x268: {  	s31 =	simm.s32 $0xEC00  }
0x269: {  	[tilespmem:s31], [sflag:$0x1] =	stream.indirect_vreg.gather [hbm4b:s4+s2], $0x80, v3, vm0, $0xb8;
	[tilespmem:$0x1E400] =	vst v63  }
0x26a: {  	_ =	swait.ge [sflag:s19], $0xF000  }
0x26b: {  	[sflag:s19] =	ssyncset.done $0x0  }
0x26c: {  	s7 =	simm.s32 $0xF400;
	s0 =	rddreg [dreg:$0x6];
	[sflag:s19] =	ssyncadd.s32 $0xFFFF1000  }
0x26d: {  	[hbm4b:s0+s2] =	stream.linear.scatter [tilespmem:s7], [sflag:$0x3], $0xF000, $0x38;
	[tilespmem:$0x1E400] =	vst v63  }
0x26e: {  	_ =	swait.ge [sflag:s6], $0xF000  }
0x26f: {  	[sflag:s6] =	ssyncset.done $0x0  }
0x270: {  	[sflag:s6] =	ssyncadd.s32 $0xFFFF1000  }
0x271: {  	v3 =	vld [tilespmem:$0x258];
	_ =	sdelay $0x4  }
0x272: {  	v40 =	vshll.u32 v3, $0x2  }
0x273: {  	v3 =	vand.u32 $0x7, v3;
	v4 =	vand.u32 $0xFFFFFFE0, v40  }
0x274: {  	v3 =	vor.u32 v3, v4  }
0x275: {  	v4 =	vperm.xlane v3, v0;
	_ =	sdelay $0x1  }
0x276: {  	v4 =	vadd.s32 v1, v4;
	_ =	sdelay $0x1  }
0x277: {  	v3 =	vperm.xlane v3, v2;
	_ =	sdelay $0x1  }
0x278: {  	v3 =	vadd.s32 v1, v3  }
0x279: {  	[tilespmem:s7], [sflag:$0x2] =	stream.indirect_vreg.gather [hbm4b:s3+s2], $0x80, v4, vm0, $0xb8;
	[tilespmem:$0x1E400] =	vst v63  }
0x27a: {  	s31 =	simm.s32 $0xFC00  }
0x27b: {  	[tilespmem:s31], [sflag:$0x2] =	stream.indirect_vreg.gather [hbm4b:s4+s2], $0x80, v4, vm0, $0xb8;
	[tilespmem:$0x1E400] =	vst v63  }
0x27c: {  	s0 =	simm.s32 $0x10400  }
0x27d: {  	[tilespmem:s0], [sflag:$0x2] =	stream.indirect_vreg.gather [hbm4b:s3+s2], $0x80, v3, vm0, $0xb8;
	[tilespmem:$0x1E400] =	vst v63  }
0x27e: {  	s8 =	simm.s32 $0x10C00  }
0x27f: {  	[tilespmem:s8], [sflag:$0x2] =	stream.indirect_vreg.gather [hbm4b:s4+s2], $0x80, v3, vm0, $0xb8;
	[tilespmem:$0x1E400] =	vst v63  }
0x280: {  	v3 =	vld [tilespmem:$0x268];
	_ =	sdelay $0x4  }
0x281: {  	v41 =	vshll.u32 v3, $0x2  }
0x282: {  	v3 =	vand.u32 $0x7, v3;
	v4 =	vand.u32 $0xFFFFFFE0, v41  }
0x283: {  	v3 =	vor.u32 v3, v4  }
0x284: {  	v4 =	vperm.xlane v3, v0;
	_ =	sdelay $0x1  }
0x285: {  	v4 =	vadd.s32 v1, v4;
	_ =	sdelay $0x1  }
0x286: {  	v3 =	vperm.xlane v3, v2;
	_ =	sdelay $0x1  }
0x287: {  	s8 =	simm.s32 $0x11400;
	v3 =	vadd.s32 v1, v3  }
0x288: {  	[tilespmem:s8], [sflag:$0x2] =	stream.indirect_vreg.gather [hbm4b:s3+s2], $0x80, v4, vm0, $0xb8;
	[tilespmem:$0x1E400] =	vst v63  }
0x289: {  	s8 =	simm.s32 $0x11C00  }
0x28a: {  	[tilespmem:s8], [sflag:$0x2] =	stream.indirect_vreg.gather [hbm4b:s4+s2], $0x80, v4, vm0, $0xb8;
	[tilespmem:$0x1E400] =	vst v63  }
0x28b: {  	s8 =	simm.s32 $0x12400  }
0x28c: {  	[tilespmem:s8], [sflag:$0x2] =	stream.indirect_vreg.gather [hbm4b:s3+s2], $0x80, v3, vm0, $0xb8;
	[tilespmem:$0x1E400] =	vst v63  }
0x28d: {  	s8 =	simm.s32 $0x12C00  }
0x28e: {  	[tilespmem:s8], [sflag:$0x2] =	stream.indirect_vreg.gather [hbm4b:s4+s2], $0x80, v3, vm0, $0xb8;
	[tilespmem:$0x1E400] =	vst v63  }
0x28f: {  	v3 =	vld [tilespmem:$0x278];
	_ =	sdelay $0x4  }
0x290: {  	v42 =	vshll.u32 v3, $0x2  }
0x291: {  	v3 =	vand.u32 $0x7, v3;
	v4 =	vand.u32 $0xFFFFFFE0, v42  }
0x292: {  	v3 =	vor.u32 v3, v4  }
0x293: {  	v4 =	vperm.xlane v3, v0;
	_ =	sdelay $0x1  }
0x294: {  	v4 =	vadd.s32 v1, v4;
	_ =	sdelay $0x1  }
0x295: {  	v3 =	vperm.xlane v3, v2;
	_ =	sdelay $0x1  }
0x296: {  	s8 =	simm.s32 $0x13400;
	v3 =	vadd.s32 v1, v3  }
0x297: {  	[tilespmem:s8], [sflag:$0x2] =	stream.indirect_vreg.gather [hbm4b:s3+s2], $0x80, v4, vm0, $0xb8;
	[tilespmem:$0x1E400] =	vst v63  }
0x298: {  	s8 =	simm.s32 $0x13C00  }
0x299: {  	[tilespmem:s8], [sflag:$0x2] =	stream.indirect_vreg.gather [hbm4b:s4+s2], $0x80, v4, vm0, $0xb8;
	[tilespmem:$0x1E400] =	vst v63  }
0x29a: {  	s8 =	simm.s32 $0x14400  }
0x29b: {  	[tilespmem:s8], [sflag:$0x2] =	stream.indirect_vreg.gather [hbm4b:s3+s2], $0x80, v3, vm0, $0xb8;
	[tilespmem:$0x1E400] =	vst v63  }
0x29c: {  	s8 =	simm.s32 $0x14C00  }
0x29d: {  	[tilespmem:s8], [sflag:$0x2] =	stream.indirect_vreg.gather [hbm4b:s4+s2], $0x80, v3, vm0, $0xb8;
	[tilespmem:$0x1E400] =	vst v63  }
0x29e: {  	v3 =	vld [tilespmem:$0x288];
	_ =	sdelay $0x4  }
0x29f: {  	v43 =	vshll.u32 v3, $0x2  }
0x2a0: {  	v3 =	vand.u32 $0x7, v3;
	v4 =	vand.u32 $0xFFFFFFE0, v43  }
0x2a1: {  	v3 =	vor.u32 v3, v4  }
0x2a2: {  	v4 =	vperm.xlane v3, v0;
	_ =	sdelay $0x1  }
0x2a3: {  	v4 =	vadd.s32 v1, v4;
	_ =	sdelay $0x1  }
0x2a4: {  	v3 =	vperm.xlane v3, v2;
	_ =	sdelay $0x1  }
0x2a5: {  	s8 =	simm.s32 $0x15400;
	v3 =	vadd.s32 v1, v3  }
0x2a6: {  	[tilespmem:s8], [sflag:$0x2] =	stream.indirect_vreg.gather [hbm4b:s3+s2], $0x80, v4, vm0, $0xb8;
	[tilespmem:$0x1E400] =	vst v63  }
0x2a7: {  	s8 =	simm.s32 $0x15C00  }
0x2a8: {  	[tilespmem:s8], [sflag:$0x2] =	stream.indirect_vreg.gather [hbm4b:s4+s2], $0x80, v4, vm0, $0xb8;
	[tilespmem:$0x1E400] =	vst v63  }
0x2a9: {  	s8 =	simm.s32 $0x16400  }
0x2aa: {  	[tilespmem:s8], [sflag:$0x2] =	stream.indirect_vreg.gather [hbm4b:s3+s2], $0x80, v3, vm0, $0xb8;
	[tilespmem:$0x1E400] =	vst v63  }
0x2ab: {  	s8 =	simm.s32 $0x16C00  }
0x2ac: {  	[tilespmem:s8], [sflag:$0x2] =	stream.indirect_vreg.gather [hbm4b:s4+s2], $0x80, v3, vm0, $0xb8;
	[tilespmem:$0x1E400] =	vst v63  }
0x2ad: {  	v3 =	vld [tilespmem:$0x298];
	_ =	sdelay $0x4  }
0x2ae: {  	v44 =	vshll.u32 v3, $0x2  }
0x2af: {  	v3 =	vand.u32 $0x7, v3;
	v4 =	vand.u32 $0xFFFFFFE0, v44  }
0x2b0: {  	v3 =	vor.u32 v3, v4  }
0x2b1: {  	v4 =	vperm.xlane v3, v0;
	_ =	sdelay $0x1  }
0x2b2: {  	v4 =	vadd.s32 v1, v4;
	_ =	sdelay $0x1  }
0x2b3: {  	v3 =	vperm.xlane v3, v2;
	_ =	sdelay $0x1  }
0x2b4: {  	s8 =	simm.s32 $0x17400;
	v3 =	vadd.s32 v1, v3  }
0x2b5: {  	[tilespmem:s8], [sflag:$0x2] =	stream.indirect_vreg.gather [hbm4b:s3+s2], $0x80, v4, vm0, $0xb8;
	[tilespmem:$0x1E400] =	vst v63  }
0x2b6: {  	s8 =	simm.s32 $0x17C00  }
0x2b7: {  	[tilespmem:s8], [sflag:$0x2] =	stream.indirect_vreg.gather [hbm4b:s4+s2], $0x80, v4, vm0, $0xb8;
	[tilespmem:$0x1E400] =	vst v63  }
0x2b8: {  	s8 =	simm.s32 $0x18400  }
0x2b9: {  	[tilespmem:s8], [sflag:$0x2] =	stream.indirect_vreg.gather [hbm4b:s3+s2], $0x80, v3, vm0, $0xb8;
	[tilespmem:$0x1E400] =	vst v63  }
0x2ba: {  	s8 =	simm.s32 $0x18C00  }
0x2bb: {  	[tilespmem:s8], [sflag:$0x2] =	stream.indirect_vreg.gather [hbm4b:s4+s2], $0x80, v3, vm0, $0xb8;
	[tilespmem:$0x1E400] =	vst v63  }
0x2bc: {  	v3 =	vld [tilespmem:$0x2A8];
	_ =	sdelay $0x4  }
0x2bd: {  	v45 =	vshll.u32 v3, $0x2  }
0x2be: {  	v3 =	vand.u32 $0x7, v3;
	v4 =	vand.u32 $0xFFFFFFE0, v45  }
0x2bf: {  	v3 =	vor.u32 v3, v4  }
0x2c0: {  	v4 =	vperm.xlane v3, v0;
	_ =	sdelay $0x1  }
0x2c1: {  	v4 =	vadd.s32 v1, v4;
	_ =	sdelay $0x1  }
0x2c2: {  	v3 =	vperm.xlane v3, v2;
	_ =	sdelay $0x1  }
0x2c3: {  	s8 =	simm.s32 $0x19400;
	v3 =	vadd.s32 v1, v3  }
0x2c4: {  	[tilespmem:s8], [sflag:$0x2] =	stream.indirect_vreg.gather [hbm4b:s3+s2], $0x80, v4, vm0, $0xb8;
	[tilespmem:$0x1E400] =	vst v63  }
0x2c5: {  	s8 =	simm.s32 $0x19C00  }
0x2c6: {  	[tilespmem:s8], [sflag:$0x2] =	stream.indirect_vreg.gather [hbm4b:s4+s2], $0x80, v4, vm0, $0xb8;
	[tilespmem:$0x1E400] =	vst v63  }
0x2c7: {  	s8 =	simm.s32 $0x1A400  }
0x2c8: {  	[tilespmem:s8], [sflag:$0x2] =	stream.indirect_vreg.gather [hbm4b:s3+s2], $0x80, v3, vm0, $0xb8;
	[tilespmem:$0x1E400] =	vst v63  }
0x2c9: {  	s8 =	simm.s32 $0x1AC00  }
0x2ca: {  	[tilespmem:s8], [sflag:$0x2] =	stream.indirect_vreg.gather [hbm4b:s4+s2], $0x80, v3, vm0, $0xb8;
	[tilespmem:$0x1E400] =	vst v63  }
0x2cb: {  	v3 =	vld [tilespmem:$0x2B8];
	_ =	sdelay $0x4  }
0x2cc: {  	v46 =	vshll.u32 v3, $0x2  }
0x2cd: {  	v3 =	vand.u32 $0x7, v3;
	v4 =	vand.u32 $0xFFFFFFE0, v46  }
0x2ce: {  	v3 =	vor.u32 v3, v4  }
0x2cf: {  	v4 =	vperm.xlane v3, v0;
	_ =	sdelay $0x1  }
0x2d0: {  	v4 =	vadd.s32 v1, v4;
	_ =	sdelay $0x1  }
0x2d1: {  	v3 =	vperm.xlane v3, v2;
	_ =	sdelay $0x1  }
0x2d2: {  	s8 =	simm.s32 $0x1B400;
	v3 =	vadd.s32 v1, v3  }
0x2d3: {  	[tilespmem:s8], [sflag:$0x2] =	stream.indirect_vreg.gather [hbm4b:s3+s2], $0x80, v4, vm0, $0xb8;
	[tilespmem:$0x1E400] =	vst v63  }
0x2d4: {  	s8 =	simm.s32 $0x1BC00  }
0x2d5: {  	[tilespmem:s8], [sflag:$0x2] =	stream.indirect_vreg.gather [hbm4b:s4+s2], $0x80, v4, vm0, $0xb8;
	[tilespmem:$0x1E400] =	vst v63  }
0x2d6: {  	s8 =	simm.s32 $0x1C400  }
0x2d7: {  	[tilespmem:s8], [sflag:$0x2] =	stream.indirect_vreg.gather [hbm4b:s3+s2], $0x80, v3, vm0, $0xb8;
	[tilespmem:$0x1E400] =	vst v63  }
0x2d8: {  	s8 =	simm.s32 $0x1CC00  }
0x2d9: {  	[tilespmem:s8], [sflag:$0x2] =	stream.indirect_vreg.gather [hbm4b:s4+s2], $0x80, v3, vm0, $0xb8;
	[tilespmem:$0x1E400] =	vst v63  }
0x2da: {  	v3 =	vld.msk [tilespmem:$0x2C8], $0xff;
	_ =	sdelay $0x4  }
0x2db: {  	v47 =	vshll.u32 v3, $0x2  }
0x2dc: {  	v3 =	vand.u32 $0x7, v3;
	v4 =	vand.u32 $0xFFFFFFE0, v47  }
0x2dd: {  	v3 =	vor.u32 v3, v4  }
0x2de: {  	v3 =	vperm.xlane v3, v0;
	_ =	sdelay $0x1  }
0x2df: {  	v3 =	vadd.s32 v1, v3;
	_ =	sdelay $0x3  }
0x2e0: {  	s8 =	simm.s32 $0x1D400  }
0x2e1: {  	[tilespmem:s8], [sflag:$0x2] =	stream.indirect_vreg.gather [hbm4b:s3+s2], $0x80, v3, vm0, $0xb8;
	[tilespmem:$0x1E400] =	vst v63  }
0x2e2: {  	s8 =	simm.s32 $0x1DC00  }
0x2e3: {  	[tilespmem:s8], [sflag:$0x2] =	stream.indirect_vreg.gather [hbm4b:s4+s2], $0x80, v3, vm0, $0xb8;
	[tilespmem:$0x1E400] =	vst v63  }
0x2e4: {  	_ =	swait.ge [sflag:s18], $0xF000  }
0x2e5: {  	[sflag:s18] =	ssyncset.done $0x0  }
0x2e6: {  	s8 =	simm.s32 $0x400;
	s20 =	rddreg [dreg:$0x7];
	[sflag:s18] =	ssyncadd.s32 $0xFFFF1000  }
0x2e7: {  	[hbm4b:s20+s2] =	stream.linear.scatter [tilespmem:s8], [sflag:$0x3], $0xF000, $0x38;
	[tilespmem:$0x1E400] =	vst v63  }
0x2e8: {  	_ =	swait.ge [sflag:s6], $0xF000  }
0x2e9: {  	[sflag:s6] =	ssyncset.done $0x0  }
0x2ea: {  	[sflag:s6] =	ssyncadd.s32 $0xFFFF1000  }
0x2eb: {  	v3 =	vld [tilespmem:$0x2D0];
	_ =	sdelay $0x4  }
0x2ec: {  	v48 =	vshll.u32 v3, $0x2  }
0x2ed: {  	v3 =	vand.u32 $0x7, v3;
	v4 =	vand.u32 $0xFFFFFFE0, v48  }
0x2ee: {  	v3 =	vor.u32 v3, v4  }
0x2ef: {  	v4 =	vperm.xlane v3, v0;
	_ =	sdelay $0x1  }
0x2f0: {  	v4 =	vadd.s32 v1, v4;
	_ =	sdelay $0x1  }
0x2f1: {  	v3 =	vperm.xlane v3, v2;
	_ =	sdelay $0x1  }
0x2f2: {  	v3 =	vadd.s32 v1, v3  }
0x2f3: {  	[tilespmem:s8], [sflag:$0x1] =	stream.indirect_vreg.gather [hbm4b:s3+s2], $0x80, v4, vm0, $0xb8;
	[tilespmem:$0x1E400] =	vst v63  }
0x2f4: {  	s12 =	simm.s32 $0xC00  }
0x2f5: {  	[tilespmem:s12], [sflag:$0x1] =	stream.indirect_vreg.gather [hbm4b:s4+s2], $0x80, v4, vm0, $0xb8;
	[tilespmem:$0x1E400] =	vst v63  }
0x2f6: {  	s20 =	simm.s32 $0x1400  }
0x2f7: {  	[tilespmem:s20], [sflag:$0x1] =	stream.indirect_vreg.gather [hbm4b:s3+s2], $0x80, v3, vm0, $0xb8;
	[tilespmem:$0x1E400] =	vst v63  }
0x2f8: {  	_ = 	snop  }
0x2f9: {  	[tilespmem:s1], [sflag:$0x1] =	stream.indirect_vreg.gather [hbm4b:s4+s2], $0x80, v3, vm0, $0xb8;
	[tilespmem:$0x1E400] =	vst v63  }
0x2fa: {  	v3 =	vld [tilespmem:$0x2E0];
	_ =	sdelay $0x4  }
0x2fb: {  	v49 =	vshll.u32 v3, $0x2  }
0x2fc: {  	v3 =	vand.u32 $0x7, v3;
	v4 =	vand.u32 $0xFFFFFFE0, v49  }
0x2fd: {  	v3 =	vor.u32 v3, v4  }
0x2fe: {  	v4 =	vperm.xlane v3, v0;
	_ =	sdelay $0x1  }
0x2ff: {  	v4 =	vadd.s32 v1, v4;
	_ =	sdelay $0x1  }
0x300: {  	v3 =	vperm.xlane v3, v2;
	_ =	sdelay $0x1  }
0x301: {  	s14 =	simm.s32 $0x2400;
	v3 =	vadd.s32 v1, v3  }
0x302: {  	[tilespmem:s14], [sflag:$0x1] =	stream.indirect_vreg.gather [hbm4b:s3+s2], $0x80, v4, vm0, $0xb8;
	[tilespmem:$0x1E400] =	vst v63  }
0x303: {  	s15 =	simm.s32 $0x2C00  }
0x304: {  	[tilespmem:s15], [sflag:$0x1] =	stream.indirect_vreg.gather [hbm4b:s4+s2], $0x80, v4, vm0, $0xb8;
	[tilespmem:$0x1E400] =	vst v63  }
0x305: {  	s16 =	simm.s32 $0x3400  }
0x306: {  	[tilespmem:s16], [sflag:$0x1] =	stream.indirect_vreg.gather [hbm4b:s3+s2], $0x80, v3, vm0, $0xb8;
	[tilespmem:$0x1E400] =	vst v63  }
0x307: {  	s20 =	simm.s32 $0x3C00  }
0x308: {  	[tilespmem:s20], [sflag:$0x1] =	stream.indirect_vreg.gather [hbm4b:s4+s2], $0x80, v3, vm0, $0xb8;
	[tilespmem:$0x1E400] =	vst v63  }
0x309: {  	v3 =	vld [tilespmem:$0x2F0];
	_ =	sdelay $0x4  }
0x30a: {  	v50 =	vshll.u32 v3, $0x2  }
0x30b: {  	v3 =	vand.u32 $0x7, v3;
	v4 =	vand.u32 $0xFFFFFFE0, v50  }
0x30c: {  	v3 =	vor.u32 v3, v4  }
0x30d: {  	v4 =	vperm.xlane v3, v0;
	_ =	sdelay $0x1  }
0x30e: {  	v4 =	vadd.s32 v1, v4;
	_ =	sdelay $0x1  }
0x30f: {  	v3 =	vperm.xlane v3, v2;
	_ =	sdelay $0x1  }
0x310: {  	s17 =	simm.s32 $0x4400;
	v3 =	vadd.s32 v1, v3  }
0x311: {  	[tilespmem:s17], [sflag:$0x1] =	stream.indirect_vreg.gather [hbm4b:s3+s2], $0x80, v4, vm0, $0xb8;
	[tilespmem:$0x1E400] =	vst v63  }
0x312: {  	s21 =	simm.s32 $0x4C00  }
0x313: {  	[tilespmem:s21], [sflag:$0x1] =	stream.indirect_vreg.gather [hbm4b:s4+s2], $0x80, v4, vm0, $0xb8;
	[tilespmem:$0x1E400] =	vst v63  }
0x314: {  	s22 =	simm.s32 $0x5400  }
0x315: {  	[tilespmem:s22], [sflag:$0x1] =	stream.indirect_vreg.gather [hbm4b:s3+s2], $0x80, v3, vm0, $0xb8;
	[tilespmem:$0x1E400] =	vst v63  }
0x316: {  	s22 =	simm.s32 $0x5C00  }
0x317: {  	[tilespmem:s22], [sflag:$0x1] =	stream.indirect_vreg.gather [hbm4b:s4+s2], $0x80, v3, vm0, $0xb8;
	[tilespmem:$0x1E400] =	vst v63  }
0x318: {  	v3 =	vld [tilespmem:$0x300];
	_ =	sdelay $0x4  }
0x319: {  	v51 =	vshll.u32 v3, $0x2  }
0x31a: {  	v3 =	vand.u32 $0x7, v3;
	v4 =	vand.u32 $0xFFFFFFE0, v51  }
0x31b: {  	v3 =	vor.u32 v3, v4  }
0x31c: {  	v4 =	vperm.xlane v3, v0;
	_ =	sdelay $0x1  }
0x31d: {  	v4 =	vadd.s32 v1, v4;
	_ =	sdelay $0x1  }
0x31e: {  	v3 =	vperm.xlane v3, v2;
	_ =	sdelay $0x1  }
0x31f: {  	s23 =	simm.s32 $0x6400;
	v3 =	vadd.s32 v1, v3  }
0x320: {  	[tilespmem:s23], [sflag:$0x1] =	stream.indirect_vreg.gather [hbm4b:s3+s2], $0x80, v4, vm0, $0xb8;
	[tilespmem:$0x1E400] =	vst v63  }
0x321: {  	s24 =	simm.s32 $0x6C00  }
0x322: {  	[tilespmem:s24], [sflag:$0x1] =	stream.indirect_vreg.gather [hbm4b:s4+s2], $0x80, v4, vm0, $0xb8;
	[tilespmem:$0x1E400] =	vst v63  }
0x323: {  	s25 =	simm.s32 $0x7400  }
0x324: {  	[tilespmem:s25], [sflag:$0x1] =	stream.indirect_vreg.gather [hbm4b:s3+s2], $0x80, v3, vm0, $0xb8;
	[tilespmem:$0x1E400] =	vst v63  }
0x325: {  	s12 =	simm.s32 $0x7C00  }
0x326: {  	[tilespmem:s12], [sflag:$0x1] =	stream.indirect_vreg.gather [hbm4b:s4+s2], $0x80, v3, vm0, $0xb8;
	[tilespmem:$0x1E400] =	vst v63  }
0x327: {  	v3 =	vld [tilespmem:$0x310];
	_ =	sdelay $0x4  }
0x328: {  	v52 =	vshll.u32 v3, $0x2  }
0x329: {  	v3 =	vand.u32 $0x7, v3;
	v4 =	vand.u32 $0xFFFFFFE0, v52  }
0x32a: {  	v3 =	vor.u32 v3, v4  }
0x32b: {  	v4 =	vperm.xlane v3, v0;
	_ =	sdelay $0x1  }
0x32c: {  	v4 =	vadd.s32 v1, v4;
	_ =	sdelay $0x1  }
0x32d: {  	v3 =	vperm.xlane v3, v2;
	_ =	sdelay $0x1  }
0x32e: {  	s26 =	simm.s32 $0x8400;
	v3 =	vadd.s32 v1, v3  }
0x32f: {  	[tilespmem:s26], [sflag:$0x1] =	stream.indirect_vreg.gather [hbm4b:s3+s2], $0x80, v4, vm0, $0xb8;
	[tilespmem:$0x1E400] =	vst v63  }
0x330: {  	s28 =	simm.s32 $0x8C00  }
0x331: {  	[tilespmem:s28], [sflag:$0x1] =	stream.indirect_vreg.gather [hbm4b:s4+s2], $0x80, v4, vm0, $0xb8;
	[tilespmem:$0x1E400] =	vst v63  }
0x332: {  	s29 =	simm.s32 $0x9400  }
0x333: {  	[tilespmem:s29], [sflag:$0x1] =	stream.indirect_vreg.gather [hbm4b:s3+s2], $0x80, v3, vm0, $0xb8;
	[tilespmem:$0x1E400] =	vst v63  }
0x334: {  	s14 =	simm.s32 $0x9C00  }
0x335: {  	[tilespmem:s14], [sflag:$0x1] =	stream.indirect_vreg.gather [hbm4b:s4+s2], $0x80, v3, vm0, $0xb8;
	[tilespmem:$0x1E400] =	vst v63  }
0x336: {  	v3 =	vld [tilespmem:$0x320];
	_ =	sdelay $0x4  }
0x337: {  	v53 =	vshll.u32 v3, $0x2  }
0x338: {  	v3 =	vand.u32 $0x7, v3;
	v4 =	vand.u32 $0xFFFFFFE0, v53  }
0x339: {  	v3 =	vor.u32 v3, v4  }
0x33a: {  	v4 =	vperm.xlane v3, v0;
	_ =	sdelay $0x1  }
0x33b: {  	v4 =	vadd.s32 v1, v4;
	_ =	sdelay $0x1  }
0x33c: {  	v3 =	vperm.xlane v3, v2;
	_ =	sdelay $0x1  }
0x33d: {  	s15 =	simm.s32 $0xA400;
	v3 =	vadd.s32 v1, v3  }
0x33e: {  	[tilespmem:s15], [sflag:$0x1] =	stream.indirect_vreg.gather [hbm4b:s3+s2], $0x80, v4, vm0, $0xb8;
	[tilespmem:$0x1E400] =	vst v63  }
0x33f: {  	s16 =	simm.s32 $0xAC00  }
0x340: {  	[tilespmem:s16], [sflag:$0x1] =	stream.indirect_vreg.gather [hbm4b:s4+s2], $0x80, v4, vm0, $0xb8;
	[tilespmem:$0x1E400] =	vst v63  }
0x341: {  	s9 =	simm.s32 $0xB400  }
0x342: {  	[tilespmem:s9], [sflag:$0x1] =	stream.indirect_vreg.gather [hbm4b:s3+s2], $0x80, v3, vm0, $0xb8;
	[tilespmem:$0x1E400] =	vst v63  }
0x343: {  	s17 =	simm.s32 $0xBC00  }
0x344: {  	[tilespmem:s17], [sflag:$0x1] =	stream.indirect_vreg.gather [hbm4b:s4+s2], $0x80, v3, vm0, $0xb8;
	[tilespmem:$0x1E400] =	vst v63  }
0x345: {  	v3 =	vld [tilespmem:$0x330];
	_ =	sdelay $0x4  }
0x346: {  	v54 =	vshll.u32 v3, $0x2  }
0x347: {  	v3 =	vand.u32 $0x7, v3;
	v4 =	vand.u32 $0xFFFFFFE0, v54  }
0x348: {  	v3 =	vor.u32 v3, v4  }
0x349: {  	v4 =	vperm.xlane v3, v0;
	_ =	sdelay $0x1  }
0x34a: {  	v4 =	vadd.s32 v1, v4;
	_ =	sdelay $0x1  }
0x34b: {  	v3 =	vperm.xlane v3, v2;
	_ =	sdelay $0x1  }
0x34c: {  	s10 =	simm.s32 $0xC400;
	v3 =	vadd.s32 v1, v3  }
0x34d: {  	[tilespmem:s10], [sflag:$0x1] =	stream.indirect_vreg.gather [hbm4b:s3+s2], $0x80, v4, vm0, $0xb8;
	[tilespmem:$0x1E400] =	vst v63  }
0x34e: {  	s11 =	simm.s32 $0xCC00  }
0x34f: {  	[tilespmem:s11], [sflag:$0x1] =	stream.indirect_vreg.gather [hbm4b:s4+s2], $0x80, v4, vm0, $0xb8;
	[tilespmem:$0x1E400] =	vst v63  }
0x350: {  	s13 =	simm.s32 $0xD400  }
0x351: {  	[tilespmem:s13], [sflag:$0x1] =	stream.indirect_vreg.gather [hbm4b:s3+s2], $0x80, v3, vm0, $0xb8;
	[tilespmem:$0x1E400] =	vst v63  }
0x352: {  	s20 =	simm.s32 $0xDC00  }
0x353: {  	[tilespmem:s20], [sflag:$0x1] =	stream.indirect_vreg.gather [hbm4b:s4+s2], $0x80, v3, vm0, $0xb8;
	[tilespmem:$0x1E400] =	vst v63  }
0x354: {  	v3 =	vld.msk [tilespmem:$0x340], $0xff;
	_ =	sdelay $0x4  }
0x355: {  	v55 =	vshll.u32 v3, $0x2  }
0x356: {  	v3 =	vand.u32 $0x7, v3;
	v4 =	vand.u32 $0xFFFFFFE0, v55  }
0x357: {  	v3 =	vor.u32 v3, v4  }
0x358: {  	v3 =	vperm.xlane v3, v0;
	_ =	sdelay $0x1  }
0x359: {  	v3 =	vadd.s32 v1, v3;
	_ =	sdelay $0x3  }
0x35a: {  	s30 =	simm.s32 $0xE400  }
0x35b: {  	[tilespmem:s30], [sflag:$0x1] =	stream.indirect_vreg.gather [hbm4b:s3+s2], $0x80, v3, vm0, $0xb8;
	[tilespmem:$0x1E400] =	vst v63  }
0x35c: {  	s21 =	simm.s32 $0xEC00  }
0x35d: {  	[tilespmem:s21], [sflag:$0x1] =	stream.indirect_vreg.gather [hbm4b:s4+s2], $0x80, v3, vm0, $0xb8;
	[tilespmem:$0x1E400] =	vst v63  }
0x35e: {  	_ =	swait.ge [sflag:s19], $0xF000  }
0x35f: {  	[sflag:s19] =	ssyncset.done $0x0  }
0x360: {  	s7 =	simm.s32 $0xF400;
	s22 =	rddreg [dreg:$0x8];
	[sflag:s19] =	ssyncadd.s32 $0xFFFF1000  }
0x361: {  	[hbm4b:s22+s2] =	stream.linear.scatter [tilespmem:s7], [sflag:$0x3], $0xF000, $0x38;
	[tilespmem:$0x1E400] =	vst v63  }
0x362: {  	_ =	swait.ge [sflag:s6], $0xF000  }
0x363: {  	[sflag:s6] =	ssyncset.done $0x0  }
0x364: {  	[sflag:s6] =	ssyncadd.s32 $0xFFFF1000  }
0x365: {  	v3 =	vld [tilespmem:$0x348];
	_ =	sdelay $0x4  }
0x366: {  	v56 =	vshll.u32 v3, $0x2  }
0x367: {  	v3 =	vand.u32 $0x7, v3;
	v4 =	vand.u32 $0xFFFFFFE0, v56  }
0x368: {  	v3 =	vor.u32 v3, v4  }
0x369: {  	v4 =	vperm.xlane v3, v0;
	_ =	sdelay $0x1  }
0x36a: {  	v4 =	vadd.s32 v1, v4;
	_ =	sdelay $0x1  }
0x36b: {  	v3 =	vperm.xlane v3, v2;
	_ =	sdelay $0x1  }
0x36c: {  	v3 =	vadd.s32 v1, v3  }
0x36d: {  	[tilespmem:s7], [sflag:$0x2] =	stream.indirect_vreg.gather [hbm4b:s3+s2], $0x80, v4, vm0, $0xb8;
	[tilespmem:$0x1E400] =	vst v63  }
0x36e: {  	_ = 	snop  }
0x36f: {  	[tilespmem:s31], [sflag:$0x2] =	stream.indirect_vreg.gather [hbm4b:s4+s2], $0x80, v4, vm0, $0xb8;
	[tilespmem:$0x1E400] =	vst v63  }
0x370: {  	_ = 	snop  }
0x371: {  	[tilespmem:s0], [sflag:$0x2] =	stream.indirect_vreg.gather [hbm4b:s3+s2], $0x80, v3, vm0, $0xb8;
	[tilespmem:$0x1E400] =	vst v63  }
0x372: {  	s23 =	simm.s32 $0x10C00  }
0x373: {  	[tilespmem:s23], [sflag:$0x2] =	stream.indirect_vreg.gather [hbm4b:s4+s2], $0x80, v3, vm0, $0xb8;
	[tilespmem:$0x1E400] =	vst v63  }
0x374: {  	v3 =	vld [tilespmem:$0x358];
	_ =	sdelay $0x4  }
0x375: {  	v57 =	vshll.u32 v3, $0x2  }
0x376: {  	v3 =	vand.u32 $0x7, v3;
	v4 =	vand.u32 $0xFFFFFFE0, v57  }
0x377: {  	v3 =	vor.u32 v3, v4  }
0x378: {  	v4 =	vperm.xlane v3, v0;
	_ =	sdelay $0x1  }
0x379: {  	v4 =	vadd.s32 v1, v4;
	_ =	sdelay $0x1  }
0x37a: {  	v3 =	vperm.xlane v3, v2;
	_ =	sdelay $0x1  }
0x37b: {  	s24 =	simm.s32 $0x11400;
	v3 =	vadd.s32 v1, v3  }
0x37c: {  	[tilespmem:s24], [sflag:$0x2] =	stream.indirect_vreg.gather [hbm4b:s3+s2], $0x80, v4, vm0, $0xb8;
	[tilespmem:$0x1E400] =	vst v63  }
0x37d: {  	s25 =	simm.s32 $0x11C00  }
0x37e: {  	[tilespmem:s25], [sflag:$0x2] =	stream.indirect_vreg.gather [hbm4b:s4+s2], $0x80, v4, vm0, $0xb8;
	[tilespmem:$0x1E400] =	vst v63  }
0x37f: {  	s26 =	simm.s32 $0x12400  }
0x380: {  	[tilespmem:s26], [sflag:$0x2] =	stream.indirect_vreg.gather [hbm4b:s3+s2], $0x80, v3, vm0, $0xb8;
	[tilespmem:$0x1E400] =	vst v63  }
0x381: {  	s28 =	simm.s32 $0x12C00  }
0x382: {  	[tilespmem:s28], [sflag:$0x2] =	stream.indirect_vreg.gather [hbm4b:s4+s2], $0x80, v3, vm0, $0xb8;
	[tilespmem:$0x1E400] =	vst v63  }
0x383: {  	v3 =	vld [tilespmem:$0x368];
	_ =	sdelay $0x4  }
0x384: {  	v58 =	vshll.u32 v3, $0x2  }
0x385: {  	v3 =	vand.u32 $0x7, v3;
	v4 =	vand.u32 $0xFFFFFFE0, v58  }
0x386: {  	v3 =	vor.u32 v3, v4  }
0x387: {  	v4 =	vperm.xlane v3, v0;
	_ =	sdelay $0x1  }
0x388: {  	v4 =	vadd.s32 v1, v4;
	_ =	sdelay $0x1  }
0x389: {  	v3 =	vperm.xlane v3, v2;
	_ =	sdelay $0x1  }
0x38a: {  	s29 =	simm.s32 $0x13400;
	v3 =	vadd.s32 v1, v3  }
0x38b: {  	[tilespmem:s29], [sflag:$0x2] =	stream.indirect_vreg.gather [hbm4b:s3+s2], $0x80, v4, vm0, $0xb8;
	[tilespmem:$0x1E400] =	vst v63  }
0x38c: {  	s30 =	simm.s32 $0x13C00  }
0x38d: {  	[tilespmem:s30], [sflag:$0x2] =	stream.indirect_vreg.gather [hbm4b:s4+s2], $0x80, v4, vm0, $0xb8;
	[tilespmem:$0x1E400] =	vst v63  }
0x38e: {  	s31 =	simm.s32 $0x14400  }
0x38f: {  	[tilespmem:s31], [sflag:$0x2] =	stream.indirect_vreg.gather [hbm4b:s3+s2], $0x80, v3, vm0, $0xb8;
	[tilespmem:$0x1E400] =	vst v63  }
0x390: {  	s1 =	simm.s32 $0x14C00  }
0x391: {  	[tilespmem:s1], [sflag:$0x2] =	stream.indirect_vreg.gather [hbm4b:s4+s2], $0x80, v3, vm0, $0xb8;
	[tilespmem:$0x1E400] =	vst v63  }
0x392: {  	v3 =	vld [tilespmem:$0x378];
	_ =	sdelay $0x4  }
0x393: {  	v59 =	vshll.u32 v3, $0x2  }
0x394: {  	v3 =	vand.u32 $0x7, v3;
	v4 =	vand.u32 $0xFFFFFFE0, v59  }
0x395: {  	v3 =	vor.u32 v3, v4  }
0x396: {  	v4 =	vperm.xlane v3, v0;
	_ =	sdelay $0x1  }
0x397: {  	v4 =	vadd.s32 v1, v4;
	_ =	sdelay $0x1  }
0x398: {  	v3 =	vperm.xlane v3, v2;
	_ =	sdelay $0x1  }
0x399: {  	s9 =	simm.s32 $0x15400;
	v3 =	vadd.s32 v1, v3  }
0x39a: {  	[tilespmem:s9], [sflag:$0x2] =	stream.indirect_vreg.gather [hbm4b:s3+s2], $0x80, v4, vm0, $0xb8;
	[tilespmem:$0x1E400] =	vst v63  }
0x39b: {  	s10 =	simm.s32 $0x15C00  }
0x39c: {  	[tilespmem:s10], [sflag:$0x2] =	stream.indirect_vreg.gather [hbm4b:s4+s2], $0x80, v4, vm0, $0xb8;
	[tilespmem:$0x1E400] =	vst v63  }
0x39d: {  	s11 =	simm.s32 $0x16400  }
0x39e: {  	[tilespmem:s11], [sflag:$0x2] =	stream.indirect_vreg.gather [hbm4b:s3+s2], $0x80, v3, vm0, $0xb8;
	[tilespmem:$0x1E400] =	vst v63  }
0x39f: {  	s12 =	simm.s32 $0x16C00  }
0x3a0: {  	[tilespmem:s12], [sflag:$0x2] =	stream.indirect_vreg.gather [hbm4b:s4+s2], $0x80, v3, vm0, $0xb8;
	[tilespmem:$0x1E400] =	vst v63  }
0x3a1: {  	v3 =	vld [tilespmem:$0x388];
	_ =	sdelay $0x4  }
0x3a2: {  	v60 =	vshll.u32 v3, $0x2  }
0x3a3: {  	v3 =	vand.u32 $0x7, v3;
	v4 =	vand.u32 $0xFFFFFFE0, v60  }
0x3a4: {  	v3 =	vor.u32 v3, v4  }
0x3a5: {  	v4 =	vperm.xlane v3, v0;
	_ =	sdelay $0x1  }
0x3a6: {  	v4 =	vadd.s32 v1, v4;
	_ =	sdelay $0x1  }
0x3a7: {  	v3 =	vperm.xlane v3, v2;
	_ =	sdelay $0x1  }
0x3a8: {  	s13 =	simm.s32 $0x17400;
	v3 =	vadd.s32 v1, v3  }
0x3a9: {  	[tilespmem:s13], [sflag:$0x2] =	stream.indirect_vreg.gather [hbm4b:s3+s2], $0x80, v4, vm0, $0xb8;
	[tilespmem:$0x1E400] =	vst v63  }
0x3aa: {  	s14 =	simm.s32 $0x17C00  }
0x3ab: {  	[tilespmem:s14], [sflag:$0x2] =	stream.indirect_vreg.gather [hbm4b:s4+s2], $0x80, v4, vm0, $0xb8;
	[tilespmem:$0x1E400] =	vst v63  }
0x3ac: {  	s15 =	simm.s32 $0x18400  }
0x3ad: {  	[tilespmem:s15], [sflag:$0x2] =	stream.indirect_vreg.gather [hbm4b:s3+s2], $0x80, v3, vm0, $0xb8;
	[tilespmem:$0x1E400] =	vst v63  }
0x3ae: {  	s16 =	simm.s32 $0x18C00  }
0x3af: {  	[tilespmem:s16], [sflag:$0x2] =	stream.indirect_vreg.gather [hbm4b:s4+s2], $0x80, v3, vm0, $0xb8;
	[tilespmem:$0x1E400] =	vst v63  }
0x3b0: {  	v3 =	vld [tilespmem:$0x398];
	_ =	sdelay $0x4  }
0x3b1: {  	v61 =	vshll.u32 v3, $0x2  }
0x3b2: {  	v3 =	vand.u32 $0x7, v3;
	v4 =	vand.u32 $0xFFFFFFE0, v61  }
0x3b3: {  	v3 =	vor.u32 v3, v4  }
0x3b4: {  	v4 =	vperm.xlane v3, v0;
	_ =	sdelay $0x1  }
0x3b5: {  	v4 =	vadd.s32 v1, v4;
	_ =	sdelay $0x1  }
0x3b6: {  	v3 =	vperm.xlane v3, v2;
	_ =	sdelay $0x1  }
0x3b7: {  	s17 =	simm.s32 $0x19400;
	v3 =	vadd.s32 v1, v3  }
0x3b8: {  	[tilespmem:s17], [sflag:$0x2] =	stream.indirect_vreg.gather [hbm4b:s3+s2], $0x80, v4, vm0, $0xb8;
	[tilespmem:$0x1E400] =	vst v63  }
0x3b9: {  	s20 =	simm.s32 $0x19C00  }
0x3ba: {  	[tilespmem:s20], [sflag:$0x2] =	stream.indirect_vreg.gather [hbm4b:s4+s2], $0x80, v4, vm0, $0xb8;
	[tilespmem:$0x1E400] =	vst v63  }
0x3bb: {  	s21 =	simm.s32 $0x1A400  }
0x3bc: {  	[tilespmem:s21], [sflag:$0x2] =	stream.indirect_vreg.gather [hbm4b:s3+s2], $0x80, v3, vm0, $0xb8;
	[tilespmem:$0x1E400] =	vst v63  }
0x3bd: {  	s22 =	simm.s32 $0x1AC00  }
0x3be: {  	[tilespmem:s22], [sflag:$0x2] =	stream.indirect_vreg.gather [hbm4b:s4+s2], $0x80, v3, vm0, $0xb8;
	[tilespmem:$0x1E400] =	vst v63  }
0x3bf: {  	v3 =	vld [tilespmem:$0x3A8];
	_ =	sdelay $0x4  }
0x3c0: {  	v62 =	vshll.u32 v3, $0x2  }
0x3c1: {  	v3 =	vand.u32 $0x7, v3;
	v4 =	vand.u32 $0xFFFFFFE0, v62  }
0x3c2: {  	v3 =	vor.u32 v3, v4  }
0x3c3: {  	v4 =	vperm.xlane v3, v0;
	_ =	sdelay $0x1  }
0x3c4: {  	v4 =	vadd.s32 v1, v4;
	_ =	sdelay $0x1  }
0x3c5: {  	v3 =	vperm.xlane v3, v2;
	_ =	sdelay $0x1  }
0x3c6: {  	s23 =	simm.s32 $0x1B400;
	v3 =	vadd.s32 v1, v3  }
0x3c7: {  	[tilespmem:s23], [sflag:$0x2] =	stream.indirect_vreg.gather [hbm4b:s3+s2], $0x80, v4, vm0, $0xb8;
	[tilespmem:$0x1E400] =	vst v63  }
0x3c8: {  	s24 =	simm.s32 $0x1BC00  }
0x3c9: {  	[tilespmem:s24], [sflag:$0x2] =	stream.indirect_vreg.gather [hbm4b:s4+s2], $0x80, v4, vm0, $0xb8;
	[tilespmem:$0x1E400] =	vst v63  }
0x3ca: {  	s25 =	simm.s32 $0x1C400  }
0x3cb: {  	[tilespmem:s25], [sflag:$0x2] =	stream.indirect_vreg.gather [hbm4b:s3+s2], $0x80, v3, vm0, $0xb8;
	[tilespmem:$0x1E400] =	vst v63  }
0x3cc: {  	s26 =	simm.s32 $0x1CC00  }
0x3cd: {  	[tilespmem:s26], [sflag:$0x2] =	stream.indirect_vreg.gather [hbm4b:s4+s2], $0x80, v3, vm0, $0xb8;
	[tilespmem:$0x1E400] =	vst v63  }
0x3ce: {  	v3 =	vld.msk [tilespmem:$0x3B8], $0xff;
	_ =	sdelay $0x4  }
0x3cf: {  	v63 =	vshll.u32 v3, $0x2  }
0x3d0: {  	v3 =	vand.u32 $0x7, v3;
	v4 =	vand.u32 $0xFFFFFFE0, v63  }
0x3d1: {  	v3 =	vor.u32 v3, v4  }
0x3d2: {  	v3 =	vperm.xlane v3, v0;
	_ =	sdelay $0x1  }
0x3d3: {  	v3 =	vadd.s32 v1, v3;
	_ =	sdelay $0x3  }
0x3d4: {  	s28 =	simm.s32 $0x1D400  }
0x3d5: {  	[tilespmem:s28], [sflag:$0x2] =	stream.indirect_vreg.gather [hbm4b:s3+s2], $0x80, v3, vm0, $0xb8;
	[tilespmem:$0x1E400] =	vst v63  }
0x3d6: {  	s29 =	simm.s32 $0x1DC00  }
0x3d7: {  	[tilespmem:s29], [sflag:$0x2] =	stream.indirect_vreg.gather [hbm4b:s4+s2], $0x80, v3, vm0, $0xb8;
	[tilespmem:$0x1E400] =	vst v63  }
0x3d8: {  	_ =	swait.ge [sflag:s18], $0xF000  }
0x3d9: {  	[sflag:s18] =	ssyncset.done $0x0  }
0x3da: {  	s8 =	simm.s32 $0x400;
	s30 =	rddreg [dreg:$0x9];
	[sflag:s18] =	ssyncadd.s32 $0xFFFF1000  }
0x3db: {  	[hbm4b:s30+s2] =	stream.linear.scatter [tilespmem:s8], [sflag:$0x3], $0xF000, $0x38;
	[tilespmem:$0x1E400] =	vst v63  }
0x3dc: {  	_ =	swait.ge [sflag:s6], $0xF000  }
0x3dd: {  	[sflag:s6] =	ssyncset.done $0x0  }
0x3de: {  	[sflag:s6] =	ssyncadd.s32 $0xFFFF1000  }
0x3df: {  	_ =	swait.ge [sflag:s19], $0xF000  }
0x3e0: {  	p0 =	sne.s32 s5, $0x1;
	[sflag:s19] =	ssyncset.done $0x0  }
.Ltmp0:
0x3e1: {  	s31 =	rddreg [dreg:$0xa];
	[sflag:s19] =	ssyncadd.s32 $0xFFFF1000;
	(pc) =	sbr.rel @p0 .LBB2_1-.Ltmp0, $4  }
0x3e2: {  	[hbm4b:s31+s2] =	stream.linear.scatter [tilespmem:s7], [sflag:$0x3], $0xF000, $0x38;
	[tilespmem:$0x1E400] =	vst v63  }
0x3e3: {  	_ =	swait.ge [sflag:s6], $0xF000  }
0x3e4: {  	[sflag:s6] =	ssyncset.done $0x0  }
0x3e5: {  	s5 =	sadd.s32 $0xFFFFFFFF, s5;
	[sflag:s6] =	ssyncadd.s32 $0xFFFF1000  }
0x3e6: {  	_ =	sfence.sel $0x180000  }
0x3e7: {  	[bflag:$0x0] =	sbarrier.arrive $0xFFFF  }
0x3e8: {  	_ =	strace $0x9000004A  }
0x3e9: {  	s0 =	stileid.u32;
	[bflag:$0x2] =	sbarrier.arrive $0xFFFF  }
0x3ea: {  	p0 =	sne.s32 s0, $0x0;
	s0 =	rddreg [dreg:$0x1]  }
0x3eb: {  	s0 =	sadd.s32 @!p0 $0x100000, s0  }
0x3ec: {  	[sflag:s0] =	ssyncadd.tile.s32 @!p0 $0x1;
	_ =	shalt  }
.Lfunc_end2:
_tile_overlayer_lowered:
.L_overlay_start_2:
0x3ed: {  	(tag) =	ssettag $0x2  }
0x3ee: {  	s0 =	rddreg [dreg:$0x0];
	s2 =	stileid.u32  }
0x3ef: {  	s1 =	rddreg [dreg:$0x1];
	p0 =	sne.s32 s2, $0x0  }
0x3f0: {  	s3 =	rddreg [dreg:$0x2];
	[bflag:$0x3] =	sbarrier.arrive $0xFFFF;
	s2 =	simm.s32 @!p0 $0x1C03  }
0x3f1: {  	[timem:s3], [sflag:s2] =	dma.local @!p0 [hbm:s0], s1  }
0x3f2: {  	s0 =	simm.s32 @!p0 $0x3  }
0x3f3: {  	_ =	swait.ge @!p0 [sflag:s0], s1  }
0x3f4: {  	s1 =	ssub.s32 @!p0 $0x0, s1;
	[sflag:s0] =	ssyncset.done @!p0 $0x0  }
0x3f5: {  	[sflag:s0] =	ssyncadd.s32 @!p0 s1  }
0x3f6: {  	[bflag:$0x3] =	sbarrier.arrive $0xFFFF  }
0x3f7: {  	_ =	shalt  }

// kernel: kernel.9.cloned.1.call-start
scs
__scs_entry_jumppad:
0x0: {  	(pc) =	sbr.rel $0x88, $3  }
0x1: {  	(tag) =	ssettag $0x0;
	lr =	simm.s32 $0x1  }
0x2: {  	[smem:$0x3F81] =	sst lr;
	_ =	strace $0xD0000000  }
0x3: {  	_ = 	snop  }
0x4: {  	_ = 	snop  }
0x5: {  	_ = 	snop  }
0x6: {  	_ = 	snop  }
0x7: {  	_ = 	snop  }
__scs_overlays_trampoline_lowered:
0x8: {  	[smem:$0x3F90] =	sst s0  }
0x9: {  	[smem:$0x3F91] =	sst s1  }
0xa: {  	[smem:$0x3F92] =	sst s2  }
0xb: {  	[smem:$0x3F93] =	sst s3  }
0xc: {  	[smem:$0x3F94] =	sst s4  }
0xd: {  	[smem:$0x3F95] =	sst s5  }
0xe: {  	[smem:$0x3F96] =	sst s6  }
0xf: {  	[smem:$0x3F97] =	sst s7  }
0x10: {  	[smem:$0x3F98] =	sst s8  }
0x11: {  	[smem:$0x3F99] =	sst s9;
	s0 =	simm.s32 @!p0 $0x0  }
0x12: {  	s1 =	sld [smem:$0x3F7F];
	s0 =	simm.s32 @p0 $0x1  }
0x13: {  	[smem:$0x3F9A] =	sst s0;
	s0 =	simm.s32 @!p1 $0x0  }
0x14: {  	s2 =	sld [smem:$0x3F7E];
	s0 =	simm.s32 @p1 $0x1  }
0x15: {  	[smem:$0x3F9B] =	sst s0;
	s0 =	simm.s32 @!p2 $0x0  }
0x16: {  	s3 =	sld [smem:$0x3FDB];
	s0 =	simm.s32 @p2 $0x1  }
0x17: {  	s4 =	simm.s32 $0x1BF5;
	[smem:$0x3F9D] =	sst s0  }
0x18: {  	s0 =	sld [smem:$0x3F80];
	_ =	swait.ge [sflag:s4], $0x0  }
0x19: {  	s7 =	sld [smem:$0x3F81]  }
0x1a: {  	s8 =	sadd.s32 $0xFFFFE003, lr  }
0x1b: {  	s9 =	sadd.s32 $0xFFFFFEF7, lr;
	s5 =	simm.s32 $0xFFFFFFFF;
	p2 =	slt.u32 s8, $0xFFFFF086  }
0x1c: {  	p1 =	slt.u32 s9, $0xF7A;
	s5 =	simm.s32 @!p2 $0x0  }
0x1d: {  	s5 =	simm.s32 @p1 $0x1;
	p0 =	seq.s32 s7, s2  }
0x1e: {  	s7 =	smul.u32 @!p0 $0xF7A, s2;
	p2 =	seq.s32 @!p0 s5, $0x0  }
0x1f: {  	s9 =	smul.u32 $0xF7A, s1;
	s8 =	simm.s32 @!p0 $0x1BF5;
	p2 =	por !p2, p0  }
0x20: {  	[sflag:s8] =	ssyncset.s32 @!p0 $0xFFFFF086;
	s6 =	sadd.s32 @!p0 s3, s7;
	s7 =	simm.s32 @!p0 $0x108  }
0x21: {  	s3 =	sadd.s32 s3, s9;
	s6 =	sadd.s32 @!p0 $0x88, s6;
	s7 =	simm.s32 @p2 $0x1082  }
0x22: {  	[simem:s7], [sflag:s8] =	dma.local @!p0 [hbm:s6], $0xF7A  }
0x23: {  	s9 =	sor.u32 $0xD0000000, s2;
	s6 =	simm.s32 $0x108;
	_ =	swait.ge @!p0 [sflag:s8], $0x0  }
0x24: {  	s3 =	sadd.s32 $0x88, s3;
	s6 =	simm.s32 @!p1 $0x1082;
	[sflag:s4] =	ssyncset.s32 $0xFFFFF086  }
0x25: {  	[simem:s6], [sflag:s4] =	dma.local [hbm:s3], $0xF7A  }
0x26: {  	[smem:$0x3F81] =	sst s1;
	(tag) =	ssettag s2;
	_ =	strace s9  }
0x27: {  	s1 =	sld [smem:$0x3F91]  }
0x28: {  	s2 =	sld [smem:$0x3F92]  }
0x29: {  	s4 =	sld [smem:$0x3F94]  }
0x2a: {  	p0 =	seq.s32 s5, $0x0;
	s5 =	sld [smem:$0x3F95]  }
0x2b: {  	s6 =	sld [smem:$0x3F96]  }
0x2c: {  	s7 =	sld [smem:$0x3F97]  }
0x2d: {  	s3 =	simm.s32 $0x108;
	s8 =	sld [smem:$0x3F98]  }
0x2e: {  	s3 =	simm.s32 @!p0 $0x1082;
	s9 =	sld [smem:$0x3F99]  }
0x2f: {  	lr =	sadd.s32 s0, s3;
	s0 =	sld [smem:$0x3F90]  }
0x30: {  	s3 =	sld [smem:$0x3F93]  }
0x31: {  	[smem:$0x3F9C] =	sst s10  }
0x32: {  	s10 =	sld [smem:$0x3F9A];
	_ =	sdelay $0x3  }
0x33: {  	p0 =	seq.s32 s10, $0x1;
	s10 =	sld [smem:$0x3F9C];
	_ =	sdelay $0x3  }
0x34: {  	[smem:$0x3F9C] =	sst s10  }
0x35: {  	s10 =	sld [smem:$0x3F9B];
	_ =	sdelay $0x3  }
0x36: {  	p1 =	seq.s32 s10, $0x1;
	s10 =	sld [smem:$0x3F9C];
	_ =	sdelay $0x3  }
0x37: {  	[smem:$0x3F9C] =	sst s10  }
0x38: {  	s10 =	sld [smem:$0x3F9D]  }
0x39: {  	_ = 	snop;
	(pc) =	sbr.ind lr, $3  }
0x3a: {  	_ = 	snop  }
0x3b: {  	_ = 	snop  }
0x3c: {  	p2 =	seq.s32 s10, $0x1;
	s10 =	sld [smem:$0x3F9C]  }
0x3d: {  	_ =	shalt  }
0x3e: {  	_ =	shalt  }
0x3f: {  	_ =	shalt  }
0x40: {  	_ =	shalt  }
0x41: {  	_ =	shalt  }
0x42: {  	_ =	shalt  }
0x43: {  	_ =	shalt  }
0x44: {  	_ =	shalt  }
0x45: {  	_ =	shalt  }
0x46: {  	_ =	shalt  }
0x47: {  	_ =	shalt  }
0x48: {  	_ =	shalt  }
0x49: {  	_ =	shalt  }
0x4a: {  	_ =	shalt  }
0x4b: {  	_ =	shalt  }
0x4c: {  	_ =	shalt  }
0x4d: {  	_ =	shalt  }
0x4e: {  	_ =	shalt  }
0x4f: {  	_ =	shalt  }
0x50: {  	_ =	shalt  }
0x51: {  	_ =	shalt  }
0x52: {  	_ =	shalt  }
0x53: {  	_ =	shalt  }
0x54: {  	_ =	shalt  }
0x55: {  	_ =	shalt  }
0x56: {  	_ =	shalt  }
0x57: {  	_ =	shalt  }
0x58: {  	_ =	shalt  }
0x59: {  	_ =	shalt  }
0x5a: {  	_ =	shalt  }
0x5b: {  	_ =	shalt  }
0x5c: {  	_ =	shalt  }
0x5d: {  	_ =	shalt  }
0x5e: {  	_ =	shalt  }
0x5f: {  	_ =	shalt  }
0x60: {  	_ =	shalt  }
0x61: {  	_ =	shalt  }
0x62: {  	_ =	shalt  }
0x63: {  	_ =	shalt  }
0x64: {  	_ =	shalt  }
0x65: {  	_ =	shalt  }
0x66: {  	_ =	shalt  }
0x67: {  	_ =	shalt  }
0x68: {  	_ =	shalt  }
0x69: {  	_ =	shalt  }
0x6a: {  	_ =	shalt  }
0x6b: {  	_ =	shalt  }
0x6c: {  	_ =	shalt  }
0x6d: {  	_ =	shalt  }
0x6e: {  	_ =	shalt  }
0x6f: {  	_ =	shalt  }
0x70: {  	_ =	shalt  }
0x71: {  	_ =	shalt  }
0x72: {  	_ =	shalt  }
0x73: {  	_ =	shalt  }
0x74: {  	_ =	shalt  }
0x75: {  	_ =	shalt  }
0x76: {  	_ =	shalt  }
0x77: {  	_ =	shalt  }
0x78: {  	_ =	shalt  }
0x79: {  	_ =	shalt  }
0x7a: {  	_ =	shalt  }
0x7b: {  	_ =	shalt  }
0x7c: {  	_ =	shalt  }
0x7d: {  	_ =	shalt  }
0x7e: {  	_ =	shalt  }
0x7f: {  	_ =	shalt  }
0x80: {  	_ =	shalt  }
0x81: {  	_ =	shalt  }
0x82: {  	_ =	shalt  }
0x83: {  	_ =	shalt  }
0x84: {  	_ =	shalt  }
0x85: {  	_ =	shalt  }
0x86: {  	_ =	shalt  }
0x87: {  	_ =	shalt  }
.Lfunc_end0:
.L_simem_size_0:
called_computation_lowered:
.L_overlay_start_0:
0x88: {  	s2 =	sld [smem:$0x3FD9]  }
0x89: {  	s3 =	sld [smem:$0x3FFE];
	_ =	sdelay $0x1  }
0x8a: {  	s1 =	srdreg.scid  }
0x8b: {  	s0 =	sand.u32 $0x1, s1  }
0x8c: {  	s14 =	sshll.u32 s0, $0xA;
	s2 =	sadd.s32 s3, s2  }
0x8d: {  	s2 =	sadd.s32 s2, s14  }
0x8e: {  	[smem:$0x3FA8] =	sst s2  }
0x8f: {  	_ = 	snop  }
0x90: {  	s2 =	sld [smem:$0x3FD0];
	_ =	sdelay $0x2  }
0x91: {  	s15 =	simm.s32 $0xA;
	s4 =	simm.s32 $0x10  }
0x92: {  	[smem:s4], [sflag:s15] =	dma.local [hbm:s2], $0x1  }
0x93: {  	_ =	swait.eq [sflag:s15], $0x1  }
0x94: {  	[sflag:s15] =	ssyncset.done $0x0  }
0x95: {  	s16 =	sld [smem:$0x10];
	[sflag:s15] =	ssyncadd.s32 $0xFFFFFFFF  }
0x96: {  	s17 =	sld [smem:$0x11];
	(tm) =	ssettm $0x1  }
0x97: {  	s18 =	sld [smem:$0x3FFB];
	_ =	sdelay $0x3  }
0x98: {  	_ =	strace s18  }
0x99: {  	s4 =	sld [smem:$0x3FFC];
	_ =	sdelay $0x3  }
0x9a: {  	_ =	strace s4  }
0x9b: {  	s4 =	sld [smem:$0x3FFD];
	_ =	sdelay $0x3  }
0x9c: {  	_ =	strace s4  }
0x9d: {  	_ =	strace $0x8FFFFFFF  }
0x9e: {  	s19 =	sld [smem:$0x3FDB];
	_ =	sdelay $0x1  }
0x9f: {  	s5 =	simm.s32 $_scs_section_size  }
0xa0: {  	s6 =	simm.s32 $_size__tile_overlayer_lowered;
	s7 =	simm.s32 $_tile_overlayer_lowered  }
0xa1: {  	s22 =	simm.s32 $0x1BFF;
	s21 =	sshll.u32 s7, $0x1;
	s4 =	sadd.s32 s5, s19  }
0xa2: {  	s8 =	simm.s32 $0x0;
	s20 =	sshll.u32 s6, $0x1;
	s6 =	sadd.s32 s21, s4  }
0xa3: {  	[timem:s8], [sflag:s22] =	dma.local [hbm:s6], s20  }
0xa4: {  	_ =	swait.ge [sflag:s22], s20  }
0xa5: {  	s5 =	ssub.s32 $0x0, s20;
	[sflag:s22] =	ssyncset.done $0x0  }
0xa6: {  	[sflag:s22] =	ssyncadd.s32 s5;
	_ =	sdelay $0x1  }
0xa7: {  	s23 =	simm.s32 $0x1B8B  }
0xa8: {  	_ =	swait.ge [sflag:s23], $0x1  }
0xa9: {  	[sflag:s23] =	ssyncset.done $0x0  }
0xaa: {  	s25 =	simm.s32 $0x1B8E;
	s24 =	sld [smem:$0x3FFE];
	[sflag:s23] =	ssyncadd.s32 $0xFFFFFFFF  }
0xab: {  	s26 =	simm.s32 $execute0_lowered;
	[smem:$0x3FD2] =	sst s25  }
0xac: {  	s6 =	sshll.u32 s26, $0x1;
	_ =	strace $0x80000046;
	[dreg:$0x1] =	wrdreg $0xFFFFFFFF  }
0xad: {  	s28 =	simm.s32 $_size_execute0_lowered;
	s4 =	sadd.s32 s4, s6;
	[dreg:$0x0] =	wrdreg $0x0  }
0xae: {  	s6 =	sshll.u32 s28, $0x1;
	[dreg:$0x2] =	wrdreg s4  }
0xaf: {  	[dreg:$0x3] =	wrdreg s6  }
0xb0: {  	[dreg:$0x4] =	wrdreg $0xC0  }
0xb1: {  	_ =	task [dreg:s8], $0x5FFFF  }
0xb2: {  	[dreg:$0x1] =	wrdreg $0xFFFFFFFF  }
0xb3: {  	[dreg:$0x0] =	wrdreg $0x60  }
0xb4: {  	[dreg:$0x2] =	wrdreg s24  }
0xb5: {  	[dreg:$0x3] =	wrdreg s16  }
0xb6: {  	[dreg:$0x4] =	wrdreg s17  }
0xb7: {  	[dreg:$0x5] =	wrdreg $0x9  }
0xb8: {  	_ =	task.clear_ibuf [dreg:s8], $0x6FFFF;
	_ =	strace $0x90000046  }
0xb9: {  	s29 =	simm.s32 $0x9;
	_ =	strace $0x80000048  }
0xba: {  	_ =	swait.ge [sflag:s29], $0x1  }
0xbb: {  	[sflag:s29] =	ssyncadd.s32 $0xFFFFFFFF  }
0xbc: {  	_ =	strace $0x90000048  }
0xbd: {  	_ =	sfence  }
0xbe: {  	s30 =	sld [smem:$0x0];
	_ =	sdelay $0x2  }
0xbf: {  	s31 =	sshll.u32 s1, $0xD;
	s1 =	sshrl.u32 s1, $0x2  }
0xc0: {  	s3 =	sand.u32 $0x4000, s31;
	s1 =	sadd.s32 s1, s30  }
0xc1: {  	s0 =	sor.u32 s3, s0;
	s1 =	sshll.u32 s1, $0x11  }
0xc2: {  	s0 =	sor.u32 s1, s0  }
0xc3: {  	s0 =	sadd.s32 $0x8F2B, s0  }
0xc4: {  	[sflag:s0] =	ssyncadd.remote.s32 $0x1  }
0xc5: {  	_ =	sfence.sel $0xFFFF  }
0xc6: {  	[dreg:$0x0] =	wrdreg $0xFFFFFFFF;
	(pc) =	sbr.abs _section_cstart, $3  }
0xc7: {  	[dreg:$0x1] =	wrdreg $0xFFFFFFFF  }
0xc8: {  	_ =	task.clear_ibuf [dreg:s8], $0x2FFFF;
	_ =	strace $0x9FFFFFFF  }
0xc9: {  	(tm) =	ssettm $0x7FFFFFFF  }
tec
execute0_lowered:
.L_overlay_start_1:
0x0: {  	(tag) =	ssettag $0x1  }
0x1: {  	s1 =	stileid.u32  }
0x2: {  	p0 =	sgt.u32 s1, $0x2  }
.Ltmp0:
0x3: {  	s4 =	rddreg [dreg:$0x0];
	(pc) =	sbr.rel @p0 .LBB2_9-.Ltmp0, $4  }
0x4: {  	s6 =	rddreg [dreg:$0x1]  }
0x5: {  	s3 =	rddreg [dreg:$0x2];
	s2 =	simm.s32 $0x0  }
0x6: {  	[smem:$0x7FF] =	sst s2  }
0x7: {  	s0 =	rddreg [dreg:$0x3];
	_ =	strace $0x80000047  }
0x8: {  	s5 =	srdreg.scid  }
0x9: {  	s7 =	sshll.u32 s1, $0x1;
	s5 =	sand.u32 $0x1, s5  }
0xa: {  	s7 =	sor.u32 s5, s7  }
0xb: {  	s11 =	simm.s32 $0xC380;
	s12 =	simm.s32 $0x0;
	s8 =	smul.u32 $0x186A, s7  }
0xc: {  	s10 =	ssub.s32 $0x2, s5;
	s9 =	smul.u32 $0x280, s7;
	s7 =	sshll.u32 s7, $0x1  }
0xd: {  	s31 =	sshrl.u32 s10, $0x1;
	s3 =	sadd.s32 s3, s7;
	s8 =	sadd.s32 s8, s4  }
0xe: {  	s6 =	sadd.s32 s6, s7;
	s9 =	sadd.s32 s9, s4;
	s4 =	sadd.s32 $0x313400, s8  }
0xf: {  	v0 =	vlaneseq.u32;
	s5 =	sadd.s32 $0x31C800, s9;
	s8 =	ssub.s32 s10, s31;
	s9 =	simm.s32 $0x1  }
0x10: {  	v1 =	vimm.s32 $0x0;
	v2 =	vor.u32 $0x1400, v0;
	s10 =	simm.s32 $0xD880;
	s7 =	smax.u32 s8, $0x1;
	s8 =	simm.s32 $0xD800  }
.LBB2_2:
0x11: {  	s13 =	simm.s32 $0x0  }
0x12: {  	[tilespmem:s8], [sflag:$0x1] =	stream.linear.gather [hbm4b:s6+s13], $0x10, $0x38;
	[tilespmem:$0xD900] =	vst v63  }
0x13: {  	_ =	swait.ge [sflag:s9], $0x10  }
0x14: {  	[sflag:s9] =	ssyncset.done $0x0  }
0x15: {  	[sflag:s9] =	ssyncadd.s32 $0xFFFFFFF0  }
0x16: {  	[tilespmem:s10], [sflag:$0x1] =	stream.linear.gather [hbm4b:s3+s13], $0x10, $0x38;
	[tilespmem:$0xD900] =	vst v63  }
0x17: {  	_ =	swait.ge [sflag:s9], $0x10  }
0x18: {  	[sflag:s9] =	ssyncset.done $0x0  }
0x19: {  	[sflag:s9] =	ssyncadd.s32 $0xFFFFFFF0  }
0x1a: {  	[tilespmem:s13], [sflag:$0x1] =	stream.linear.gather [hbm4b:s4+s13], $0xC350, $0x38;
	[tilespmem:$0xD900] =	vst v63  }
0x1b: {  	_ =	swait.ge [sflag:s9], $0xC350  }
0x1c: {  	[sflag:s9] =	ssyncset.done $0x0  }
0x1d: {  	s14 =	simm.s32 $0x0;
	s13 =	simm.s32 $0x40;
	[sflag:s9] =	ssyncadd.s32 $0xFFFF3CB0  }
.LBB2_3:
0x1e: {  	p0 =	sne.s32 s13, $0x4FC0;
	[tilespmem:s14+$0xC380] =	vst v1;
	s14 =	smov.u32 s13;
	s13 =	sadd.s32 $0x40, s13  }
.Ltmp1:
0x1f: {  	(pc) =	sbr.rel @p0 .LBB2_3-.Ltmp1, $2  }
0x20: {  	_ =	sdelay $0x2  }
0x21: {  	s14 =	sshra.s32 s14, $0x2  }
0x22: {  	[tilespmem:s14+$0xC380] =	vst v1;
	s30 =	simm.s32 $0x40  }
0x23: {  	v4 =	vld [tilespmem:s30+$0xFFFFFFD0]  }
0x24: {  	v5 =	vld [tilespmem:s30+$0xFFFFFFF0]  }
0x25: {  	v6 =	vld [tilespmem:s30+$0xFFFFFFC0]  }
0x26: {  	v3 =	vld [tilespmem:$0xD800];
	_ =	sdelay $0x1  }
0x27: {  	v7 =	vshra.s32 v4, $0x1F  }
0x28: {  	v8 =	vshra.s32 v5, $0x1F;
	v7 =	vand.u32 $0x7FFFFFFF, v7  }
0x29: {  	v7 =	vxor.u32 v4, v7;
	v4 =	vand.u32 $0x7FFFFFFF, v8;
	v8 =	vshra.s32 v6, $0x1F  }
0x2a: {  	v9 =	vld [tilespmem:s30+$0xFFFFFFE0];
	vm3 =	veq.s32 v7, v3;
	v10 =	vxor.u32 v5, v4;
	v4 =	vand.u32 $0x7FFFFFFF, v8  }
0x2b: {  	v5 =	vsel vm3, $0x1, v1;
	vm1 =	veq.s32 v10, v3;
	v6 =	vxor.u32 v6, v4  }
0x2c: {  	v4 =	vld [tilespmem:s30+$0x0];
	(xrf0) =	vadd.scan.msk.s32 $0xffff, v5;
	v5 =	vsel vm1, $0x1, v1;
	vm0 =	veq.s32 v6, v3  }
0x2d: {  	(xrf0) =	vadd.scan.msk.s32 $0xffff, v5;
	v5 =	vsel vm0, $0x1, v1  }
0x2e: {  	(xrf0) =	vadd.scan.msk.s32 $0xffff, v5  }
0x2f: {  	v8 =	vld [tilespmem:s30+$0x10];
	v5 =	vshra.s32 v9, $0x1F  }
0x30: {  	v5 =	vand.u32 $0x7FFFFFFF, v5  }
0x31: {  	v11 =	vshra.s32 v4, $0x1F;
	v9 =	vxor.u32 v9, v5  }
0x32: {  	v11 =	vand.u32 $0x7FFFFFFF, v11;
	vm8 =	veq.s32 v9, v3;
	v12, _, _ =	vpop (xrf0)  }
0x33: {  	v11 =	vxor.u32 v4, v11;
	v4 =	vsel vm8, $0x1, v1;
	(v2sf) =	vpush v12, $0xF;
	v13, _, _ =	vpop (xrf0)  }
0x34: {  	v5 =	vshra.s32 v8, $0x1F;
	(xrf0) =	vadd.scan.msk.s32 $0xffff, v4;
	vm2 =	veq.s32 v11, v3;
	(v2sf) =	vpush v13, $0xF;
	v14, _, _ =	vpop (xrf0)  }
0x35: {  	v5 =	vand.u32 $0x7FFFFFFF, v5;
	v4 =	vsel vm2, $0x1, v1;
	(v2sf) =	vpush v14, $0xF  }
0x36: {  	v15 =	vxor.u32 v8, v5;
	(xrf0) =	vadd.scan.msk.s32 $0xffff, v4  }
0x37: {  	vm5 =	veq.s32 v15, v3  }
0x38: {  	v4 =	vsel vm5, $0x1, v1  }
0x39: {  	(xrf0) =	vadd.scan.msk.s32 $0xffff, v4  }
0x3a: {  	v16, _, _ =	vpop (xrf0)  }
0x3b: {  	(v2sf) =	vpush v16, $0xF  }
0x3c: {  	v4 =	vld [tilespmem:$0xD880];
	v17, _, _ =	vpop (xrf0)  }
0x3d: {  	(v2sf) =	vpush v17, $0xF;
	_ =	sdelay $0x1  }
0x3e: {  	s13 =	simm.s32 $0x0;
	v5 =	vld [tilespmem:s30+$0x20];
	v18, _, _ =	vpop (xrf0)  }
0x3f: {  	s21 =	simm.s32 $0xC0;
	v8 =	vadd.s32 s13, v14;
	(v2sf) =	vpush v18, $0xF  }
0x40: {  	v19 =	vld [tilespmem:s21+$0xFFFFFFE0];
	vm4 =	vle.s32 v8, v4  }
0x41: {  	vm6 =	vgt.s32 v6, v3;
	vm0 =	vmand vm0, vm4;
	s31 =	spop (v2sf)  }
0x42: {  	v6 =	vld [tilespmem:s30+$0x30];
	vm0 =	vmor vm6, vm0;
	s15 =	spop (v2sf)  }
0x43: {  	v14 =	vshra.s32 v5, $0x1F;
	v8 =	vsel vm0, $0x1, v1;
	s16 =	spop (v2sf)  }
0x44: {  	(xrf0) =	vadd.scan.msk.s32 $0xffff, v8;
	v8 =	vand.u32 $0x7FFFFFFF, v14;
	s16 =	sadd.s32 $0x0, s16  }
0x45: {  	v24 =	vshra.s32 v19, $0x1F;
	v14 =	vxor.u32 v5, v8;
	v5 =	vadd.s32 s16, v12  }
0x46: {  	v24 =	vand.u32 $0x7FFFFFFF, v24;
	vm6 =	vgt.s32 v7, v3;
	vm4 =	vle.s32 v5, v4  }
0x47: {  	v8 =	vshra.s32 v6, $0x1F;
	vm7 =	veq.s32 v14, v3;
	vm3 =	vmand vm3, vm4  }
0x48: {  	v7 =	vand.u32 $0x7FFFFFFF, v8;
	s14 =	sadd.s32 s16, s31;
	v5 =	vsel vm7, $0x1, v1;
	vm6 =	vmor vm6, vm3  }
0x49: {  	v8 =	vxor.u32 v6, v7;
	v7 =	vadd.s32 s14, v16;
	(xrf0) =	vadd.scan.msk.s32 $0xffff, v5;
	s17 =	spop (v2sf);
	v6 =	vsel vm6, $0x1, v1  }
0x4a: {  	vm9 =	vgt.s32 v15, v3;
	vm11 =	vgt.s32 v11, v3;
	vm10 =	vle.s32 v7, v4;
	s14 =	sadd.s32 s14, s17;
	(xrf0) =	vadd.scan.msk.s32 $0xffff, v6  }
0x4b: {  	vm4 =	veq.s32 v8, v3;
	vm3 =	vgt.s32 v9, v3;
	vm8 =	vmand vm8, vm10;
	s15 =	sadd.s32 s14, s15;
	s18 =	spop (v2sf)  }
0x4c: {  	v5, _, _ =	vpop (xrf0);
	vm3 =	vmor vm3, vm8;
	v6 =	vsel vm4, $0x1, v1;
	v7 =	vadd.s32 s14, v13;
	s19 =	sadd.s32 s15, s18  }
0x4d: {  	(v2sf) =	vpush v5, $0xF;
	vm10 =	vle.s32 v7, v4;
	v7 =	vadd.s32 s19, v18  }
0x4e: {  	v11 =	vsel vm3, $0x1, v1;
	v9 =	vadd.s32 s15, v17;
	s20 =	spop (v2sf);
	(xrf0) =	vadd.scan.msk.s32 $0xffff, v6;
	vm13 =	vle.s32 v7, v4  }
0x4f: {  	vm12 =	vle.s32 v9, v4;
	s14 =	sadd.s32 s19, s20;
	vm1 =	vmand vm1, vm10;
	v6, _, _ =	vpop (xrf0);
	vm5 =	vmand vm5, vm13  }
0x50: {  	v9 =	vld [tilespmem:s21+$0xFFFFFFD0];
	vm8 =	vmand vm2, vm12;
	v7 =	vadd.s32 s14, v6;
	vm2 =	vmor vm9, vm5;
	v12, _, _ =	vpop (xrf0)  }
0x51: {  	(xrf0) =	vadd.scan.msk.s32 $0xffff, v11;
	vm9 =	vgt.s32 v10, v3;
	vm5 =	vmor vm11, vm8;
	(v2sf) =	vpush v12, $0xF  }
0x52: {  	v39 =	vld [tilespmem:s21+$0x10];
	vm9 =	vmor vm9, vm1;
	(v2sf) =	vpush v6, $0xF;
	v6 =	vsel vm5, $0x1, v1  }
0x53: {  	v19 =	vxor.u32 v19, v24;
	s17 =	simm.s32 $0x0;
	s18 =	simm.s32 $0x20;
	vm8 =	vle.s32 v7, v4;
	v7 =	vld [tilespmem:s21+$0xFFFFFFF0];
	v10 =	vsel vm9, $0x1, v1;
	(xrf0) =	vadd.scan.msk.s32 $0xffff, v6  }
0x54: {  	v55 =	vor.u32 s17, v0;
	v60 =	vor.u32 s18, v0;
	vm12 =	veq.s32 v19, v3;
	v40, _, _ =	vpop (xrf0);
	(xrf0) =	vadd.scan.msk.s32 $0xffff, v10  }
0x55: {  	s20 =	simm.s32 $0x50;
	vm1 =	vgt.s32 v14, v3;
	v14 =	vld [tilespmem:s21+$0xFFFFFFC0];
	v41 =	vshra.s32 v9, $0x1F;
	(v2sf) =	vpush v40, $0xF  }
0x56: {  	s19 =	simm.s32 $0x40;
	v58 =	vor.u32 s20, v0;
	vm7 =	vmand vm7, vm8;
	v6 =	vand.u32 $0x7FFFFFFF, v41  }
0x57: {  	v61 =	vor.u32 s19, v0;
	vm7 =	vmor vm1, vm7;
	v22, _, _ =	vpop (xrf0);
	v10 =	vxor.u32 v9, v6  }
0x58: {  	v6 =	vshra.s32 v39, $0x1F;
	v23 =	vshra.s32 v7, $0x1F;
	(v2sf) =	vpush v22, $0xF  }
0x59: {  	v20 =	vld [tilespmem:s21+$0x0];
	vm8 =	veq.s32 v10, v3;
	v23 =	vand.u32 $0x7FFFFFFF, v23;
	v25 =	vand.u32 $0x7FFFFFFF, v6;
	v43, _, _ =	vpop (xrf0)  }
0x5a: {  	v11 =	vld [tilespmem:s21+$0x20];
	v9 =	vsel vm8, $0x1, v1;
	v6 =	vxor.u32 v7, v23;
	v7 =	vshra.s32 v14, $0x1F;
	v26, _, _ =	vpop (xrf0)  }
0x5b: {  	vm1 =	veq.s32 v6, v3;
	v7 =	vand.u32 $0x7FFFFFFF, v7;
	(v2sf) =	vpush v26, $0xF  }
0x5c: {  	(xrf0) =	vadd.scan.msk.s32 $0xffff, v9;
	v27 =	vsel vm1, $0x1, v1;
	v14 =	vxor.u32 v14, v7;
	(v2sf) =	vpush v43, $0xF  }
0x5d: {  	v45 =	vsel vm12, $0x1, v1;
	v15 =	vsel vm2, $0x1, v1;
	(xrf0) =	vadd.scan.msk.s32 $0xffff, v27;
	vm13 =	veq.s32 v14, v3  }
0x5e: {  	v16 =	vxor.u32 v39, v25;
	v9 =	vshra.s32 v20, $0x1F;
	v7 =	vsel vm13, $0x1, v1;
	(xrf0) =	vadd.scan.msk.s32 $0xffff, v15  }
0x5f: {  	v21 =	vshra.s32 v11, $0x1F;
	vm11 =	veq.s32 v16, v3;
	v9 =	vand.u32 $0x7FFFFFFF, v9;
	s22 =	spop (v2sf);
	(xrf0) =	vadd.scan.msk.s32 $0xffff, v7  }
0x60: {  	v44 =	vsel vm7, $0x1, v1;
	v50 =	vsel vm11, $0x1, v1;
	v9 =	vxor.u32 v20, v9;
	s15 =	sadd.s32 $0x0, s22  }
0x61: {  	v15 =	vand.u32 $0x7FFFFFFF, v21;
	vm10 =	veq.s32 v9, v3;
	v46 =	vmov s15;
	(xrf0) =	vadd.scan.msk.s32 $0xffff, v44  }
0x62: {  	v7 =	vxor.u32 v11, v15;
	v15 =	vmov s13;
	v20 =	vadd.s32 $0xFFFFFFFF, v46;
	v11, _, _ =	vpop (xrf0);
	s23 =	spop (v2sf)  }
0x63: {  	v15 =	vadd.s32 $0xFFFFFFFF, v15;
	(xrf0) =	vadd.scan.msk.s32 $0xffff, v45;
	v20 =	vbroadcast v20, $0x0;
	(v2sf) =	vpush v11, $0xF;
	v47, _, _ =	vpop (xrf0);
	s24 =	spop (v2sf)  }
0x64: {  	v48 =	vsel vm10, $0x1, v1;
	v15 =	vbroadcast v15, $0x0;
	(v2sf) =	vpush v47, $0xF;
	v49, _, _ =	vpop (xrf0);
	s13 =	sadd.s32 s14, s24;
	s25 =	spop (v2sf)  }
0x65: {  	(xrf0) =	vadd.scan.msk.s32 $0xffff, v48;
	v12 =	vadd.s32 v12, v20;
	v51, _, _ =	vpop (xrf0);
	(v2sf) =	vpush v49, $0xF;
	v17 =	vadd.s32 s13, v40;
	s13 =	sadd.s32 s13, s25  }
0x66: {  	v13 =	vld [tilespmem:s21+$0x30];
	v5 =	vadd.s32 v5, v15;
	(v2sf) =	vpush v51, $0xF;
	v15 =	vadd.s32 s13, v51  }
0x67: {  	v12 =	vsel vm6, v12, v2;
	v53 =	vsel vm0, v5, v2;
	v52, _, _ =	vpop (xrf0);
	vm6 =	vle.s32 v15, v4  }
0x68: {  	(xrf0) =	vadd.scan.msk.s32 $0xffff, v50;
	vm0 =	vgt.s32 v14, v3;
	s15 =	sadd.s32 s15, s23;
	(v2sf) =	vpush v52, $0xF;
	vm6 =	vmand vm13, vm6  }
0x69: {  	s28 =	spop (v2sf);
	v15, _, _ =	vpop (xrf0);
	vm0 =	vmor vm0, vm6;
	vm6 =	vgt.s32 v8, v3;
	v8 =	vmov s15  }
0x6a: {  	s14 =	sadd.s32 s15, s28;
	(v2sf) =	vpush v15, $0xF;
	v14 =	vsel vm0, $0x1, v1;
	v8 =	vadd.s32 $0xFFFFFFFF, v8;
	s29 =	spop (v2sf)  }
0x6b: {  	v42 =	vshra.s32 v13, $0x1F;
	v56 =	vmov s14;
	v54, _, _ =	vpop (xrf0);
	(xrf0) =	vadd.scan.msk.s32 $0xffff, v14;
	v8 =	vbroadcast v8, $0x0;
	s14 =	sadd.s32 s14, s29;
	s30 =	spop (v2sf)  }
0x6c: {  	v18 =	vand.u32 $0x7FFFFFFF, v42;
	s22 =	simm.s32 $0x30;
	(v2sf) =	vpush v54, $0xF;
	v28 =	vmov s14;
	s14 =	sadd.s32 s14, s30  }
0x6d: {  	v59 =	vor.u32 s22, v0;
	v22 =	vadd.s32 v22, v8;
	v8 =	vmov s14  }
0x6e: {  	v5 =	vxor.u32 v13, v18;
	vm14 =	vle.s32 v17, v4;
	v14, _, _ =	vpop (xrf0);
	v8 =	vadd.s32 $0xFFFFFFFF, v8  }
0x6f: {  	s26 =	simm.s32 $0x10;
	vm4 =	vmand vm4, vm14;
	v27 =	vadd.s32 $0xFFFFFFFF, v56;
	(v2sf) =	vpush v14, $0xF  }
0x70: {  	v13 =	vor.u32 s26, v0;
	v27 =	vbroadcast v27, $0x0;
	vm6 =	vmor vm6, vm4  }
0x71: {  	vm14 =	vgt.s32 v16, v3;
	v57 =	vsel vm6, $0x1, v1;
	v29 =	vbroadcast v8, $0x0;
	v8, _, _ =	vpop (xrf0)  }
0x72: {  	v26 =	vadd.s32 v26, v27;
	v28 =	vadd.s32 $0xFFFFFFFF, v28;
	s31 =	spop (v2sf);
	(xrf0) =	vadd.scan.msk.s32 $0xffff, v57;
	(v2sf) =	vpush v8, $0xF  }
0x73: {  	v26 =	vsel vm9, v26, v2;
	vm9 =	veq.s32 v7, v3;
	v28 =	vbroadcast v28, $0x0;
	s21 =	spop (v2sf)  }
0x74: {  	vm13 =	vgt.s32 v9, v3;
	vm4 =	vgt.s32 v10, v3;
	v10 =	vsel vm9, $0x1, v1;
	s23 =	spop (v2sf)  }
0x75: {  	v22 =	vsel vm3, v22, v2;
	v23 =	vadd.s32 v43, v28;
	v25 =	vadd.s32 v49, v29;
	s24 =	spop (v2sf)  }
0x76: {  	vm3 =	veq.s32 v5, v3;
	v23 =	vsel vm5, v23, v2;
	s14 =	sadd.s32 s14, s23;
	v25 =	vsel vm2, v25, v2;
	s13 =	sadd.s32 s13, s24  }
0x77: {  	vm2 =	vgt.s32 v19, v3;
	v62 =	vmov s14;
	s25 =	spop (v2sf);
	v11 =	vadd.s32 s13, v11;
	s13 =	sadd.s32 s13, s31  }
0x78: {  	(xrf0) =	vadd.scan.msk.s32 $0xffff, v10;
	s18 =	sadd.s32 s14, s25;
	vm5 =	vle.s32 v11, v4;
	v11 =	vadd.s32 $0xFFFFFFFF, v62;
	v15 =	vadd.s32 s13, v15;
	v10, _, _ =	vpop (xrf0)  }
0x79: {  	[tilespmem:v12+s11+$0x0] =	vst.idx.msk $0xffff, v13;
	v13 =	vmov s18;
	vm5 =	vmand vm8, vm5;
	s26 =	spop (v2sf);
	(v2sf) =	vpush v10, $0xF  }
0x7a: {  	vm8 =	vle.s32 v15, v4;
	v11 =	vbroadcast v11, $0x0;
	vm5 =	vmor vm4, vm5;
	s13 =	sadd.s32 s13, s26  }
0x7b: {  	[tilespmem:v53+s11+$0x0] =	vst.idx.msk $0xffff, v55;
	vm4 =	vmand vm12, vm8;
	v15 =	vsel vm5, $0x1, v1;
	s29 =	spop (v2sf);
	s28 =	sadd.s32 s13, s21;
	v12 =	vadd.s32 s13, v47  }
0x7c: {  	v63 =	vsel vm3, $0x1, v1;
	v13 =	vadd.s32 $0xFFFFFFFF, v13;
	vm4 =	vmor vm2, vm4;
	(xrf0) =	vadd.scan.msk.s32 $0xffff, v15;
	s30 =	sadd.s32 s28, s29  }
0x7d: {  	[tilespmem:v26+s11+$0x0] =	vst.idx.msk $0xffff, v59;
	v15 =	vadd.s32 v52, v11;
	v11 =	vbroadcast v13, $0x0;
	v9 =	vadd.s32 s30, v14  }
0x7e: {  	v18 =	vadd.s32 s28, v54;
	vm8 =	vle.s32 v12, v4;
	s31 =	spop (v2sf);
	v12, _, _ =	vpop (xrf0);
	vm2 =	vle.s32 v9, v4;
	(xrf0) =	vadd.scan.msk.s32 $0xffff, v63  }
0x7f: {  	[tilespmem:v22+s11+$0x0] =	vst.idx.msk $0xffff, v60;
	vm12 =	vle.s32 v18, v4;
	v14 =	vsel vm4, $0x1, v1;
	s19 =	sadd.s32 s30, s31;
	vm2 =	vmand vm11, vm2  }
0x80: {  	s16 =	simm.s32 $0x8;
	s17 =	simm.s32 $0x140;
	[tilespmem:v23+s11+$0x0] =	vst.idx.msk $0xffff, v61;
	vm12 =	vmand vm10, vm12;
	v9 =	vadd.s32 s19, v12;
	vm2 =	vmor vm14, vm2  }
0x81: {  	s15 =	simm.s32 $0x70;
	s14 =	simm.s32 $0x70;
	[tilespmem:v25+s11+$0x0] =	vst.idx.msk $0xffff, v58;
	vm10 =	vle.s32 v9, v4;
	v9 =	vsel vm7, v15, v2;
	v13 =	vsel vm2, $0x1, v1;
	s20 =	spop (v2sf)  }
.LBB2_5:
0x82: {  	v15 =	vld [tilespmem:s17+$0xFFFFFFD0];
	s16 =	sadd.s32 $0x8, s16;
	vm7 =	vgt.s32 v6, v3;
	vm1 =	vmand vm1, vm8;
	vm8 =	vmor vm13, vm12;
	v20, _, _ =	vpop (xrf0);
	s14 =	sadd.s32 $0x80, s14;
	s13 =	simm.s32 $0xC300  }
0x83: {  	v10 =	vadd.s32 v10, v11;
	v17 =	vld [tilespmem:s17+$0x30];
	p0 =	slt.u32 s16, $0xC28;
	v6 =	vsel vm8, $0x1, v1;
	(v2sf) =	vpush v20, $0xF;
	(xrf0) =	vadd.scan.msk.s32 $0xffff, v14  }
0x84: {  	s21 =	sadd.s32 $0xFFFFFFF0, s15;
	vm11 =	vmor vm7, vm1;
	v18 =	vld [tilespmem:s17+$0x20];
	(xrf0) =	vadd.scan.msk.s32 $0xffff, v6;
	(v2sf) =	vpush v12, $0xF;
	v21, _, _ =	vpop (xrf0);
	v6 =	vsel vm6, v10, v2  }
0x85: {  	v11 =	vor.u32 s21, v0;
	v10 =	vsel vm11, $0x1, v1;
	v16 =	vld [tilespmem:s17+$0x10];
	(v2sf) =	vpush v21, $0xF  }
0x86: {  	v22 =	vld [tilespmem:s17+$0xFFFFFFF0];
	(xrf0) =	vadd.scan.msk.s32 $0xffff, v10;
	[tilespmem:v9+s11+$0x0] =	vst.idx.msk $0xffff, v11  }
0x87: {  	v12 =	vor.u32 s15, v0;
	s15 =	smov.u32 s14;
	v9 =	vshra.s32 v15, $0x1F;
	v11 =	vld [tilespmem:s17+$0xFFFFFFE0]  }
0x88: {  	vm1 =	vgt.s32 v7, v3;
	v9 =	vand.u32 $0x7FFFFFFF, v9;
	v23 =	vld [tilespmem:s17+$0x0];
	v24 =	vshra.s32 v17, $0x1F;
	s21 =	spop (v2sf)  }
0x89: {  	vm6 =	vmand vm9, vm10;
	v7 =	vld [tilespmem:s17+$0xFFFFFFC0];
	v10 =	vxor.u32 v15, v9;
	v15 =	vshra.s32 v18, $0x1F;
	v14, _, _ =	vpop (xrf0);
	[tilespmem:v6+s11+$0x0] =	vst.idx.msk $0xffff, v12;
	s18 =	sadd.s32 s18, s21  }
0x8a: {  	vm7 =	vmor vm1, vm6;
	vm10 =	veq.s32 v10, v3;
	v6 =	vshra.s32 v16, $0x1F;
	v12, _, _ =	vpop (xrf0)  }
0x8b: {  	v9 =	vsel vm10, $0x1, v1;
	v28 =	vshra.s32 v22, $0x1F;
	(v2sf) =	vpush v14, $0xF  }
0x8c: {  	v27 =	vand.u32 $0x7FFFFFFF, v6;
	v25 =	vshra.s32 v11, $0x1F;
	v26 =	vand.u32 $0x7FFFFFFF, v28;
	v19, _, _ =	vpop (xrf0)  }
0x8d: {  	v25 =	vand.u32 $0x7FFFFFFF, v25;
	v6 =	vxor.u32 v22, v26;
	v22 =	vshra.s32 v23, $0x1F;
	(xrf0) =	vadd.scan.msk.s32 $0xffff, v9  }
0x8e: {  	v9 =	vshra.s32 v7, $0x1F;
	vm1 =	veq.s32 v6, v3;
	v22 =	vand.u32 $0x7FFFFFFF, v22  }
0x8f: {  	v26 =	vand.u32 $0x7FFFFFFF, v9;
	v28 =	vsel vm1, $0x1, v1;
	v9 =	vxor.u32 v23, v22  }
0x90: {  	v11 =	vxor.u32 v11, v25;
	v22 =	vxor.u32 v7, v26;
	(xrf0) =	vadd.scan.msk.s32 $0xffff, v28;
	(v2sf) =	vpush v19, $0xF  }
0x91: {  	v16 =	vxor.u32 v16, v27;
	vm6 =	veq.s32 v22, v3;
	(v2sf) =	vpush v12, $0xF  }
0x92: {  	v7 =	vand.u32 $0x7FFFFFFF, v15;
	v15 =	vsel vm7, $0x1, v1;
	v23 =	vsel vm6, $0x1, v1;
	s21 =	spop (v2sf);
	(xrf0) =	vadd.scan.msk.s32 $0xffff, v13  }
0x93: {  	vm13 =	veq.s32 v11, v3;
	v7 =	vxor.u32 v18, v7;
	v13 =	vmov s18;
	(xrf0) =	vadd.scan.msk.s32 $0xffff, v23;
	v18, _, _ =	vpop (xrf0);
	s22 =	spop (v2sf)  }
0x94: {  	s20 =	sadd.s32 s18, s20;
	v23 =	vsel vm13, $0x1, v1;
	v13 =	vadd.s32 $0xFFFFFFFF, v13;
	(v2sf) =	vpush v18, $0xF;
	s18 =	sadd.s32 s19, s22;
	(xrf0) =	vadd.scan.msk.s32 $0xffff, v15;
	s19 =	spop (v2sf)  }
0x95: {  	v13 =	vbroadcast v13, $0x0;
	(xrf0) =	vadd.scan.msk.s32 $0xffff, v23;
	v23 =	vmov s20;
	v21 =	vadd.s32 s18, v21;
	s18 =	sadd.s32 s18, s19  }
0x96: {  	vm12 =	veq.s32 v9, v3;
	v15, _, _ =	vpop (xrf0);
	v23 =	vadd.s32 $0xFFFFFFFF, v23;
	vm9 =	vle.s32 v21, v4  }
0x97: {  	v27 =	vsel vm12, $0x1, v1;
	(v2sf) =	vpush v15, $0xF;
	v23 =	vbroadcast v23, $0x0  }
0x98: {  	v24 =	vand.u32 $0x7FFFFFFF, v24;
	vm14 =	veq.s32 v16, v3;
	v8 =	vadd.s32 v8, v13;
	(xrf0) =	vadd.scan.msk.s32 $0xffff, v27;
	v21, _, _ =	vpop (xrf0)  }
0x99: {  	v26 =	vsel vm14, $0x1, v1;
	v25, _, _ =	vpop (xrf0);
	v20 =	vadd.s32 v20, v23;
	(v2sf) =	vpush v21, $0xF  }
0x9a: {  	v27 =	vadd.s32 s18, v25;
	(v2sf) =	vpush v25, $0xF;
	(xrf0) =	vadd.scan.msk.s32 $0xffff, v26;
	v20 =	vsel vm5, v20, v2;
	s19 =	spop (v2sf);
	v13, _, _ =	vpop (xrf0)  }
0x9b: {  	v8 =	vsel vm0, v8, v2;
	vm5 =	vle.s32 v27, v4;
	v23, _, _ =	vpop (xrf0);
	(v2sf) =	vpush v13, $0xF  }
0x9c: {  	s22 =	sadd.s32 $0xFFFFFFA0, s14;
	vm0 =	vgt.s32 v22, v3;
	vm5 =	vmand vm6, vm5;
	(v2sf) =	vpush v23, $0xF  }
0x9d: {  	s23 =	sadd.s32 $0xFFFFFF90, s14;
	v17 =	vxor.u32 v17, v24;
	v22 =	vor.u32 s22, v0;
	vm0 =	vmor vm0, vm5  }
0x9e: {  	s20 =	sadd.s32 s20, s21;
	v26 =	vor.u32 s23, v0;
	vm5 =	vgt.s32 v5, v3;
	v24 =	vsel vm0, $0x1, v1;
	v25, _, _ =	vpop (xrf0)  }
0x9f: {  	vm3 =	vmand vm3, vm9;
	s19 =	sadd.s32 s20, s19;
	v5 =	vmovc v17;
	(xrf0) =	vadd.scan.msk.s32 $0xffff, v24;
	(v2sf) =	vpush v25, $0xF;
	v24 =	vmov s20;
	s20 =	spop (v2sf)  }
0xa0: {  	vm6 =	vmor vm5, vm3;
	v17, _, _ =	vpop (xrf0);
	[tilespmem:v8+s11+$0x0] =	vst.idx.msk $0xffff, v26;
	v8 =	vadd.s32 $0xFFFFFFFF, v24;
	v24 =	vmov s19;
	s19 =	sadd.s32 s19, s20;
	s20 =	spop (v2sf)  }
0xa1: {  	(v2sf) =	vpush v17, $0xF;
	[tilespmem:v20+s11+$0x0] =	vst.idx.msk $0xffff, v22;
	v8 =	vbroadcast v8, $0x0;
	s20 =	sadd.s32 s19, s20;
	v20 =	vsel vm6, $0x1, v1  }
0xa2: {  	v22 =	vadd.s32 $0xFFFFFFFF, v24;
	v24 =	vmov s19;
	v26 =	vmov s20  }
0xa3: {  	v22 =	vbroadcast v22, $0x0;
	v24 =	vadd.s32 $0xFFFFFFFF, v24;
	s19 =	spop (v2sf);
	v26 =	vadd.s32 $0xFFFFFFFF, v26;
	(xrf0) =	vadd.scan.msk.s32 $0xffff, v20  }
0xa4: {  	s21 =	sadd.s32 $0xFFFFFFE0, s14;
	v14 =	vadd.s32 v14, v8;
	v20 =	vbroadcast v24, $0x0;
	v24 =	vbroadcast v26, $0x0  }
0xa5: {  	v14 =	vsel vm4, v14, v2;
	v19 =	vadd.s32 v19, v22;
	v22 =	vor.u32 s21, v0;
	v8, _, _ =	vpop (xrf0)  }
0xa6: {  	s22 =	sadd.s32 $0xFFFFFFC0, s14;
	v19 =	vsel vm11, v19, v2;
	v12 =	vadd.s32 v12, v20;
	(v2sf) =	vpush v8, $0xF;
	s21 =	spop (v2sf)  }
0xa7: {  	s23 =	sadd.s32 $0xFFFFFFB0, s14;
	v20 =	vor.u32 s22, v0;
	s22 =	sadd.s32 $0xFFFFFFD0, s14;
	v12 =	vsel vm8, v12, v2;
	v21 =	vadd.s32 v21, v24  }
0xa8: {  	v24 =	vor.u32 s23, v0;
	v26 =	vor.u32 s22, v0;
	v21 =	vsel vm2, v21, v2;
	s22 =	spop (v2sf)  }
0xa9: {  	vm9 =	veq.s32 v7, v3;
	vm5 =	vgt.s32 v10, v3;
	vm3 =	veq.s32 v5, v3;
	s23 =	spop (v2sf);
	s20 =	sadd.s32 s20, s22;
	v10, _, _ =	vpop (xrf0)  }
0xaa: {  	vm2 =	vgt.s32 v16, v3;
	v16 =	vsel vm9, $0x1, v1;
	s18 =	sadd.s32 s18, s23;
	[tilespmem:v14+s11+$0x0] =	vst.idx.msk $0xffff, v24;
	v14 =	vmov s20;
	s22 =	spop (v2sf)  }
0xab: {  	vm4 =	vgt.s32 v11, v3;
	v18 =	vadd.s32 s18, v18;
	s18 =	sadd.s32 s18, s19;
	s19 =	spop (v2sf);
	(xrf0) =	vadd.scan.msk.s32 $0xffff, v16;
	v11 =	vadd.s32 $0xFFFFFFFF, v14  }
0xac: {  	v16 =	vsel vm3, $0x1, v1;
	vm8 =	vle.s32 v18, v4;
	v14 =	vadd.s32 s18, v23;
	s19 =	sadd.s32 s18, s19;
	[tilespmem:v12+s11+$0x0] =	vst.idx.msk $0xffff, v26;
	s18 =	sadd.s32 s20, s22  }
0xad: {  	vm8 =	vmand vm10, vm8;
	vm10 =	vle.s32 v14, v4;
	s20 =	sadd.s32 s19, s21;
	[tilespmem:v19+s11+$0x0] =	vst.idx.msk $0xffff, v20;
	(v2sf) =	vpush v10, $0xF  }
0xae: {  	v14 =	vmov s18;
	vm5 =	vmor vm5, vm8;
	vm10 =	vmand vm13, vm10;
	s21 =	spop (v2sf);
	[tilespmem:v21+s11+$0x0] =	vst.idx.msk $0xffff, v22  }
0xaf: {  	v15 =	vadd.s32 s19, v15;
	v18 =	vadd.s32 s20, v25;
	v19 =	vsel vm5, $0x1, v1;
	s19 =	sadd.s32 s20, s21  }
0xb0: {  	vm8 =	vle.s32 v15, v4;
	vm13 =	vgt.s32 v9, v3;
	vm11 =	vle.s32 v18, v4;
	(xrf0) =	vadd.scan.msk.s32 $0xffff, v19;
	s20 =	spop (v2sf)  }
.Ltmp2:
0xb1: {  	v11 =	vbroadcast v11, $0x0;
	vm4 =	vmor vm4, vm10;
	v9 =	vadd.s32 s19, v17;
	s19 =	sadd.s32 s19, s20;
	v12, _, _ =	vpop (xrf0);
	(pc) =	sbr.rel @p0 .LBB2_5-.Ltmp2, $4  }
0xb2: {  	v15 =	vadd.s32 $0xFFFFFFFF, v14;
	vm10 =	vle.s32 v9, v4;
	v9 =	vadd.s32 s19, v12;
	(xrf0) =	vadd.scan.msk.s32 $0xffff, v16  }
0xb3: {  	v14 =	vsel vm4, $0x1, v1;
	vm12 =	vmand vm12, vm11;
	vm10 =	vmand vm14, vm10  }
0xb4: {  	v16 =	vadd.s32 v13, v11;
	v11 =	vbroadcast v15, $0x0;
	vm2 =	vmor vm2, vm10  }
0xb5: {  	s17 =	sadd.s32 $0x80, s17;
	vm10 =	vle.s32 v9, v4;
	v9 =	vsel vm7, v16, v2;
	v13 =	vsel vm2, $0x1, v1;
	s20 =	spop (v2sf)  }
0xb6: {  	v15, _, _ =	vpop (xrf0)  }
0xb7: {  	(v2sf) =	vpush v15, $0xF  }
0xb8: {  	(v2sf) =	vpush v12, $0xF;
	_ =	sdelay $0x2  }
0xb9: {  	vm7 =	vgt.s32 v6, v3;
	vm1 =	vmand vm1, vm8;
	vm12 =	vmor vm13, vm12;
	(xrf0) =	vadd.scan.msk.s32 $0xffff, v14  }
0xba: {  	v6 =	vsel vm12, $0x1, v1;
	vm7 =	vmor vm7, vm1  }
0xbb: {  	(xrf0) =	vadd.scan.msk.s32 $0xffff, v6;
	v6 =	vsel vm7, $0x1, v1  }
0xbc: {  	(xrf0) =	vadd.scan.msk.s32 $0xffff, v6;
	_ =	sdelay $0x1  }
0xbd: {  	vm13 =	vgt.s32 v7, v3;
	vm9 =	vmand vm9, vm10;
	v6, _, _ =	vpop (xrf0)  }
0xbe: {  	vm1 =	vmor vm13, vm9;
	(v2sf) =	vpush v6, $0xF;
	v7, _, _ =	vpop (xrf0)  }
0xbf: {  	v41 =	vsel vm1, $0x1, v1;
	(xrf0) =	vadd.scan.msk.s32 $0xffff, v13;
	(v2sf) =	vpush v7, $0xF  }
0xc0: {  	(xrf0) =	vadd.scan.msk.s32 $0xffff, v41;
	v42, _, _ =	vpop (xrf0)  }
0xc1: {  	v43, _, _ =	vpop (xrf0)  }
0xc2: {  	s17 =	spop (v2sf);
	(v2sf) =	vpush v43, $0xF  }
0xc3: {  	(v2sf) =	vpush v42, $0xF;
	s21 =	spop (v2sf)  }
0xc4: {  	s16 =	spop (v2sf)  }
0xc5: {  	v44, _, _ =	vpop (xrf0);
	s16 =	sadd.s32 s19, s16  }
0xc6: {  	v16, _, _ =	vpop (xrf0);
	(v2sf) =	vpush v44, $0xF;
	v6 =	vadd.s32 s16, v6  }
0xc7: {  	(v2sf) =	vpush v16, $0xF;
	vm14 =	vle.s32 v6, v4  }
0xc8: {  	vm15 =	vgt.s32 v5, v3;
	vm3 =	vmand vm3, vm14  }
0xc9: {  	vm3 =	vmor vm15, vm3  }
0xca: {  	v5 =	vsel vm3, $0x1, v1  }
0xcb: {  	(xrf0) =	vadd.scan.msk.s32 $0xffff, v5  }
0xcc: {  	s17 =	sadd.s32 s18, s17  }
0xcd: {  	s30 =	sadd.s32 $0xFFFFFFF0, s15;
	v52 =	vor.u32 s15, v0;
	s18 =	sadd.s32 s17, s20;
	v6 =	vmov s17;
	s17 =	spop (v2sf)  }
0xce: {  	v18 =	vor.u32 s30, v0;
	v45 =	vmov s18;
	s18 =	sadd.s32 s18, s21;
	v6 =	vadd.s32 $0xFFFFFFFF, v6;
	s29 =	spop (v2sf)  }
0xcf: {  	v46 =	vmov s18;
	v6 =	vbroadcast v6, $0x0;
	s18 =	sadd.s32 s18, s29;
	v5 =	vadd.s32 v10, v11  }
0xd0: {  	v10 =	vadd.s32 $0xFFFFFFFF, v45;
	v11 =	vadd.s32 $0xFFFFFFFF, v46;
	v17 =	vmov s18  }
0xd1: {  	v6 =	vadd.s32 v8, v6;
	v5 =	vsel vm6, v5, v2;
	v10 =	vbroadcast v10, $0x0;
	s31 =	spop (v2sf);
	v49, _, _ =	vpop (xrf0)  }
0xd2: {  	v47 =	vbroadcast v11, $0x0;
	v48 =	vadd.s32 $0xFFFFFFFF, v17;
	s18 =	sadd.s32 s18, s31;
	s20 =	spop (v2sf);
	(v2sf) =	vpush v49, $0xF  }
0xd3: {  	v6 =	vsel vm0, v6, v2;
	v11 =	vbroadcast v48, $0x0;
	v10 =	vadd.s32 v15, v10;
	s19 =	sadd.s32 s18, s20  }
0xd4: {  	v50 =	vmov s18;
	v7 =	vadd.s32 v7, v47;
	v51 =	vmov s19  }
0xd5: {  	v15 =	vadd.s32 $0xFFFFFFFF, v50;
	v11 =	vadd.s32 v43, v11;
	v10 =	vsel vm5, v10, v2;
	s21 =	spop (v2sf)  }
0xd6: {  	s14 =	sadd.s32 $0x80, s14;
	v7 =	vsel vm4, v7, v2;
	v8 =	vadd.s32 $0xFFFFFFFF, v51;
	v15 =	vbroadcast v15, $0x0;
	s15 =	sadd.s32 s19, s21;
	s22 =	spop (v2sf)  }
0xd7: {  	s23 =	sadd.s32 $0xFFFFFF90, s14;
	v11 =	vsel vm7, v11, v2;
	v8 =	vbroadcast v8, $0x0;
	v53 =	vmov s15;
	s15 =	sadd.s32 s15, s22  }
0xd8: {  	[tilespmem:v5+s11+$0x0] =	vst.idx.msk $0xffff, v52;
	v5 =	vor.u32 s23, v0;
	v54 =	vadd.s32 $0xFFFFFFFF, v53;
	v55 =	vmov s15  }
0xd9: {  	v13 =	vadd.s32 v42, v15;
	v57 =	vbroadcast v54, $0x0;
	v58 =	vadd.s32 $0xFFFFFFFF, v55  }
0xda: {  	s24 =	sadd.s32 $0xFFFFFFA0, s14;
	[tilespmem:v9+s11+$0x0] =	vst.idx.msk $0xffff, v18;
	v8 =	vadd.s32 v44, v8;
	v56 =	vsel vm12, v13, v2;
	v59 =	vbroadcast v58, $0x0  }
0xdb: {  	s25 =	sadd.s32 $0xFFFFFFB0, s14;
	[tilespmem:v6+s11+$0x0] =	vst.idx.msk $0xffff, v5;
	v5 =	vor.u32 s24, v0;
	v6 =	vsel vm2, v8, v2;
	v60 =	vadd.s32 v16, v57  }
0xdc: {  	s28 =	sadd.s32 $0xFFFFFFC0, s14;
	[tilespmem:v10+s11+$0x0] =	vst.idx.msk $0xffff, v5;
	v5 =	vor.u32 s25, v0;
	v8 =	vsel vm1, v60, v2;
	v61 =	vadd.s32 v49, v59  }
0xdd: {  	s26 =	sadd.s32 $0xFFFFFFD0, s14;
	[tilespmem:v7+s11+$0x0] =	vst.idx.msk $0xffff, v5;
	v7 =	vor.u32 s28, v0;
	v5 =	vsel vm3, v61, v2  }
0xde: {  	v62 =	vor.u32 s26, v0;
	s29 =	sadd.s32 $0xFFFFFFE0, s14;
	[tilespmem:v11+s11+$0x0] =	vst.idx.msk $0xffff, v7  }
0xdf: {  	s30 =	sadd.s32 $0xFFFFFFF0, s14;
	v63 =	vor.u32 s29, v0;
	[tilespmem:v56+s11+$0x0] =	vst.idx.msk $0xffff, v62  }
0xe0: {  	[tilespmem:v6+s11+$0x0] =	vst.idx.msk $0xffff, v63;
	v6 =	vor.u32 s30, v0  }
0xe1: {  	[tilespmem:v8+s11+$0x0] =	vst.idx.msk $0xffff, v6;
	v6 =	vor.u32 s14, v0;
	s31 =	spop (v2sf)  }
0xe2: {  	s14 =	sadd.s32 s16, s17;
	s16 =	simm.s32 $0xC300;
	[tilespmem:v5+s11+$0x0] =	vst.idx.msk $0xffff, v6;
	s15 =	sadd.s32 s15, s31  }
.LBB2_7:
0xe3: {  	v5 =	vld [tilespmem:s13+$0x0];
	_ =	sdelay $0x4  }
0xe4: {  	v6 =	vshra.s32 v5, $0x1F  }
0xe5: {  	v6 =	vand.u32 $0x7FFFFFFF, v6  }
0xe6: {  	v5 =	vxor.u32 v5, v6  }
0xe7: {  	vm0 =	veq.s32 v5, v3  }
0xe8: {  	v6 =	vsel vm0, $0x1, v1  }
0xe9: {  	(xrf0) =	vadd.scan.msk.s32 $0xffff, v6;
	_ =	sdelay $0x5  }
0xea: {  	v6, _, _ =	vpop (xrf0)  }
0xeb: {  	v7 =	vadd.s32 s14, v6  }
0xec: {  	vm1 =	vle.s32 v7, v4  }
0xed: {  	vm2 =	vgt.s32 v5, v3;
	vm0 =	vmand vm0, vm1  }
0xee: {  	vm0 =	vmor vm2, vm0  }
0xef: {  	v5 =	vsel vm0, $0x1, v1  }
0xf0: {  	(xrf0) =	vadd.scan.msk.s32 $0xffff, v5;
	_ =	sdelay $0x5  }
0xf1: {  	v5, _, _ =	vpop (xrf0)  }
0xf2: {  	(v2sf) =	vpush v5, $0xF  }
0xf3: {  	(v2sf) =	vpush v6, $0xF;
	_ =	sdelay $0x5  }
0xf4: {  	v6 =	vmov s15  }
0xf5: {  	v6 =	vadd.s32 $0xFFFFFFFF, v6  }
0xf6: {  	v6 =	vbroadcast v6, $0x0;
	_ =	sdelay $0x1  }
0xf7: {  	v5 =	vadd.s32 v5, v6  }
0xf8: {  	p0 =	sne.s32 s16, $0xC340;
	v5 =	vsel vm0, v5, v2  }
.Ltmp3:
0xf9: {  	_ = 	snop;
	(pc) =	sbr.rel @p0 .LBB2_7-.Ltmp3, $4  }
0xfa: {  	_ = 	snop  }
0xfb: {  	s17 =	spop (v2sf)  }
0xfc: {  	s13 =	sadd.s32 $0x10, s13;
	v6 =	vor.u32 s16, v0;
	s31 =	spop (v2sf)  }
0xfd: {  	s16 =	sadd.s32 $0x10, s16;
	[tilespmem:v5+s11+$0x0] =	vst.idx.msk $0xffff, v6;
	s15 =	sadd.s32 s15, s17;
	s14 =	sadd.s32 s14, s31  }
0xfe: {  	s12 =	sadd.s32 $0x1, s12  }
0xff: {  	p0 =	sne.s32 s12, s7  }
.Ltmp4:
0x100: {  	_ = 	snop;
	(pc) =	sbr.rel @p0 .LBB2_2-.Ltmp4, $4  }
0x101: {  	[hbm4b:s5+s2] =	stream.linear.scatter [tilespmem:s11], [sflag:$0x1], $0x1400, $0x38;
	[tilespmem:$0xD900] =	vst v63  }
0x102: {  	_ =	swait.ge [sflag:s9], $0x1400  }
0x103: {  	[sflag:s9] =	ssyncset.done $0x0  }
0x104: {  	[sflag:s9] =	ssyncadd.s32 $0xFFFFEC00  }
.LBB2_9:
0x105: {  	_ =	sfence.sel $0x180000  }
0x106: {  	[bflag:$0x0] =	sbarrier.arrive $0xFFFF  }
0x107: {  	p0 =	sne.s32 s1, $0x0;
	_ =	strace $0x90000047  }
0x108: {  	s0 =	sadd.s32 @!p0 $0x100000, s0;
	[bflag:$0x2] =	sbarrier.arrive $0xFFFF  }
0x109: {  	[sflag:s0] =	ssyncadd.tile.s32 @!p0 $0x1;
	_ =	shalt  }
.Lfunc_end2:
_tile_overlayer_lowered:
.L_overlay_start_2:
0x10a: {  	(tag) =	ssettag $0x2  }
0x10b: {  	s0 =	rddreg [dreg:$0x0];
	s2 =	stileid.u32  }
0x10c: {  	s1 =	rddreg [dreg:$0x1];
	p0 =	sne.s32 s2, $0x0  }
0x10d: {  	s3 =	rddreg [dreg:$0x2];
	[bflag:$0x3] =	sbarrier.arrive $0xFFFF;
	s2 =	simm.s32 @!p0 $0x1C01  }
0x10e: {  	[timem:s3], [sflag:s2] =	dma.local @!p0 [hbm:s0], s1  }
0x10f: {  	s0 =	simm.s32 @!p0 $0x1  }
0x110: {  	_ =	swait.ge @!p0 [sflag:s0], s1  }
0x111: {  	s1 =	ssub.s32 @!p0 $0x0, s1;
	[sflag:s0] =	ssyncset.done @!p0 $0x0  }
0x112: {  	[sflag:s0] =	ssyncadd.s32 @!p0 s1  }
0x113: {  	[bflag:$0x3] =	sbarrier.arrive $0xFFFF  }
0x114: {  	_ =	shalt  }

</sc_bundles>
